<compile_context>
chip_gen: v7x
topology: tpu7x:2x2x1
jax: 0.10.2.dev20260603
libtpu: 0.0.44.dev20260713+nightly
codegen_flags: <defaults>
</compile_context>

<pallas_src>
import functools

import jax
import jax.numpy as jnp
from jax import lax
from jax.experimental import pallas as pl
from jax.experimental.pallas import tpu as pltpu
from jax.experimental.pallas import tpu_sc as plsc

N = 10000
E = 320000
NC = 2
NS = 16
NW = NC * NS
CHUNK = 128
NCH = 80
EPW = NCH * CHUNK
EPAD = NW * EPW
NPAD = 10240
SL = NPAD // NS
D = 64

_mesh = plsc.VectorSubcoreMesh(core_axis_name="c", subcore_axis_name="s")


@functools.partial(
    pl.kernel, mesh=_mesh,
    compiler_params=pltpu.CompilerParams(use_tc_tiling_on_sc=False),
    out_type=jax.ShapeDtypeStruct((NC, NPAD), jnp.float32),
    scratch_types=[
        pltpu.VMEM((NCH, CHUNK), jnp.int32),
        pltpu.VMEM((CHUNK,), jnp.float32),
        pltpu.VMEM_SHARED((NPAD,), jnp.float32),
    ],
)
def _deg_kernel(dst_hbm, ones_hbm, zeros_hbm, out_hbm, idx_v, ones_v, acc_sh):
    cid = lax.axis_index("c")
    sid = lax.axis_index("s")
    wid = sid * NC + cid
    pltpu.sync_copy(zeros_hbm.at[pl.ds(sid * SL, SL)], acc_sh.at[pl.ds(sid * SL, SL)])
    pltpu.sync_copy(ones_hbm, ones_v)
    pltpu.sync_copy(dst_hbm.at[wid], idx_v)
    plsc.subcore_barrier()

    def body(j, carry):
        pltpu.sync_copy(ones_v, acc_sh.at[idx_v.at[j]], add=True)
        return carry

    lax.fori_loop(0, NCH, body, 0)
    plsc.subcore_barrier()
    pltpu.sync_copy(acc_sh.at[pl.ds(sid * SL, SL)], out_hbm.at[cid, pl.ds(sid * SL, SL)])


U = 4


def _make_scatter(num_tables):
    out_struct = jax.ShapeDtypeStruct((NC, NPAD, D), jnp.float32)

    @functools.partial(
        pl.kernel, mesh=_mesh,
        compiler_params=pltpu.CompilerParams(use_tc_tiling_on_sc=False),
        out_type=[out_struct] * num_tables,
        scratch_types=[
            pltpu.VMEM((NCH, CHUNK), jnp.int32),
            pltpu.VMEM((NCH, CHUNK), jnp.int32),
        ] + [pltpu.VMEM((CHUNK, D), jnp.float32)] * U
          + [pltpu.VMEM_SHARED((NPAD, D), jnp.float32)]
          + [pltpu.SemaphoreType.DMA] * (2 * U),
    )
    def _scatter_kernel(*args):
        tables = args[:num_tables]
        src_hbm, dst_hbm, zeros_hbm = args[num_tables:num_tables + 3]
        outs = args[num_tables + 3:2 * num_tables + 3]
        rest = args[2 * num_tables + 3:]
        srcv, dstv = rest[0], rest[1]
        rows = rest[2:2 + U]
        acc_sh = rest[2 + U]
        gsem = rest[3 + U:3 + 2 * U]
        ssem = rest[3 + 2 * U:3 + 3 * U]
        cid = lax.axis_index("c")
        sid = lax.axis_index("s")
        wid = sid * NC + cid
        sl = pl.ds(sid * SL, SL)
        pltpu.sync_copy(src_hbm.at[wid], srcv)
        pltpu.sync_copy(dst_hbm.at[wid], dstv)
        for g_hbm, out_hbm in zip(tables, outs):
            pltpu.sync_copy(zeros_hbm.at[sl], acc_sh.at[sl])
            plsc.subcore_barrier()

            for b in range(U):
                pltpu.async_copy(g_hbm.at[srcv.at[b]], rows[b], gsem[b])

            def round_body(r, carry):
                base = U * r
                for b in range(U):
                    pltpu.make_async_copy(
                        g_hbm.at[srcv.at[base + b]], rows[b], gsem[b]).wait()
                    pltpu.async_copy(
                        rows[b], acc_sh.at[dstv.at[base + b]], ssem[b], add=True)
                for b in range(U):
                    pltpu.make_async_copy(
                        rows[b], acc_sh.at[dstv.at[base + b]], ssem[b]).wait()
                    pltpu.async_copy(
                        g_hbm.at[srcv.at[base + U + b]], rows[b], gsem[b])
                return carry

            lax.fori_loop(0, NCH // U - 1, round_body, 0)

            base = NCH - U
            for b in range(U):
                pltpu.make_async_copy(
                    g_hbm.at[srcv.at[base + b]], rows[b], gsem[b]).wait()
                pltpu.async_copy(
                    rows[b], acc_sh.at[dstv.at[base + b]], ssem[b], add=True)
            for b in range(U):
                pltpu.make_async_copy(
                    rows[b], acc_sh.at[dstv.at[base + b]], ssem[b]).wait()

            plsc.subcore_barrier()
            pltpu.sync_copy(acc_sh.at[sl], out_hbm.at[cid, sl])

    return _scatter_kernel


_scatter_dual = _make_scatter(2)
_scatter_single = _make_scatter(1)


BN = 1000


def _mm_scale_body(x_ref, w_ref, d0_ref, d1_ref, outa_ref, outb_ref):
    dinv = lax.rsqrt(d0_ref[...] + d1_ref[...] + 1.0)
    h = jnp.dot(x_ref[...], w_ref[...], preferred_element_type=jnp.float32)
    g = h * dinv
    outa_ref[...] = g[:, :D]
    outb_ref[...] = g[:, D:]


def _mm_scale(x, W, d0, d1):
    return pl.pallas_call(
        _mm_scale_body,
        grid=(N // BN,),
        in_specs=[
            pl.BlockSpec((BN, 128), lambda i: (i, 0)),
            pl.BlockSpec((128, 128), lambda i: (0, 0)),
            pl.BlockSpec((BN, 1), lambda i: (i, 0)),
            pl.BlockSpec((BN, 1), lambda i: (i, 0)),
        ],
        out_specs=[
            pl.BlockSpec((BN, D), lambda i: (i, 0)),
            pl.BlockSpec((BN, D), lambda i: (i, 0)),
        ],
        out_shape=[
            jax.ShapeDtypeStruct((N, D), jnp.float32),
            jax.ShapeDtypeStruct((N, D), jnp.float32),
        ],
    )(x, W, d0, d1)


def _layer2_body(aa0_ref, aa1_ref, ab0_ref, ab1_ref, ga_ref, gb_ref,
                 d0_ref, d1_ref, b1_ref, w2_ref, out_ref):
    dinv = lax.rsqrt(d0_ref[...] + d1_ref[...] + 1.0)
    b1 = b1_ref[...]
    h1a = jnp.maximum(dinv * (aa0_ref[...] + aa1_ref[...] + ga_ref[...]) + b1[:, :D], 0.0)
    h1b = jnp.maximum(dinv * (ab0_ref[...] + ab1_ref[...] + gb_ref[...]) + b1[:, D:], 0.0)
    w2 = w2_ref[...]
    h2 = (jnp.dot(h1a, w2[:D], preferred_element_type=jnp.float32)
          + jnp.dot(h1b, w2[D:], preferred_element_type=jnp.float32))
    out_ref[...] = dinv * h2


def _layer2(aa0, aa1, ab0, ab1, ga, gb, d0, d1, b1r, W2):
    return pl.pallas_call(
        _layer2_body,
        grid=(N // BN,),
        in_specs=[
            pl.BlockSpec((BN, D), lambda i: (i, 0)),
            pl.BlockSpec((BN, D), lambda i: (i, 0)),
            pl.BlockSpec((BN, D), lambda i: (i, 0)),
            pl.BlockSpec((BN, D), lambda i: (i, 0)),
            pl.BlockSpec((BN, D), lambda i: (i, 0)),
            pl.BlockSpec((BN, D), lambda i: (i, 0)),
            pl.BlockSpec((BN, 1), lambda i: (i, 0)),
            pl.BlockSpec((BN, 1), lambda i: (i, 0)),
            pl.BlockSpec((1, 128), lambda i: (0, 0)),
            pl.BlockSpec((128, 64), lambda i: (0, 0)),
        ],
        out_specs=pl.BlockSpec((BN, 64), lambda i: (i, 0)),
        out_shape=jax.ShapeDtypeStruct((N, 64), jnp.float32),
    )(aa0, aa1, ab0, ab1, ga, gb, d0, d1, b1r, W2)


_M = float(N * 2)


def _head_body(a0_ref, a1_ref, g2_ref, d0_ref, d1_ref, b2_ref,
               fc1w_ref, fc1b_ref, fc2w_ref, fc2b_ref,
               assign_ref, var_ref, acc_ref):
    i = pl.program_id(0)

    @pl.when(i == 0)
    def _():
        acc_ref[0] = 0.0
        acc_ref[1] = 0.0

    dinv = lax.rsqrt(d0_ref[...] + d1_ref[...] + 1.0)
    h2 = dinv * (a0_ref[...] + a1_ref[...] + g2_ref[...]) + b2_ref[...]
    a1 = jnp.tanh(jnp.dot(h2, fc1w_ref[...], preferred_element_type=jnp.float32)
                  + fc1b_ref[...])
    logits = jnp.dot(a1, fc2w_ref[...], preferred_element_type=jnp.float32) + fc2b_ref[...]
    m = jnp.max(logits, axis=1, keepdims=True)
    e = jnp.exp(logits - m)
    assign = e / jnp.sum(e, axis=1, keepdims=True)
    assign_ref[...] = assign
    c = assign - 0.5
    acc_ref[0] += jnp.sum(c)
    acc_ref[1] += jnp.sum(c * c)

    @pl.when(i == pl.num_programs(0) - 1)
    def _():
        s = acc_ref[0]
        q = acc_ref[1]
        v = (q - s * s / _M) / (_M - 1.0)
        var_ref[...] = jnp.broadcast_to(v, (1, 1))


def _head(a0, a1, g2, d0, d1, b2r, fc1_W, fc1_br, fc2_W, fc2_br):
    return pl.pallas_call(
        _head_body,
        grid=(N // BN,),
        in_specs=[
            pl.BlockSpec((BN, 64), lambda i: (i, 0)),
            pl.BlockSpec((BN, 64), lambda i: (i, 0)),
            pl.BlockSpec((BN, 64), lambda i: (i, 0)),
            pl.BlockSpec((BN, 1), lambda i: (i, 0)),
            pl.BlockSpec((BN, 1), lambda i: (i, 0)),
            pl.BlockSpec((1, 64), lambda i: (0, 0)),
            pl.BlockSpec((64, 32), lambda i: (0, 0)),
            pl.BlockSpec((1, 32), lambda i: (0, 0)),
            pl.BlockSpec((32, 2), lambda i: (0, 0)),
            pl.BlockSpec((1, 2), lambda i: (0, 0)),
        ],
        out_specs=[
            pl.BlockSpec((BN, 2), lambda i: (i, 0)),
            pl.BlockSpec((1, 1), lambda i: (0, 0)),
        ],
        out_shape=[
            jax.ShapeDtypeStruct((N, 2), jnp.float32),
            jax.ShapeDtypeStruct((1, 1), jnp.float32),
        ],
        scratch_shapes=[pltpu.SMEM((2,), jnp.float32)],
    )(a0, a1, g2, d0, d1, b2r, fc1_W, fc1_br, fc2_W, fc2_br)


def kernel(x, edge_index, W1, b1, W2, b2, fc1_W, fc1_b, fc2_W, fc2_b):
    pad = EPAD - E
    src_p = jnp.concatenate(
        [edge_index[0], jnp.zeros((pad,), jnp.int32)]).reshape(NW, NCH, CHUNK)
    pad_dst = N + (jnp.arange(pad, dtype=jnp.int32) % (NPAD - N))
    dst_p = jnp.concatenate([edge_index[1], pad_dst]).reshape(NW, NCH, CHUNK)

    ones_c = jnp.ones((CHUNK,), jnp.float32)
    zeros_d = jnp.zeros((NPAD,), jnp.float32)
    zeros_64 = jnp.zeros((NPAD, D), jnp.float32)

    deg_parts = _deg_kernel(dst_p, ones_c, zeros_d)
    d0 = deg_parts[0, :N, None]
    d1 = deg_parts[1, :N, None]

    g1a, g1b = _mm_scale(x, W1, d0, d1)
    acc_a, acc_b = _scatter_dual(g1a, g1b, src_p, dst_p, zeros_64)
    g2 = _layer2(acc_a[0, :N], acc_a[1, :N], acc_b[0, :N], acc_b[1, :N],
                 g1a, g1b, d0, d1, b1[None, :], W2)
    acc2, = _scatter_single(g2, src_p, dst_p, zeros_64)
    assign, var = _head(acc2[0, :N], acc2[1, :N], g2, d0, d1, b2[None, :],
                        fc1_W, fc1_b[None, :], fc2_W, fc2_b[None, :])
    return assign, var[0, 0]

# --- scband reference (transcript-rebuilt; emitter-appended) ---
"""Pipeline reference for scband-gib-16423954940082 (READ-ONLY COPY).

The authoritative reference and input builder live on the scoring server;
editing this copy changes nothing except your own understanding.
"""

import jax, jax.numpy as jnp
import numpy as np

N = 10000
E = 320000
D_IN = 128
D_G1 = 128
D_G2 = 64
D_F1 = 32
D_F2 = 2


def setup_inputs(seed: int = 0) -> dict:
    key = jax.random.key(seed)
    ks = jax.random.split(key, 12)
    x = jax.random.normal(ks[0], (N, D_IN), dtype=jnp.float32)
    edge_index = jax.random.randint(ks[1], (2, E), 0, N, dtype=jnp.int32)
    W1 = jax.random.normal(ks[2], (D_IN, D_G1), dtype=jnp.float32) * 0.05
    b1 = jnp.zeros((D_G1,), dtype=jnp.float32)
    W2 = jax.random.normal(ks[3], (D_G1, D_G2), dtype=jnp.float32) * 0.05
    b2 = jnp.zeros((D_G2,), dtype=jnp.float32)
    fc1_W = jax.random.normal(ks[4], (D_G2, D_F1), dtype=jnp.float32) * 0.05
    fc1_b = jnp.zeros((D_F1,), dtype=jnp.float32)
    fc2_W = jax.random.normal(ks[5], (D_F1, D_F2), dtype=jnp.float32) * 0.05
    fc2_b = jnp.zeros((D_F2,), dtype=jnp.float32)
    return {"x": x, "edge_index": edge_index, "W1": W1, "b1": b1, "W2": W2, "b2": b2,
            "fc1_W": fc1_W, "fc1_b": fc1_b, "fc2_W": fc2_W, "fc2_b": fc2_b}


def gcn_conv(x, src, dst, W, b, n):
    # PyG GCNConv: add self loops, symmetric degree normalization, then aggregate
    h = x @ W
    loop = jnp.arange(n, dtype=src.dtype)
    src2 = jnp.concatenate([src, loop])
    dst2 = jnp.concatenate([dst, loop])
    deg = jnp.zeros((n,), dtype=h.dtype).at[dst2].add(1.0)
    dinv = 1.0 / jnp.sqrt(jnp.clip(deg, 1.0))
    norm = dinv[src2] * dinv[dst2]
    msg = h[src2] * norm[:, None]
    out = jax.ops.segment_sum(msg, dst2, num_segments=n)
    return out + b


def reference(x, edge_index, W1, b1, W2, b2, fc1_W, fc1_b, fc2_W, fc2_b):
    src = edge_index[0]
    dst = edge_index[1]
    h1 = jax.nn.relu(gcn_conv(x, src, dst, W1, b1, N))
    h2 = gcn_conv(h1, src, dst, W2, b2, N)
    a1 = jnp.tanh(h2 @ fc1_W + fc1_b)
    assignment = jax.nn.softmax(a1 @ fc2_W + fc2_b, axis=1)
    pos_penalty = jnp.var(assignment, ddof=1)  # torch .var() uses unbiased estimator
    return assignment, pos_penalty

if __name__ == "__main__":
    import jax
    _d = setup_inputs()
    print(jax.jit(kernel)(*tuple(_d.values())))

</pallas_src>

<mosaic_0001>
#map = affine_map<(d0, d1) -> (0, 0)>
#map1 = affine_map<(d0, d1) -> (0, 0, 0)>
module attributes {stable_mosaic.version = 14 : i64} {
  func.func @_scatter_kernel(%arg0: i32, %arg1: i32, %arg2: memref<10000x64xf32, #tpu.memory_space<hbm>>, %arg3: memref<32x80x128xi32, #tpu.memory_space<hbm>>, %arg4: memref<32x80x128xi32, #tpu.memory_space<hbm>>, %arg5: memref<10240x64xf32, #tpu.memory_space<hbm>>, %arg6: memref<2x10240x64xf32, #tpu.memory_space<hbm>>, %arg7: memref<80x128xi32, #tpu.memory_space<vmem>>, %arg8: memref<80x128xi32, #tpu.memory_space<vmem>>, %arg9: memref<128x64xf32, #tpu.memory_space<vmem>>, %arg10: memref<128x64xf32, #tpu.memory_space<vmem>>, %arg11: memref<128x64xf32, #tpu.memory_space<vmem>>, %arg12: memref<128x64xf32, #tpu.memory_space<vmem>>, %arg13: memref<10240x64xf32, #tpu.memory_space<vmem_shared>>, %arg14: memref<!tpu.dma_semaphore, #tpu.memory_space<semaphore_mem>>, %arg15: memref<!tpu.dma_semaphore, #tpu.memory_space<semaphore_mem>>, %arg16: memref<!tpu.dma_semaphore, #tpu.memory_space<semaphore_mem>>, %arg17: memref<!tpu.dma_semaphore, #tpu.memory_space<semaphore_mem>>, %arg18: memref<!tpu.dma_semaphore, #tpu.memory_space<semaphore_mem>>, %arg19: memref<!tpu.dma_semaphore, #tpu.memory_space<semaphore_mem>>, %arg20: memref<!tpu.dma_semaphore, #tpu.memory_space<semaphore_mem>>, %arg21: memref<!tpu.dma_semaphore, #tpu.memory_space<semaphore_mem>>) attributes {dimension_semantics = [#tpu.dimension_semantics<core_parallel>, #tpu.dimension_semantics<subcore_parallel>], iteration_bounds = array<i64: 2, 16>, scalar_prefetch = 0 : i64, scratch_operands = 15 : i64, tpu.core_type = #tpu.core_type<sc_vector_subcore>, window_params = [{transform_indices = #map}, {transform_indices = #map1}, {transform_indices = #map1}, {transform_indices = #map}, {transform_indices = #map1}]} {
    %mul3A = arith.constant 2 : i32
    %mul3A_0 = arith.muli %arg1, %mul3A : i32
    %add3A = arith.addi %mul3A_0, %arg0 : i32
    %mul3A_1 = arith.constant 640 : i32
    %mul3A_2 = arith.muli %arg1, %mul3A_1 : i32
    "tpu.region"() ({
      %run_scoped3A = tpu.sem_alloc : memref<!tpu.dma_semaphore, #tpu.memory_space<semaphore_mem>>
      %dma_start3A_119 = arith.constant 0 : i32
      %dma_start3A_120 = arith.constant 0 : i32
      %dma_start3A_121 = tpu.memref_slice %arg3[%add3A, %dma_start3A_119, %dma_start3A_120] : memref<32x80x128xi32, #tpu.memory_space<hbm>> -> memref<1x80x128xi32, #tpu.memory_space<hbm>>
      %dma_start3A_122 = tpu.memref_squeeze %dma_start3A_121 : memref<1x80x128xi32, #tpu.memory_space<hbm>> -> memref<80x128xi32, #tpu.memory_space<hbm>>
      %dma_start3A_123 = arith.constant 0 : i32
      %dma_start3A_124 = arith.constant 0 : i32
      %dma_start3A_125 = tpu.memref_slice %arg3[%add3A, %dma_start3A_123, %dma_start3A_124] : memref<32x80x128xi32, #tpu.memory_space<hbm>> -> memref<1x80x128xi32, #tpu.memory_space<hbm>>
      %dma_start3A_126 = tpu.memref_squeeze %dma_start3A_125 : memref<1x80x128xi32, #tpu.memory_space<hbm>> -> memref<80x128xi32, #tpu.memory_space<hbm>>
      tpu.enqueue_dma source(%dma_start3A_126 : memref<80x128xi32, #tpu.memory_space<hbm>>) target(%arg7 : memref<80x128xi32, #tpu.memory_space<vmem>>) target_semaphore(%run_scoped3A : memref<!tpu.dma_semaphore, #tpu.memory_space<semaphore_mem>>)
      %dma_wait3A_127 = arith.constant 0 : i32
      %dma_wait3A_128 = arith.constant 0 : i32
      %dma_wait3A_129 = tpu.memref_slice %arg3[%add3A, %dma_wait3A_127, %dma_wait3A_128] : memref<32x80x128xi32, #tpu.memory_space<hbm>> -> memref<1x80x128xi32, #tpu.memory_space<hbm>>
      %dma_wait3A_130 = tpu.memref_squeeze %dma_wait3A_129 : memref<1x80x128xi32, #tpu.memory_space<hbm>> -> memref<80x128xi32, #tpu.memory_space<hbm>>
      %dma_wait3A_131 = arith.constant 0 : i32
      %dma_wait3A_132 = arith.constant 0 : i32
      %dma_wait3A_133 = tpu.memref_slice %arg3[%add3A, %dma_wait3A_131, %dma_wait3A_132] : memref<32x80x128xi32, #tpu.memory_space<hbm>> -> memref<1x80x128xi32, #tpu.memory_space<hbm>>
      %dma_wait3A_134 = tpu.memref_squeeze %dma_wait3A_133 : memref<1x80x128xi32, #tpu.memory_space<hbm>> -> memref<80x128xi32, #tpu.memory_space<hbm>>
      tpu.wait_dma2 semaphore(%run_scoped3A : memref<!tpu.dma_semaphore, #tpu.memory_space<semaphore_mem>>) src(%dma_wait3A_134 : memref<80x128xi32, #tpu.memory_space<hbm>>) dst(%arg7 : memref<80x128xi32, #tpu.memory_space<vmem>>)
      tpu.yield
    }) : () -> ()
    "tpu.region"() ({
      %run_scoped3A = tpu.sem_alloc : memref<!tpu.dma_semaphore, #tpu.memory_space<semaphore_mem>>
      %dma_start3A_119 = arith.constant 0 : i32
      %dma_start3A_120 = arith.constant 0 : i32
      %dma_start3A_121 = tpu.memref_slice %arg4[%add3A, %dma_start3A_119, %dma_start3A_120] : memref<32x80x128xi32, #tpu.memory_space<hbm>> -> memref<1x80x128xi32, #tpu.memory_space<hbm>>
      %dma_start3A_122 = tpu.memref_squeeze %dma_start3A_121 : memref<1x80x128xi32, #tpu.memory_space<hbm>> -> memref<80x128xi32, #tpu.memory_space<hbm>>
      %dma_start3A_123 = arith.constant 0 : i32
      %dma_start3A_124 = arith.constant 0 : i32
      %dma_start3A_125 = tpu.memref_slice %arg4[%add3A, %dma_start3A_123, %dma_start3A_124] : memref<32x80x128xi32, #tpu.memory_space<hbm>> -> memref<1x80x128xi32, #tpu.memory_space<hbm>>
      %dma_start3A_126 = tpu.memref_squeeze %dma_start3A_125 : memref<1x80x128xi32, #tpu.memory_space<hbm>> -> memref<80x128xi32, #tpu.memory_space<hbm>>
      tpu.enqueue_dma source(%dma_start3A_126 : memref<80x128xi32, #tpu.memory_space<hbm>>) target(%arg8 : memref<80x128xi32, #tpu.memory_space<vmem>>) target_semaphore(%run_scoped3A : memref<!tpu.dma_semaphore, #tpu.memory_space<semaphore_mem>>)
      %dma_wait3A_127 = arith.constant 0 : i32
      %dma_wait3A_128 = arith.constant 0 : i32
      %dma_wait3A_129 = tpu.memref_slice %arg4[%add3A, %dma_wait3A_127, %dma_wait3A_128] : memref<32x80x128xi32, #tpu.memory_space<hbm>> -> memref<1x80x128xi32, #tpu.memory_space<hbm>>
      %dma_wait3A_130 = tpu.memref_squeeze %dma_wait3A_129 : memref<1x80x128xi32, #tpu.memory_space<hbm>> -> memref<80x128xi32, #tpu.memory_space<hbm>>
      %dma_wait3A_131 = arith.constant 0 : i32
      %dma_wait3A_132 = arith.constant 0 : i32
      %dma_wait3A_133 = tpu.memref_slice %arg4[%add3A, %dma_wait3A_131, %dma_wait3A_132] : memref<32x80x128xi32, #tpu.memory_space<hbm>> -> memref<1x80x128xi32, #tpu.memory_space<hbm>>
      %dma_wait3A_134 = tpu.memref_squeeze %dma_wait3A_133 : memref<1x80x128xi32, #tpu.memory_space<hbm>> -> memref<80x128xi32, #tpu.memory_space<hbm>>
      tpu.wait_dma2 semaphore(%run_scoped3A : memref<!tpu.dma_semaphore, #tpu.memory_space<semaphore_mem>>) src(%dma_wait3A_134 : memref<80x128xi32, #tpu.memory_space<hbm>>) dst(%arg8 : memref<80x128xi32, #tpu.memory_space<vmem>>)
      tpu.yield
    }) : () -> ()
    "tpu.region"() ({
      %run_scoped3A = tpu.sem_alloc : memref<!tpu.dma_semaphore, #tpu.memory_space<semaphore_mem>>
      %dma_start3A_119 = arith.constant 0 : i32
      %dma_start3A_120 = tpu.memref_slice %arg13[%mul3A_2, %dma_start3A_119] : memref<10240x64xf32, #tpu.memory_space<vmem_shared>> -> memref<640x64xf32, #tpu.memory_space<vmem_shared>>
      %dma_start3A_121 = arith.constant 0 : i32
      %dma_start3A_122 = tpu.memref_slice %arg5[%mul3A_2, %dma_start3A_121] : memref<10240x64xf32, #tpu.memory_space<hbm>> -> memref<640x64xf32, #tpu.memory_space<hbm>>
      tpu.enqueue_dma source(%dma_start3A_122 : memref<640x64xf32, #tpu.memory_space<hbm>>) target(%dma_start3A_120 : memref<640x64xf32, #tpu.memory_space<vmem_shared>>) target_semaphore(%run_scoped3A : memref<!tpu.dma_semaphore, #tpu.memory_space<semaphore_mem>>)
      %dma_wait3A_123 = arith.constant 0 : i32
      %dma_wait3A_124 = tpu.memref_slice %arg13[%mul3A_2, %dma_wait3A_123] : memref<10240x64xf32, #tpu.memory_space<vmem_shared>> -> memref<640x64xf32, #tpu.memory_space<vmem_shared>>
      %dma_wait3A_125 = arith.constant 0 : i32
      %dma_wait3A_126 = tpu.memref_slice %arg5[%mul3A_2, %dma_wait3A_125] : memref<10240x64xf32, #tpu.memory_space<hbm>> -> memref<640x64xf32, #tpu.memory_space<hbm>>
      tpu.wait_dma2 semaphore(%run_scoped3A : memref<!tpu.dma_semaphore, #tpu.memory_space<semaphore_mem>>) src(%dma_wait3A_126 : memref<640x64xf32, #tpu.memory_space<hbm>>) dst(%dma_wait3A_124 : memref<640x64xf32, #tpu.memory_space<vmem_shared>>)
      tpu.yield
    }) : () -> ()
    %barrier3A = arith.constant 0 : index
    tpu.barrier barrier_id(%barrier3A)
    %dma_start3A = arith.constant 0 : i32
    %dma_start3A_3 = arith.constant 0 : i32
    %dma_start3A_4 = tpu.memref_slice %arg7[%dma_start3A, %dma_start3A_3] : memref<80x128xi32, #tpu.memory_space<vmem>> -> memref<1x128xi32, #tpu.memory_space<vmem>>
    %dma_start3A_5 = tpu.memref_squeeze %dma_start3A_4 : memref<1x128xi32, #tpu.memory_space<vmem>> -> memref<128xi32, #tpu.memory_space<vmem>>
    %dma_start3A_6 = arith.constant 0 : i32
    %dma_start3A_7 = arith.constant 0 : i32
    %dma_start3A_8 = tpu.memref_slice %arg2[%dma_start3A_6, %dma_start3A_7] : memref<10000x64xf32, #tpu.memory_space<hbm>> -> memref<10000x64xf32, #tpu.memory_space<hbm>>
    tpu.enqueue_indirect_dma source(%dma_start3A_8 : memref<10000x64xf32, #tpu.memory_space<hbm>>) target(%arg9 : memref<128x64xf32, #tpu.memory_space<vmem>>) offsets(%dma_start3A_5 : memref<128xi32, #tpu.memory_space<vmem>>) semaphore(%arg14 : memref<!tpu.dma_semaphore, #tpu.memory_space<semaphore_mem>>)
    %dma_start3A_9 = arith.constant 1 : i32
    %dma_start3A_10 = arith.constant 0 : i32
    %dma_start3A_11 = tpu.memref_slice %arg7[%dma_start3A_9, %dma_start3A_10] : memref<80x128xi32, #tpu.memory_space<vmem>> -> memref<1x128xi32, #tpu.memory_space<vmem>>
    %dma_start3A_12 = tpu.memref_squeeze %dma_start3A_11 : memref<1x128xi32, #tpu.memory_space<vmem>> -> memref<128xi32, #tpu.memory_space<vmem>>
    %dma_start3A_13 = arith.constant 0 : i32
    %dma_start3A_14 = arith.constant 0 : i32
    %dma_start3A_15 = tpu.memref_slice %arg2[%dma_start3A_13, %dma_start3A_14] : memref<10000x64xf32, #tpu.memory_space<hbm>> -> memref<10000x64xf32, #tpu.memory_space<hbm>>
    tpu.enqueue_indirect_dma source(%dma_start3A_15 : memref<10000x64xf32, #tpu.memory_space<hbm>>) target(%arg10 : memref<128x64xf32, #tpu.memory_space<vmem>>) offsets(%dma_start3A_12 : memref<128xi32, #tpu.memory_space<vmem>>) semaphore(%arg15 : memref<!tpu.dma_semaphore, #tpu.memory_space<semaphore_mem>>)
    %dma_start3A_16 = arith.constant 2 : i32
    %dma_start3A_17 = arith.constant 0 : i32
    %dma_start3A_18 = tpu.memref_slice %arg7[%dma_start3A_16, %dma_start3A_17] : memref<80x128xi32, #tpu.memory_space<vmem>> -> memref<1x128xi32, #tpu.memory_space<vmem>>
    %dma_start3A_19 = tpu.memref_squeeze %dma_start3A_18 : memref<1x128xi32, #tpu.memory_space<vmem>> -> memref<128xi32, #tpu.memory_space<vmem>>
    %dma_start3A_20 = arith.constant 0 : i32
    %dma_start3A_21 = arith.constant 0 : i32
    %dma_start3A_22 = tpu.memref_slice %arg2[%dma_start3A_20, %dma_start3A_21] : memref<10000x64xf32, #tpu.memory_space<hbm>> -> memref<10000x64xf32, #tpu.memory_space<hbm>>
    tpu.enqueue_indirect_dma source(%dma_start3A_22 : memref<10000x64xf32, #tpu.memory_space<hbm>>) target(%arg11 : memref<128x64xf32, #tpu.memory_space<vmem>>) offsets(%dma_start3A_19 : memref<128xi32, #tpu.memory_space<vmem>>) semaphore(%arg16 : memref<!tpu.dma_semaphore, #tpu.memory_space<semaphore_mem>>)
    %dma_start3A_23 = arith.constant 3 : i32
    %dma_start3A_24 = arith.constant 0 : i32
    %dma_start3A_25 = tpu.memref_slice %arg7[%dma_start3A_23, %dma_start3A_24] : memref<80x128xi32, #tpu.memory_space<vmem>> -> memref<1x128xi32, #tpu.memory_space<vmem>>
    %dma_start3A_26 = tpu.memref_squeeze %dma_start3A_25 : memref<1x128xi32, #tpu.memory_space<vmem>> -> memref<128xi32, #tpu.memory_space<vmem>>
    %dma_start3A_27 = arith.constant 0 : i32
    %dma_start3A_28 = arith.constant 0 : i32
    %dma_start3A_29 = tpu.memref_slice %arg2[%dma_start3A_27, %dma_start3A_28] : memref<10000x64xf32, #tpu.memory_space<hbm>> -> memref<10000x64xf32, #tpu.memory_space<hbm>>
    tpu.enqueue_indirect_dma source(%dma_start3A_29 : memref<10000x64xf32, #tpu.memory_space<hbm>>) target(%arg12 : memref<128x64xf32, #tpu.memory_space<vmem>>) offsets(%dma_start3A_26 : memref<128xi32, #tpu.memory_space<vmem>>) semaphore(%arg17 : memref<!tpu.dma_semaphore, #tpu.memory_space<semaphore_mem>>)
    %scan3A = arith.constant 0 : i32
    %scan3A_30 = arith.constant 0 : i32
    %scan3A_31 = arith.constant 19 : i32
    %scan3A_32 = arith.addi %scan3A_30, %scan3A_31 : i32
    %scan3A_33 = arith.constant 1 : i32
    scf.for %scan3A_119 = %scan3A_30 to %scan3A_32 step %scan3A_33  : i32 {
      %mul3A_120 = arith.constant 4 : i32
      %mul3A_121 = arith.muli %mul3A_120, %scan3A_119 : i32
      %add3A_122 = arith.constant 0 : i32
      %add3A_123 = arith.addi %mul3A_121, %add3A_122 : i32
      %dma_wait3A_124 = arith.constant 0 : i32
      %dma_wait3A_125 = tpu.memref_slice %arg7[%add3A_123, %dma_wait3A_124] : memref<80x128xi32, #tpu.memory_space<vmem>> -> memref<1x128xi32, #tpu.memory_space<vmem>>
      %dma_wait3A_126 = tpu.memref_squeeze %dma_wait3A_125 : memref<1x128xi32, #tpu.memory_space<vmem>> -> memref<128xi32, #tpu.memory_space<vmem>>
      %dma_wait3A_127 = arith.constant 0 : i32
      %dma_wait3A_128 = arith.constant 0 : i32
      %dma_wait3A_129 = tpu.memref_slice %arg2[%dma_wait3A_127, %dma_wait3A_128] : memref<10000x64xf32, #tpu.memory_space<hbm>> -> memref<10000x64xf32, #tpu.memory_space<hbm>>
      tpu.wait_indirect_dma semaphore(%arg14 : memref<!tpu.dma_semaphore, #tpu.memory_space<semaphore_mem>>) src(%dma_wait3A_129 : memref<10000x64xf32, #tpu.memory_space<hbm>>) dst(%arg9 : memref<128x64xf32, #tpu.memory_space<vmem>>)
      %add3A_130 = arith.constant 0 : i32
      %add3A_131 = arith.addi %mul3A_121, %add3A_130 : i32
      %dma_start3A_132 = arith.constant 0 : i32
      %dma_start3A_133 = tpu.memref_slice %arg8[%add3A_131, %dma_start3A_132] : memref<80x128xi32, #tpu.memory_space<vmem>> -> memref<1x128xi32, #tpu.memory_space<vmem>>
      %dma_start3A_134 = tpu.memref_squeeze %dma_start3A_133 : memref<1x128xi32, #tpu.memory_space<vmem>> -> memref<128xi32, #tpu.memory_space<vmem>>
      %dma_start3A_135 = arith.constant 0 : i32
      %dma_start3A_136 = arith.constant 0 : i32
      %dma_start3A_137 = tpu.memref_slice %arg13[%dma_start3A_135, %dma_start3A_136] : memref<10240x64xf32, #tpu.memory_space<vmem_shared>> -> memref<10240x64xf32, #tpu.memory_space<vmem_shared>>
      tpu.enqueue_indirect_dma source(%arg9 : memref<128x64xf32, #tpu.memory_space<vmem>>) target(%dma_start3A_137 : memref<10240x64xf32, #tpu.memory_space<vmem_shared>>) offsets(%dma_start3A_134 : memref<128xi32, #tpu.memory_space<vmem>>) semaphore(%arg18 : memref<!tpu.dma_semaphore, #tpu.memory_space<semaphore_mem>>) {add = true}
      %add3A_138 = arith.constant 1 : i32
      %add3A_139 = arith.addi %mul3A_121, %add3A_138 : i32
      %dma_wait3A_140 = arith.constant 0 : i32
      %dma_wait3A_141 = tpu.memref_slice %arg7[%add3A_139, %dma_wait3A_140] : memref<80x128xi32, #tpu.memory_space<vmem>> -> memref<1x128xi32, #tpu.memory_space<vmem>>
      %dma_wait3A_142 = tpu.memref_squeeze %dma_wait3A_141 : memref<1x128xi32, #tpu.memory_space<vmem>> -> memref<128xi32, #tpu.memory_space<vmem>>
      %dma_wait3A_143 = arith.constant 0 : i32
      %dma_wait3A_144 = arith.constant 0 : i32
      %dma_wait3A_145 = tpu.memref_slice %arg2[%dma_wait3A_143, %dma_wait3A_144] : memref<10000x64xf32, #tpu.memory_space<hbm>> -> memref<10000x64xf32, #tpu.memory_space<hbm>>
      tpu.wait_indirect_dma semaphore(%arg15 : memref<!tpu.dma_semaphore, #tpu.memory_space<semaphore_mem>>) src(%dma_wait3A_145 : memref<10000x64xf32, #tpu.memory_space<hbm>>) dst(%arg10 : memref<128x64xf32, #tpu.memory_space<vmem>>)
      %add3A_146 = arith.constant 1 : i32
      %add3A_147 = arith.addi %mul3A_121, %add3A_146 : i32
      %dma_start3A_148 = arith.constant 0 : i32
      %dma_start3A_149 = tpu.memref_slice %arg8[%add3A_147, %dma_start3A_148] : memref<80x128xi32, #tpu.memory_space<vmem>> -> memref<1x128xi32, #tpu.memory_space<vmem>>
      %dma_start3A_150 = tpu.memref_squeeze %dma_start3A_149 : memref<1x128xi32, #tpu.memory_space<vmem>> -> memref<128xi32, #tpu.memory_space<vmem>>
      %dma_start3A_151 = arith.constant 0 : i32
      %dma_start3A_152 = arith.constant 0 : i32
      %dma_start3A_153 = tpu.memref_slice %arg13[%dma_start3A_151, %dma_start3A_152] : memref<10240x64xf32, #tpu.memory_space<vmem_shared>> -> memref<10240x64xf32, #tpu.memory_space<vmem_shared>>
      tpu.enqueue_indirect_dma source(%arg10 : memref<128x64xf32, #tpu.memory_space<vmem>>) target(%dma_start3A_153 : memref<10240x64xf32, #tpu.memory_space<vmem_shared>>) offsets(%dma_start3A_150 : memref<128xi32, #tpu.memory_space<vmem>>) semaphore(%arg19 : memref<!tpu.dma_semaphore, #tpu.memory_space<semaphore_mem>>) {add = true}
      %add3A_154 = arith.constant 2 : i32
      %add3A_155 = arith.addi %mul3A_121, %add3A_154 : i32
      %dma_wait3A_156 = arith.constant 0 : i32
      %dma_wait3A_157 = tpu.memref_slice %arg7[%add3A_155, %dma_wait3A_156] : memref<80x128xi32, #tpu.memory_space<vmem>> -> memref<1x128xi32, #tpu.memory_space<vmem>>
      %dma_wait3A_158 = tpu.memref_squeeze %dma_wait3A_157 : memref<1x128xi32, #tpu.memory_space<vmem>> -> memref<128xi32, #tpu.memory_space<vmem>>
      %dma_wait3A_159 = arith.constant 0 : i32
      %dma_wait3A_160 = arith.constant 0 : i32
      %dma_wait3A_161 = tpu.memref_slice %arg2[%dma_wait3A_159, %dma_wait3A_160] : memref<10000x64xf32, #tpu.memory_space<hbm>> -> memref<10000x64xf32, #tpu.memory_space<hbm>>
      tpu.wait_indirect_dma semaphore(%arg16 : memref<!tpu.dma_semaphore, #tpu.memory_space<semaphore_mem>>) src(%dma_wait3A_161 : memref<10000x64xf32, #tpu.memory_space<hbm>>) dst(%arg11 : memref<128x64xf32, #tpu.memory_space<vmem>>)
      %add3A_162 = arith.constant 2 : i32
      %add3A_163 = arith.addi %mul3A_121, %add3A_162 : i32
      %dma_start3A_164 = arith.constant 0 : i32
      %dma_start3A_165 = tpu.memref_slice %arg8[%add3A_163, %dma_start3A_164] : memref<80x128xi32, #tpu.memory_space<vmem>> -> memref<1x128xi32, #tpu.memory_space<vmem>>
      %dma_start3A_166 = tpu.memref_squeeze %dma_start3A_165 : memref<1x128xi32, #tpu.memory_space<vmem>> -> memref<128xi32, #tpu.memory_space<vmem>>
      %dma_start3A_167 = arith.constant 0 : i32
      %dma_start3A_168 = arith.constant 0 : i32
      %dma_start3A_169 = tpu.memref_slice %arg13[%dma_start3A_167, %dma_start3A_168] : memref<10240x64xf32, #tpu.memory_space<vmem_shared>> -> memref<10240x64xf32, #tpu.memory_space<vmem_shared>>
      tpu.enqueue_indirect_dma source(%arg11 : memref<128x64xf32, #tpu.memory_space<vmem>>) target(%dma_start3A_169 : memref<10240x64xf32, #tpu.memory_space<vmem_shared>>) offsets(%dma_start3A_166 : memref<128xi32, #tpu.memory_space<vmem>>) semaphore(%arg20 : memref<!tpu.dma_semaphore, #tpu.memory_space<semaphore_mem>>) {add = true}
      %add3A_170 = arith.constant 3 : i32
      %add3A_171 = arith.addi %mul3A_121, %add3A_170 : i32
      %dma_wait3A_172 = arith.constant 0 : i32
      %dma_wait3A_173 = tpu.memref_slice %arg7[%add3A_171, %dma_wait3A_172] : memref<80x128xi32, #tpu.memory_space<vmem>> -> memref<1x128xi32, #tpu.memory_space<vmem>>
      %dma_wait3A_174 = tpu.memref_squeeze %dma_wait3A_173 : memref<1x128xi32, #tpu.memory_space<vmem>> -> memref<128xi32, #tpu.memory_space<vmem>>
      %dma_wait3A_175 = arith.constant 0 : i32
      %dma_wait3A_176 = arith.constant 0 : i32
      %dma_wait3A_177 = tpu.memref_slice %arg2[%dma_wait3A_175, %dma_wait3A_176] : memref<10000x64xf32, #tpu.memory_space<hbm>> -> memref<10000x64xf32, #tpu.memory_space<hbm>>
      tpu.wait_indirect_dma semaphore(%arg17 : memref<!tpu.dma_semaphore, #tpu.memory_space<semaphore_mem>>) src(%dma_wait3A_177 : memref<10000x64xf32, #tpu.memory_space<hbm>>) dst(%arg12 : memref<128x64xf32, #tpu.memory_space<vmem>>)
      %add3A_178 = arith.constant 3 : i32
      %add3A_179 = arith.addi %mul3A_121, %add3A_178 : i32
      %dma_start3A_180 = arith.constant 0 : i32
      %dma_start3A_181 = tpu.memref_slice %arg8[%add3A_179, %dma_start3A_180] : memref<80x128xi32, #tpu.memory_space<vmem>> -> memref<1x128xi32, #tpu.memory_space<vmem>>
      %dma_start3A_182 = tpu.memref_squeeze %dma_start3A_181 : memref<1x128xi32, #tpu.memory_space<vmem>> -> memref<128xi32, #tpu.memory_space<vmem>>
      %dma_start3A_183 = arith.constant 0 : i32
      %dma_start3A_184 = arith.constant 0 : i32
      %dma_start3A_185 = tpu.memref_slice %arg13[%dma_start3A_183, %dma_start3A_184] : memref<10240x64xf32, #tpu.memory_space<vmem_shared>> -> memref<10240x64xf32, #tpu.memory_space<vmem_shared>>
      tpu.enqueue_indirect_dma source(%arg12 : memref<128x64xf32, #tpu.memory_space<vmem>>) target(%dma_start3A_185 : memref<10240x64xf32, #tpu.memory_space<vmem_shared>>) offsets(%dma_start3A_182 : memref<128xi32, #tpu.memory_space<vmem>>) semaphore(%arg21 : memref<!tpu.dma_semaphore, #tpu.memory_space<semaphore_mem>>) {add = true}
      %add3A_186 = arith.constant 0 : i32
      %add3A_187 = arith.addi %mul3A_121, %add3A_186 : i32
      %dma_wait3A_188 = arith.constant 0 : i32
      %dma_wait3A_189 = tpu.memref_slice %arg8[%add3A_187, %dma_wait3A_188] : memref<80x128xi32, #tpu.memory_space<vmem>> -> memref<1x128xi32, #tpu.memory_space<vmem>>
      %dma_wait3A_190 = tpu.memref_squeeze %dma_wait3A_189 : memref<1x128xi32, #tpu.memory_space<vmem>> -> memref<128xi32, #tpu.memory_space<vmem>>
      %dma_wait3A_191 = arith.constant 0 : i32
      %dma_wait3A_192 = arith.constant 0 : i32
      %dma_wait3A_193 = tpu.memref_slice %arg13[%dma_wait3A_191, %dma_wait3A_192] : memref<10240x64xf32, #tpu.memory_space<vmem_shared>> -> memref<10240x64xf32, #tpu.memory_space<vmem_shared>>
      tpu.wait_indirect_dma semaphore(%arg18 : memref<!tpu.dma_semaphore, #tpu.memory_space<semaphore_mem>>) src(%arg9 : memref<128x64xf32, #tpu.memory_space<vmem>>) dst(%dma_wait3A_193 : memref<10240x64xf32, #tpu.memory_space<vmem_shared>>)
      %add3A_194 = arith.constant 4 : i32
      %add3A_195 = arith.addi %mul3A_121, %add3A_194 : i32
      %add3A_196 = arith.constant 0 : i32
      %add3A_197 = arith.addi %add3A_195, %add3A_196 : i32
      %dma_start3A_198 = arith.constant 0 : i32
      %dma_start3A_199 = tpu.memref_slice %arg7[%add3A_197, %dma_start3A_198] : memref<80x128xi32, #tpu.memory_space<vmem>> -> memref<1x128xi32, #tpu.memory_space<vmem>>
      %dma_start3A_200 = tpu.memref_squeeze %dma_start3A_199 : memref<1x128xi32, #tpu.memory_space<vmem>> -> memref<128xi32, #tpu.memory_space<vmem>>
      %dma_start3A_201 = arith.constant 0 : i32
      %dma_start3A_202 = arith.constant 0 : i32
      %dma_start3A_203 = tpu.memref_slice %arg2[%dma_start3A_201, %dma_start3A_202] : memref<10000x64xf32, #tpu.memory_space<hbm>> -> memref<10000x64xf32, #tpu.memory_space<hbm>>
      tpu.enqueue_indirect_dma source(%dma_start3A_203 : memref<10000x64xf32, #tpu.memory_space<hbm>>) target(%arg9 : memref<128x64xf32, #tpu.memory_space<vmem>>) offsets(%dma_start3A_200 : memref<128xi32, #tpu.memory_space<vmem>>) semaphore(%arg14 : memref<!tpu.dma_semaphore, #tpu.memory_space<semaphore_mem>>)
      %add3A_204 = arith.constant 1 : i32
      %add3A_205 = arith.addi %mul3A_121, %add3A_204 : i32
      %dma_wait3A_206 = arith.constant 0 : i32
      %dma_wait3A_207 = tpu.memref_slice %arg8[%add3A_205, %dma_wait3A_206] : memref<80x128xi32, #tpu.memory_space<vmem>> -> memref<1x128xi32, #tpu.memory_space<vmem>>
      %dma_wait3A_208 = tpu.memref_squeeze %dma_wait3A_207 : memref<1x128xi32, #tpu.memory_space<vmem>> -> memref<128xi32, #tpu.memory_space<vmem>>
      %dma_wait3A_209 = arith.constant 0 : i32
      %dma_wait3A_210 = arith.constant 0 : i32
      %dma_wait3A_211 = tpu.memref_slice %arg13[%dma_wait3A_209, %dma_wait3A_210] : memref<10240x64xf32, #tpu.memory_space<vmem_shared>> -> memref<10240x64xf32, #tpu.memory_space<vmem_shared>>
      tpu.wait_indirect_dma semaphore(%arg19 : memref<!tpu.dma_semaphore, #tpu.memory_space<semaphore_mem>>) src(%arg10 : memref<128x64xf32, #tpu.memory_space<vmem>>) dst(%dma_wait3A_211 : memref<10240x64xf32, #tpu.memory_space<vmem_shared>>)
      %add3A_212 = arith.constant 4 : i32
      %add3A_213 = arith.addi %mul3A_121, %add3A_212 : i32
      %add3A_214 = arith.constant 1 : i32
      %add3A_215 = arith.addi %add3A_213, %add3A_214 : i32
      %dma_start3A_216 = arith.constant 0 : i32
      %dma_start3A_217 = tpu.memref_slice %arg7[%add3A_215, %dma_start3A_216] : memref<80x128xi32, #tpu.memory_space<vmem>> -> memref<1x128xi32, #tpu.memory_space<vmem>>
      %dma_start3A_218 = tpu.memref_squeeze %dma_start3A_217 : memref<1x128xi32, #tpu.memory_space<vmem>> -> memref<128xi32, #tpu.memory_space<vmem>>
      %dma_start3A_219 = arith.constant 0 : i32
      %dma_start3A_220 = arith.constant 0 : i32
      %dma_start3A_221 = tpu.memref_slice %arg2[%dma_start3A_219, %dma_start3A_220] : memref<10000x64xf32, #tpu.memory_space<hbm>> -> memref<10000x64xf32, #tpu.memory_space<hbm>>
      tpu.enqueue_indirect_dma source(%dma_start3A_221 : memref<10000x64xf32, #tpu.memory_space<hbm>>) target(%arg10 : memref<128x64xf32, #tpu.memory_space<vmem>>) offsets(%dma_start3A_218 : memref<128xi32, #tpu.memory_space<vmem>>) semaphore(%arg15 : memref<!tpu.dma_semaphore, #tpu.memory_space<semaphore_mem>>)
      %add3A_222 = arith.constant 2 : i32
      %add3A_223 = arith.addi %mul3A_121, %add3A_222 : i32
      %dma_wait3A_224 = arith.constant 0 : i32
      %dma_wait3A_225 = tpu.memref_slice %arg8[%add3A_223, %dma_wait3A_224] : memref<80x128xi32, #tpu.memory_space<vmem>> -> memref<1x128xi32, #tpu.memory_space<vmem>>
      %dma_wait3A_226 = tpu.memref_squeeze %dma_wait3A_225 : memref<1x128xi32, #tpu.memory_space<vmem>> -> memref<128xi32, #tpu.memory_space<vmem>>
      %dma_wait3A_227 = arith.constant 0 : i32
      %dma_wait3A_228 = arith.constant 0 : i32
      %dma_wait3A_229 = tpu.memref_slice %arg13[%dma_wait3A_227, %dma_wait3A_228] : memref<10240x64xf32, #tpu.memory_space<vmem_shared>> -> memref<10240x64xf32, #tpu.memory_space<vmem_shared>>
      tpu.wait_indirect_dma semaphore(%arg20 : memref<!tpu.dma_semaphore, #tpu.memory_space<semaphore_mem>>) src(%arg11 : memref<128x64xf32, #tpu.memory_space<vmem>>) dst(%dma_wait3A_229 : memref<10240x64xf32, #tpu.memory_space<vmem_shared>>)
      %add3A_230 = arith.constant 4 : i32
      %add3A_231 = arith.addi %mul3A_121, %add3A_230 : i32
      %add3A_232 = arith.constant 2 : i32
      %add3A_233 = arith.addi %add3A_231, %add3A_232 : i32
      %dma_start3A_234 = arith.constant 0 : i32
      %dma_start3A_235 = tpu.memref_slice %arg7[%add3A_233, %dma_start3A_234] : memref<80x128xi32, #tpu.memory_space<vmem>> -> memref<1x128xi32, #tpu.memory_space<vmem>>
      %dma_start3A_236 = tpu.memref_squeeze %dma_start3A_235 : memref<1x128xi32, #tpu.memory_space<vmem>> -> memref<128xi32, #tpu.memory_space<vmem>>
      %dma_start3A_237 = arith.constant 0 : i32
      %dma_start3A_238 = arith.constant 0 : i32
      %dma_start3A_239 = tpu.memref_slice %arg2[%dma_start3A_237, %dma_start3A_238] : memref<10000x64xf32, #tpu.memory_space<hbm>> -> memref<10000x64xf32, #tpu.memory_space<hbm>>
      tpu.enqueue_indirect_dma source(%dma_start3A_239 : memref<10000x64xf32, #tpu.memory_space<hbm>>) target(%arg11 : memref<128x64xf32, #tpu.memory_space<vmem>>) offsets(%dma_start3A_236 : memref<128xi32, #tpu.memory_space<vmem>>) semaphore(%arg16 : memref<!tpu.dma_semaphore, #tpu.memory_space<semaphore_mem>>)
      %add3A_240 = arith.constant 3 : i32
      %add3A_241 = arith.addi %mul3A_121, %add3A_240 : i32
      %dma_wait3A_242 = arith.constant 0 : i32
      %dma_wait3A_243 = tpu.memref_slice %arg8[%add3A_241, %dma_wait3A_242] : memref<80x128xi32, #tpu.memory_space<vmem>> -> memref<1x128xi32, #tpu.memory_space<vmem>>
      %dma_wait3A_244 = tpu.memref_squeeze %dma_wait3A_243 : memref<1x128xi32, #tpu.memory_space<vmem>> -> memref<128xi32, #tpu.memory_space<vmem>>
      %dma_wait3A_245 = arith.constant 0 : i32
      %dma_wait3A_246 = arith.constant 0 : i32
      %dma_wait3A_247 = tpu.memref_slice %arg13[%dma_wait3A_245, %dma_wait3A_246] : memref<10240x64xf32, #tpu.memory_space<vmem_shared>> -> memref<10240x64xf32, #tpu.memory_space<vmem_shared>>
      tpu.wait_indirect_dma semaphore(%arg21 : memref<!tpu.dma_semaphore, #tpu.memory_space<semaphore_mem>>) src(%arg12 : memref<128x64xf32, #tpu.memory_space<vmem>>) dst(%dma_wait3A_247 : memref<10240x64xf32, #tpu.memory_space<vmem_shared>>)
      %add3A_248 = arith.constant 4 : i32
      %add3A_249 = arith.addi %mul3A_121, %add3A_248 : i32
      %add3A_250 = arith.constant 3 : i32
      %add3A_251 = arith.addi %add3A_249, %add3A_250 : i32
      %dma_start3A_252 = arith.constant 0 : i32
      %dma_start3A_253 = tpu.memref_slice %arg7[%add3A_251, %dma_start3A_252] : memref<80x128xi32, #tpu.memory_space<vmem>> -> memref<1x128xi32, #tpu.memory_space<vmem>>
      %dma_start3A_254 = tpu.memref_squeeze %dma_start3A_253 : memref<1x128xi32, #tpu.memory_space<vmem>> -> memref<128xi32, #tpu.memory_space<vmem>>
      %dma_start3A_255 = arith.constant 0 : i32
      %dma_start3A_256 = arith.constant 0 : i32
      %dma_start3A_257 = tpu.memref_slice %arg2[%dma_start3A_255, %dma_start3A_256] : memref<10000x64xf32, #tpu.memory_space<hbm>> -> memref<10000x64xf32, #tpu.memory_space<hbm>>
      tpu.enqueue_indirect_dma source(%dma_start3A_257 : memref<10000x64xf32, #tpu.memory_space<hbm>>) target(%arg12 : memref<128x64xf32, #tpu.memory_space<vmem>>) offsets(%dma_start3A_254 : memref<128xi32, #tpu.memory_space<vmem>>) semaphore(%arg17 : memref<!tpu.dma_semaphore, #tpu.memory_space<semaphore_mem>>)
    }
    %scan3A_34 = arith.constant 19 : i32
    %dma_wait3A = arith.constant 76 : i32
    %dma_wait3A_35 = arith.constant 0 : i32
    %dma_wait3A_36 = tpu.memref_slice %arg7[%dma_wait3A, %dma_wait3A_35] : memref<80x128xi32, #tpu.memory_space<vmem>> -> memref<1x128xi32, #tpu.memory_space<vmem>>
    %dma_wait3A_37 = tpu.memref_squeeze %dma_wait3A_36 : memref<1x128xi32, #tpu.memory_space<vmem>> -> memref<128xi32, #tpu.memory_space<vmem>>
    %dma_wait3A_38 = arith.constant 0 : i32
    %dma_wait3A_39 = arith.constant 0 : i32
    %dma_wait3A_40 = tpu.memref_slice %arg2[%dma_wait3A_38, %dma_wait3A_39] : memref<10000x64xf32, #tpu.memory_space<hbm>> -> memref<10000x64xf32, #tpu.memory_space<hbm>>
    tpu.wait_indirect_dma semaphore(%arg14 : memref<!tpu.dma_semaphore, #tpu.memory_space<semaphore_mem>>) src(%dma_wait3A_40 : memref<10000x64xf32, #tpu.memory_space<hbm>>) dst(%arg9 : memref<128x64xf32, #tpu.memory_space<vmem>>)
    %dma_start3A_41 = arith.constant 76 : i32
    %dma_start3A_42 = arith.constant 0 : i32
    %dma_start3A_43 = tpu.memref_slice %arg8[%dma_start3A_41, %dma_start3A_42] : memref<80x128xi32, #tpu.memory_space<vmem>> -> memref<1x128xi32, #tpu.memory_space<vmem>>
    %dma_start3A_44 = tpu.memref_squeeze %dma_start3A_43 : memref<1x128xi32, #tpu.memory_space<vmem>> -> memref<128xi32, #tpu.memory_space<vmem>>
    %dma_start3A_45 = arith.constant 0 : i32
    %dma_start3A_46 = arith.constant 0 : i32
    %dma_start3A_47 = tpu.memref_slice %arg13[%dma_start3A_45, %dma_start3A_46] : memref<10240x64xf32, #tpu.memory_space<vmem_shared>> -> memref<10240x64xf32, #tpu.memory_space<vmem_shared>>
    tpu.enqueue_indirect_dma source(%arg9 : memref<128x64xf32, #tpu.memory_space<vmem>>) target(%dma_start3A_47 : memref<10240x64xf32, #tpu.memory_space<vmem_shared>>) offsets(%dma_start3A_44 : memref<128xi32, #tpu.memory_space<vmem>>) semaphore(%arg18 : memref<!tpu.dma_semaphore, #tpu.memory_space<semaphore_mem>>) {add = true}
    %dma_wait3A_48 = arith.constant 77 : i32
    %dma_wait3A_49 = arith.constant 0 : i32
    %dma_wait3A_50 = tpu.memref_slice %arg7[%dma_wait3A_48, %dma_wait3A_49] : memref<80x128xi32, #tpu.memory_space<vmem>> -> memref<1x128xi32, #tpu.memory_space<vmem>>
    %dma_wait3A_51 = tpu.memref_squeeze %dma_wait3A_50 : memref<1x128xi32, #tpu.memory_space<vmem>> -> memref<128xi32, #tpu.memory_space<vmem>>
    %dma_wait3A_52 = arith.constant 0 : i32
    %dma_wait3A_53 = arith.constant 0 : i32
    %dma_wait3A_54 = tpu.memref_slice %arg2[%dma_wait3A_52, %dma_wait3A_53] : memref<10000x64xf32, #tpu.memory_space<hbm>> -> memref<10000x64xf32, #tpu.memory_space<hbm>>
    tpu.wait_indirect_dma semaphore(%arg15 : memref<!tpu.dma_semaphore, #tpu.memory_space<semaphore_mem>>) src(%dma_wait3A_54 : memref<10000x64xf32, #tpu.memory_space<hbm>>) dst(%arg10 : memref<128x64xf32, #tpu.memory_space<vmem>>)
    %dma_start3A_55 = arith.constant 77 : i32
    %dma_start3A_56 = arith.constant 0 : i32
    %dma_start3A_57 = tpu.memref_slice %arg8[%dma_start3A_55, %dma_start3A_56] : memref<80x128xi32, #tpu.memory_space<vmem>> -> memref<1x128xi32, #tpu.memory_space<vmem>>
    %dma_start3A_58 = tpu.memref_squeeze %dma_start3A_57 : memref<1x128xi32, #tpu.memory_space<vmem>> -> memref<128xi32, #tpu.memory_space<vmem>>
    %dma_start3A_59 = arith.constant 0 : i32
    %dma_start3A_60 = arith.constant 0 : i32
    %dma_start3A_61 = tpu.memref_slice %arg13[%dma_start3A_59, %dma_start3A_60] : memref<10240x64xf32, #tpu.memory_space<vmem_shared>> -> memref<10240x64xf32, #tpu.memory_space<vmem_shared>>
    tpu.enqueue_indirect_dma source(%arg10 : memref<128x64xf32, #tpu.memory_space<vmem>>) target(%dma_start3A_61 : memref<10240x64xf32, #tpu.memory_space<vmem_shared>>) offsets(%dma_start3A_58 : memref<128xi32, #tpu.memory_space<vmem>>) semaphore(%arg19 : memref<!tpu.dma_semaphore, #tpu.memory_space<semaphore_mem>>) {add = true}
    %dma_wait3A_62 = arith.constant 78 : i32
    %dma_wait3A_63 = arith.constant 0 : i32
    %dma_wait3A_64 = tpu.memref_slice %arg7[%dma_wait3A_62, %dma_wait3A_63] : memref<80x128xi32, #tpu.memory_space<vmem>> -> memref<1x128xi32, #tpu.memory_space<vmem>>
    %dma_wait3A_65 = tpu.memref_squeeze %dma_wait3A_64 : memref<1x128xi32, #tpu.memory_space<vmem>> -> memref<128xi32, #tpu.memory_space<vmem>>
    %dma_wait3A_66 = arith.constant 0 : i32
    %dma_wait3A_67 = arith.constant 0 : i32
    %dma_wait3A_68 = tpu.memref_slice %arg2[%dma_wait3A_66, %dma_wait3A_67] : memref<10000x64xf32, #tpu.memory_space<hbm>> -> memref<10000x64xf32, #tpu.memory_space<hbm>>
    tpu.wait_indirect_dma semaphore(%arg16 : memref<!tpu.dma_semaphore, #tpu.memory_space<semaphore_mem>>) src(%dma_wait3A_68 : memref<10000x64xf32, #tpu.memory_space<hbm>>) dst(%arg11 : memref<128x64xf32, #tpu.memory_space<vmem>>)
    %dma_start3A_69 = arith.constant 78 : i32
    %dma_start3A_70 = arith.constant 0 : i32
    %dma_start3A_71 = tpu.memref_slice %arg8[%dma_start3A_69, %dma_start3A_70] : memref<80x128xi32, #tpu.memory_space<vmem>> -> memref<1x128xi32, #tpu.memory_space<vmem>>
    %dma_start3A_72 = tpu.memref_squeeze %dma_start3A_71 : memref<1x128xi32, #tpu.memory_space<vmem>> -> memref<128xi32, #tpu.memory_space<vmem>>
    %dma_start3A_73 = arith.constant 0 : i32
    %dma_start3A_74 = arith.constant 0 : i32
    %dma_start3A_75 = tpu.memref_slice %arg13[%dma_start3A_73, %dma_start3A_74] : memref<10240x64xf32, #tpu.memory_space<vmem_shared>> -> memref<10240x64xf32, #tpu.memory_space<vmem_shared>>
    tpu.enqueue_indirect_dma source(%arg11 : memref<128x64xf32, #tpu.memory_space<vmem>>) target(%dma_start3A_75 : memref<10240x64xf32, #tpu.memory_space<vmem_shared>>) offsets(%dma_start3A_72 : memref<128xi32, #tpu.memory_space<vmem>>) semaphore(%arg20 : memref<!tpu.dma_semaphore, #tpu.memory_space<semaphore_mem>>) {add = true}
    %dma_wait3A_76 = arith.constant 79 : i32
    %dma_wait3A_77 = arith.constant 0 : i32
    %dma_wait3A_78 = tpu.memref_slice %arg7[%dma_wait3A_76, %dma_wait3A_77] : memref<80x128xi32, #tpu.memory_space<vmem>> -> memref<1x128xi32, #tpu.memory_space<vmem>>
    %dma_wait3A_79 = tpu.memref_squeeze %dma_wait3A_78 : memref<1x128xi32, #tpu.memory_space<vmem>> -> memref<128xi32, #tpu.memory_space<vmem>>
    %dma_wait3A_80 = arith.constant 0 : i32
    %dma_wait3A_81 = arith.constant 0 : i32
    %dma_wait3A_82 = tpu.memref_slice %arg2[%dma_wait3A_80, %dma_wait3A_81] : memref<10000x64xf32, #tpu.memory_space<hbm>> -> memref<10000x64xf32, #tpu.memory_space<hbm>>
    tpu.wait_indirect_dma semaphore(%arg17 : memref<!tpu.dma_semaphore, #tpu.memory_space<semaphore_mem>>) src(%dma_wait3A_82 : memref<10000x64xf32, #tpu.memory_space<hbm>>) dst(%arg12 : memref<128x64xf32, #tpu.memory_space<vmem>>)
    %dma_start3A_83 = arith.constant 79 : i32
    %dma_start3A_84 = arith.constant 0 : i32
    %dma_start3A_85 = tpu.memref_slice %arg8[%dma_start3A_83, %dma_start3A_84] : memref<80x128xi32, #tpu.memory_space<vmem>> -> memref<1x128xi32, #tpu.memory_space<vmem>>
    %dma_start3A_86 = tpu.memref_squeeze %dma_start3A_85 : memref<1x128xi32, #tpu.memory_space<vmem>> -> memref<128xi32, #tpu.memory_space<vmem>>
    %dma_start3A_87 = arith.constant 0 : i32
    %dma_start3A_88 = arith.constant 0 : i32
    %dma_start3A_89 = tpu.memref_slice %arg13[%dma_start3A_87, %dma_start3A_88] : memref<10240x64xf32, #tpu.memory_space<vmem_shared>> -> memref<10240x64xf32, #tpu.memory_space<vmem_shared>>
    tpu.enqueue_indirect_dma source(%arg12 : memref<128x64xf32, #tpu.memory_space<vmem>>) target(%dma_start3A_89 : memref<10240x64xf32, #tpu.memory_space<vmem_shared>>) offsets(%dma_start3A_86 : memref<128xi32, #tpu.memory_space<vmem>>) semaphore(%arg21 : memref<!tpu.dma_semaphore, #tpu.memory_space<semaphore_mem>>) {add = true}
    %dma_wait3A_90 = arith.constant 76 : i32
    %dma_wait3A_91 = arith.constant 0 : i32
    %dma_wait3A_92 = tpu.memref_slice %arg8[%dma_wait3A_90, %dma_wait3A_91] : memref<80x128xi32, #tpu.memory_space<vmem>> -> memref<1x128xi32, #tpu.memory_space<vmem>>
    %dma_wait3A_93 = tpu.memref_squeeze %dma_wait3A_92 : memref<1x128xi32, #tpu.memory_space<vmem>> -> memref<128xi32, #tpu.memory_space<vmem>>
    %dma_wait3A_94 = arith.constant 0 : i32
    %dma_wait3A_95 = arith.constant 0 : i32
    %dma_wait3A_96 = tpu.memref_slice %arg13[%dma_wait3A_94, %dma_wait3A_95] : memref<10240x64xf32, #tpu.memory_space<vmem_shared>> -> memref<10240x64xf32, #tpu.memory_space<vmem_shared>>
    tpu.wait_indirect_dma semaphore(%arg18 : memref<!tpu.dma_semaphore, #tpu.memory_space<semaphore_mem>>) src(%arg9 : memref<128x64xf32, #tpu.memory_space<vmem>>) dst(%dma_wait3A_96 : memref<10240x64xf32, #tpu.memory_space<vmem_shared>>)
    %dma_wait3A_97 = arith.constant 77 : i32
    %dma_wait3A_98 = arith.constant 0 : i32
    %dma_wait3A_99 = tpu.memref_slice %arg8[%dma_wait3A_97, %dma_wait3A_98] : memref<80x128xi32, #tpu.memory_space<vmem>> -> memref<1x128xi32, #tpu.memory_space<vmem>>
    %dma_wait3A_100 = tpu.memref_squeeze %dma_wait3A_99 : memref<1x128xi32, #tpu.memory_space<vmem>> -> memref<128xi32, #tpu.memory_space<vmem>>
    %dma_wait3A_101 = arith.constant 0 : i32
    %dma_wait3A_102 = arith.constant 0 : i32
    %dma_wait3A_103 = tpu.memref_slice %arg13[%dma_wait3A_101, %dma_wait3A_102] : memref<10240x64xf32, #tpu.memory_space<vmem_shared>> -> memref<10240x64xf32, #tpu.memory_space<vmem_shared>>
    tpu.wait_indirect_dma semaphore(%arg19 : memref<!tpu.dma_semaphore, #tpu.memory_space<semaphore_mem>>) src(%arg10 : memref<128x64xf32, #tpu.memory_space<vmem>>) dst(%dma_wait3A_103 : memref<10240x64xf32, #tpu.memory_space<vmem_shared>>)
    %dma_wait3A_104 = arith.constant 78 : i32
    %dma_wait3A_105 = arith.constant 0 : i32
    %dma_wait3A_106 = tpu.memref_slice %arg8[%dma_wait3A_104, %dma_wait3A_105] : memref<80x128xi32, #tpu.memory_space<vmem>> -> memref<1x128xi32, #tpu.memory_space<vmem>>
    %dma_wait3A_107 = tpu.memref_squeeze %dma_wait3A_106 : memref<1x128xi32, #tpu.memory_space<vmem>> -> memref<128xi32, #tpu.memory_space<vmem>>
    %dma_wait3A_108 = arith.constant 0 : i32
    %dma_wait3A_109 = arith.constant 0 : i32
    %dma_wait3A_110 = tpu.memref_slice %arg13[%dma_wait3A_108, %dma_wait3A_109] : memref<10240x64xf32, #tpu.memory_space<vmem_shared>> -> memref<10240x64xf32, #tpu.memory_space<vmem_shared>>
    tpu.wait_indirect_dma semaphore(%arg20 : memref<!tpu.dma_semaphore, #tpu.memory_space<semaphore_mem>>) src(%arg11 : memref<128x64xf32, #tpu.memory_space<vmem>>) dst(%dma_wait3A_110 : memref<10240x64xf32, #tpu.memory_space<vmem_shared>>)
    %dma_wait3A_111 = arith.constant 79 : i32
    %dma_wait3A_112 = arith.constant 0 : i32
    %dma_wait3A_113 = tpu.memref_slice %arg8[%dma_wait3A_111, %dma_wait3A_112] : memref<80x128xi32, #tpu.memory_space<vmem>> -> memref<1x128xi32, #tpu.memory_space<vmem>>
    %dma_wait3A_114 = tpu.memref_squeeze %dma_wait3A_113 : memref<1x128xi32, #tpu.memory_space<vmem>> -> memref<128xi32, #tpu.memory_space<vmem>>
    %dma_wait3A_115 = arith.constant 0 : i32
    %dma_wait3A_116 = arith.constant 0 : i32
    %dma_wait3A_117 = tpu.memref_slice %arg13[%dma_wait3A_115, %dma_wait3A_116] : memref<10240x64xf32, #tpu.memory_space<vmem_shared>> -> memref<10240x64xf32, #tpu.memory_space<vmem_shared>>
    tpu.wait_indirect_dma semaphore(%arg21 : memref<!tpu.dma_semaphore, #tpu.memory_space<semaphore_mem>>) src(%arg12 : memref<128x64xf32, #tpu.memory_space<vmem>>) dst(%dma_wait3A_117 : memref<10240x64xf32, #tpu.memory_space<vmem_shared>>)
    %barrier3A_118 = arith.constant 0 : index
    tpu.barrier barrier_id(%barrier3A_118)
    "tpu.region"() ({
      %run_scoped3A = tpu.sem_alloc : memref<!tpu.dma_semaphore, #tpu.memory_space<semaphore_mem>>
      %dma_start3A_119 = arith.constant 0 : i32
      %dma_start3A_120 = tpu.memref_slice %arg6[%arg0, %mul3A_2, %dma_start3A_119] : memref<2x10240x64xf32, #tpu.memory_space<hbm>> -> memref<1x640x64xf32, #tpu.memory_space<hbm>>
      %dma_start3A_121 = tpu.memref_squeeze %dma_start3A_120 : memref<1x640x64xf32, #tpu.memory_space<hbm>> -> memref<640x64xf32, #tpu.memory_space<hbm>>
      %dma_start3A_122 = arith.constant 0 : i32
      %dma_start3A_123 = tpu.memref_slice %arg13[%mul3A_2, %dma_start3A_122] : memref<10240x64xf32, #tpu.memory_space<vmem_shared>> -> memref<640x64xf32, #tpu.memory_space<vmem_shared>>
      tpu.enqueue_dma source(%dma_start3A_123 : memref<640x64xf32, #tpu.memory_space<vmem_shared>>) target(%dma_start3A_121 : memref<640x64xf32, #tpu.memory_space<hbm>>) target_semaphore(%run_scoped3A : memref<!tpu.dma_semaphore, #tpu.memory_space<semaphore_mem>>)
      %dma_wait3A_124 = arith.constant 0 : i32
      %dma_wait3A_125 = tpu.memref_slice %arg6[%arg0, %mul3A_2, %dma_wait3A_124] : memref<2x10240x64xf32, #tpu.memory_space<hbm>> -> memref<1x640x64xf32, #tpu.memory_space<hbm>>
      %dma_wait3A_126 = tpu.memref_squeeze %dma_wait3A_125 : memref<1x640x64xf32, #tpu.memory_space<hbm>> -> memref<640x64xf32, #tpu.memory_space<hbm>>
      %dma_wait3A_127 = arith.constant 0 : i32
      %dma_wait3A_128 = tpu.memref_slice %arg13[%mul3A_2, %dma_wait3A_127] : memref<10240x64xf32, #tpu.memory_space<vmem_shared>> -> memref<640x64xf32, #tpu.memory_space<vmem_shared>>
      tpu.wait_dma2 semaphore(%run_scoped3A : memref<!tpu.dma_semaphore, #tpu.memory_space<semaphore_mem>>) src(%dma_wait3A_128 : memref<640x64xf32, #tpu.memory_space<vmem_shared>>) dst(%dma_wait3A_126 : memref<640x64xf32, #tpu.memory_space<hbm>>)
      tpu.yield
    }) : () -> ()
    return
  }
}

#map = affine_map<(d0, d1) -> (0, 0, 0)>
#map1 = affine_map<(d0, d1) -> (0)>
#map2 = affine_map<(d0, d1) -> (0, 0)>
module attributes {stable_mosaic.version = 14 : i64} {
  func.func @_deg_kernel(%arg0: i32, %arg1: i32, %arg2: memref<32x80x128xi32, #tpu.memory_space<hbm>>, %arg3: memref<128xf32, #tpu.memory_space<hbm>>, %arg4: memref<10240xf32, #tpu.memory_space<hbm>>, %arg5: memref<2x10240xf32, #tpu.memory_space<hbm>>, %arg6: memref<80x128xi32, #tpu.memory_space<vmem>>, %arg7: memref<128xf32, #tpu.memory_space<vmem>>, %arg8: memref<10240xf32, #tpu.memory_space<vmem_shared>>) attributes {dimension_semantics = [#tpu.dimension_semantics<core_parallel>, #tpu.dimension_semantics<subcore_parallel>], iteration_bounds = array<i64: 2, 16>, scalar_prefetch = 0 : i64, scratch_operands = 3 : i64, tpu.core_type = #tpu.core_type<sc_vector_subcore>, window_params = [{transform_indices = #map}, {transform_indices = #map1}, {transform_indices = #map1}, {transform_indices = #map2}]} {
    %mul3A = arith.constant 2 : i32
    %mul3A_0 = arith.muli %arg1, %mul3A : i32
    %add3A = arith.addi %mul3A_0, %arg0 : i32
    %mul3A_1 = arith.constant 640 : i32
    %mul3A_2 = arith.muli %arg1, %mul3A_1 : i32
    %mul3A_3 = arith.constant 640 : i32
    %mul3A_4 = arith.muli %arg1, %mul3A_3 : i32
    "tpu.region"() ({
      %run_scoped3A = tpu.sem_alloc : memref<!tpu.dma_semaphore, #tpu.memory_space<semaphore_mem>>
      %dma_start3A = tpu.memref_slice %arg8[%mul3A_4] : memref<10240xf32, #tpu.memory_space<vmem_shared>> -> memref<640xf32, #tpu.memory_space<vmem_shared>>
      %dma_start3A_15 = tpu.memref_slice %arg4[%mul3A_2] : memref<10240xf32, #tpu.memory_space<hbm>> -> memref<640xf32, #tpu.memory_space<hbm>>
      tpu.enqueue_dma source(%dma_start3A_15 : memref<640xf32, #tpu.memory_space<hbm>>) target(%dma_start3A : memref<640xf32, #tpu.memory_space<vmem_shared>>) target_semaphore(%run_scoped3A : memref<!tpu.dma_semaphore, #tpu.memory_space<semaphore_mem>>)
      %dma_wait3A = tpu.memref_slice %arg8[%mul3A_4] : memref<10240xf32, #tpu.memory_space<vmem_shared>> -> memref<640xf32, #tpu.memory_space<vmem_shared>>
      %dma_wait3A_16 = tpu.memref_slice %arg4[%mul3A_2] : memref<10240xf32, #tpu.memory_space<hbm>> -> memref<640xf32, #tpu.memory_space<hbm>>
      tpu.wait_dma2 semaphore(%run_scoped3A : memref<!tpu.dma_semaphore, #tpu.memory_space<semaphore_mem>>) src(%dma_wait3A_16 : memref<640xf32, #tpu.memory_space<hbm>>) dst(%dma_wait3A : memref<640xf32, #tpu.memory_space<vmem_shared>>)
      tpu.yield
    }) : () -> ()
    "tpu.region"() ({
      %run_scoped3A = tpu.sem_alloc : memref<!tpu.dma_semaphore, #tpu.memory_space<semaphore_mem>>
      tpu.enqueue_dma source(%arg3 : memref<128xf32, #tpu.memory_space<hbm>>) target(%arg7 : memref<128xf32, #tpu.memory_space<vmem>>) target_semaphore(%run_scoped3A : memref<!tpu.dma_semaphore, #tpu.memory_space<semaphore_mem>>)
      tpu.wait_dma2 semaphore(%run_scoped3A : memref<!tpu.dma_semaphore, #tpu.memory_space<semaphore_mem>>) src(%arg3 : memref<128xf32, #tpu.memory_space<hbm>>) dst(%arg7 : memref<128xf32, #tpu.memory_space<vmem>>)
      tpu.yield
    }) : () -> ()
    "tpu.region"() ({
      %run_scoped3A = tpu.sem_alloc : memref<!tpu.dma_semaphore, #tpu.memory_space<semaphore_mem>>
      %dma_start3A = arith.constant 0 : i32
      %dma_start3A_15 = arith.constant 0 : i32
      %dma_start3A_16 = tpu.memref_slice %arg2[%add3A, %dma_start3A, %dma_start3A_15] : memref<32x80x128xi32, #tpu.memory_space<hbm>> -> memref<1x80x128xi32, #tpu.memory_space<hbm>>
      %dma_start3A_17 = tpu.memref_squeeze %dma_start3A_16 : memref<1x80x128xi32, #tpu.memory_space<hbm>> -> memref<80x128xi32, #tpu.memory_space<hbm>>
      %dma_start3A_18 = arith.constant 0 : i32
      %dma_start3A_19 = arith.constant 0 : i32
      %dma_start3A_20 = tpu.memref_slice %arg2[%add3A, %dma_start3A_18, %dma_start3A_19] : memref<32x80x128xi32, #tpu.memory_space<hbm>> -> memref<1x80x128xi32, #tpu.memory_space<hbm>>
      %dma_start3A_21 = tpu.memref_squeeze %dma_start3A_20 : memref<1x80x128xi32, #tpu.memory_space<hbm>> -> memref<80x128xi32, #tpu.memory_space<hbm>>
      tpu.enqueue_dma source(%dma_start3A_21 : memref<80x128xi32, #tpu.memory_space<hbm>>) target(%arg6 : memref<80x128xi32, #tpu.memory_space<vmem>>) target_semaphore(%run_scoped3A : memref<!tpu.dma_semaphore, #tpu.memory_space<semaphore_mem>>)
      %dma_wait3A = arith.constant 0 : i32
      %dma_wait3A_22 = arith.constant 0 : i32
      %dma_wait3A_23 = tpu.memref_slice %arg2[%add3A, %dma_wait3A, %dma_wait3A_22] : memref<32x80x128xi32, #tpu.memory_space<hbm>> -> memref<1x80x128xi32, #tpu.memory_space<hbm>>
      %dma_wait3A_24 = tpu.memref_squeeze %dma_wait3A_23 : memref<1x80x128xi32, #tpu.memory_space<hbm>> -> memref<80x128xi32, #tpu.memory_space<hbm>>
      %dma_wait3A_25 = arith.constant 0 : i32
      %dma_wait3A_26 = arith.constant 0 : i32
      %dma_wait3A_27 = tpu.memref_slice %arg2[%add3A, %dma_wait3A_25, %dma_wait3A_26] : memref<32x80x128xi32, #tpu.memory_space<hbm>> -> memref<1x80x128xi32, #tpu.memory_space<hbm>>
      %dma_wait3A_28 = tpu.memref_squeeze %dma_wait3A_27 : memref<1x80x128xi32, #tpu.memory_space<hbm>> -> memref<80x128xi32, #tpu.memory_space<hbm>>
      tpu.wait_dma2 semaphore(%run_scoped3A : memref<!tpu.dma_semaphore, #tpu.memory_space<semaphore_mem>>) src(%dma_wait3A_28 : memref<80x128xi32, #tpu.memory_space<hbm>>) dst(%arg6 : memref<80x128xi32, #tpu.memory_space<vmem>>)
      tpu.yield
    }) : () -> ()
    %barrier3A = arith.constant 0 : index
    tpu.barrier barrier_id(%barrier3A)
    %scan3A = arith.constant 0 : i32
    %scan3A_5 = arith.constant 0 : i32
    %scan3A_6 = arith.constant 80 : i32
    %scan3A_7 = arith.addi %scan3A_5, %scan3A_6 : i32
    %scan3A_8 = arith.constant 1 : i32
    scf.for %scan3A_15 = %scan3A_5 to %scan3A_7 step %scan3A_8  : i32 {
      "tpu.region"() ({
        %run_scoped3A = tpu.sem_alloc : memref<!tpu.dma_semaphore, #tpu.memory_space<semaphore_mem>>
        %dma_start3A = arith.constant 0 : i32
        %dma_start3A_16 = tpu.memref_slice %arg6[%scan3A_15, %dma_start3A] : memref<80x128xi32, #tpu.memory_space<vmem>> -> memref<1x128xi32, #tpu.memory_space<vmem>>
        %dma_start3A_17 = tpu.memref_squeeze %dma_start3A_16 : memref<1x128xi32, #tpu.memory_space<vmem>> -> memref<128xi32, #tpu.memory_space<vmem>>
        %dma_start3A_18 = arith.constant 0 : i32
        %dma_start3A_19 = tpu.memref_slice %arg8[%dma_start3A_18] : memref<10240xf32, #tpu.memory_space<vmem_shared>> -> memref<10240xf32, #tpu.memory_space<vmem_shared>>
        tpu.enqueue_indirect_dma source(%arg7 : memref<128xf32, #tpu.memory_space<vmem>>) target(%dma_start3A_19 : memref<10240xf32, #tpu.memory_space<vmem_shared>>) offsets(%dma_start3A_17 : memref<128xi32, #tpu.memory_space<vmem>>) semaphore(%run_scoped3A : memref<!tpu.dma_semaphore, #tpu.memory_space<semaphore_mem>>) {add = true}
        %dma_wait3A = arith.constant 0 : i32
        %dma_wait3A_20 = tpu.memref_slice %arg6[%scan3A_15, %dma_wait3A] : memref<80x128xi32, #tpu.memory_space<vmem>> -> memref<1x128xi32, #tpu.memory_space<vmem>>
        %dma_wait3A_21 = tpu.memref_squeeze %dma_wait3A_20 : memref<1x128xi32, #tpu.memory_space<vmem>> -> memref<128xi32, #tpu.memory_space<vmem>>
        %dma_wait3A_22 = arith.constant 0 : i32
        %dma_wait3A_23 = tpu.memref_slice %arg8[%dma_wait3A_22] : memref<10240xf32, #tpu.memory_space<vmem_shared>> -> memref<10240xf32, #tpu.memory_space<vmem_shared>>
        tpu.wait_indirect_dma semaphore(%run_scoped3A : memref<!tpu.dma_semaphore, #tpu.memory_space<semaphore_mem>>) src(%arg7 : memref<128xf32, #tpu.memory_space<vmem>>) dst(%dma_wait3A_23 : memref<10240xf32, #tpu.memory_space<vmem_shared>>)
        tpu.yield
      }) : () -> ()
    }
    %scan3A_9 = arith.constant 80 : i32
    %barrier3A_10 = arith.constant 0 : index
    tpu.barrier barrier_id(%barrier3A_10)
    %mul3A_11 = arith.constant 640 : i32
    %mul3A_12 = arith.muli %arg1, %mul3A_11 : i32
    %mul3A_13 = arith.constant 640 : i32
    %mul3A_14 = arith.muli %arg1, %mul3A_13 : i32
    "tpu.region"() ({
      %run_scoped3A = tpu.sem_alloc : memref<!tpu.dma_semaphore, #tpu.memory_space<semaphore_mem>>
      %dma_start3A = tpu.memref_slice %arg5[%arg0, %mul3A_14] : memref<2x10240xf32, #tpu.memory_space<hbm>> -> memref<1x640xf32, #tpu.memory_space<hbm>>
      %dma_start3A_15 = tpu.memref_squeeze %dma_start3A : memref<1x640xf32, #tpu.memory_space<hbm>> -> memref<640xf32, #tpu.memory_space<hbm>>
      %dma_start3A_16 = tpu.memref_slice %arg8[%mul3A_12] : memref<10240xf32, #tpu.memory_space<vmem_shared>> -> memref<640xf32, #tpu.memory_space<vmem_shared>>
      tpu.enqueue_dma source(%dma_start3A_16 : memref<640xf32, #tpu.memory_space<vmem_shared>>) target(%dma_start3A_15 : memref<640xf32, #tpu.memory_space<hbm>>) target_semaphore(%run_scoped3A : memref<!tpu.dma_semaphore, #tpu.memory_space<semaphore_mem>>)
      %dma_wait3A = tpu.memref_slice %arg5[%arg0, %mul3A_14] : memref<2x10240xf32, #tpu.memory_space<hbm>> -> memref<1x640xf32, #tpu.memory_space<hbm>>
      %dma_wait3A_17 = tpu.memref_squeeze %dma_wait3A : memref<1x640xf32, #tpu.memory_space<hbm>> -> memref<640xf32, #tpu.memory_space<hbm>>
      %dma_wait3A_18 = tpu.memref_slice %arg8[%mul3A_12] : memref<10240xf32, #tpu.memory_space<vmem_shared>> -> memref<640xf32, #tpu.memory_space<vmem_shared>>
      tpu.wait_dma2 semaphore(%run_scoped3A : memref<!tpu.dma_semaphore, #tpu.memory_space<semaphore_mem>>) src(%dma_wait3A_18 : memref<640xf32, #tpu.memory_space<vmem_shared>>) dst(%dma_wait3A_17 : memref<640xf32, #tpu.memory_space<hbm>>)
      tpu.yield
    }) : () -> ()
    return
  }
}

#map = affine_map<(d0, d1) -> (0, 0)>
#map1 = affine_map<(d0, d1) -> (0, 0, 0)>
module attributes {stable_mosaic.version = 14 : i64} {
  func.func @_scatter_kernel(%arg0: i32, %arg1: i32, %arg2: memref<10000x64xf32, #tpu.memory_space<hbm>>, %arg3: memref<10000x64xf32, #tpu.memory_space<hbm>>, %arg4: memref<32x80x128xi32, #tpu.memory_space<hbm>>, %arg5: memref<32x80x128xi32, #tpu.memory_space<hbm>>, %arg6: memref<10240x64xf32, #tpu.memory_space<hbm>>, %arg7: memref<2x10240x64xf32, #tpu.memory_space<hbm>>, %arg8: memref<2x10240x64xf32, #tpu.memory_space<hbm>>, %arg9: memref<80x128xi32, #tpu.memory_space<vmem>>, %arg10: memref<80x128xi32, #tpu.memory_space<vmem>>, %arg11: memref<128x64xf32, #tpu.memory_space<vmem>>, %arg12: memref<128x64xf32, #tpu.memory_space<vmem>>, %arg13: memref<128x64xf32, #tpu.memory_space<vmem>>, %arg14: memref<128x64xf32, #tpu.memory_space<vmem>>, %arg15: memref<10240x64xf32, #tpu.memory_space<vmem_shared>>, %arg16: memref<!tpu.dma_semaphore, #tpu.memory_space<semaphore_mem>>, %arg17: memref<!tpu.dma_semaphore, #tpu.memory_space<semaphore_mem>>, %arg18: memref<!tpu.dma_semaphore, #tpu.memory_space<semaphore_mem>>, %arg19: memref<!tpu.dma_semaphore, #tpu.memory_space<semaphore_mem>>, %arg20: memref<!tpu.dma_semaphore, #tpu.memory_space<semaphore_mem>>, %arg21: memref<!tpu.dma_semaphore, #tpu.memory_space<semaphore_mem>>, %arg22: memref<!tpu.dma_semaphore, #tpu.memory_space<semaphore_mem>>, %arg23: memref<!tpu.dma_semaphore, #tpu.memory_space<semaphore_mem>>) attributes {dimension_semantics = [#tpu.dimension_semantics<core_parallel>, #tpu.dimension_semantics<subcore_parallel>], iteration_bounds = array<i64: 2, 16>, scalar_prefetch = 0 : i64, scratch_operands = 15 : i64, tpu.core_type = #tpu.core_type<sc_vector_subcore>, window_params = [{transform_indices = #map}, {transform_indices = #map}, {transform_indices = #map1}, {transform_indices = #map1}, {transform_indices = #map}, {transform_indices = #map1}, {transform_indices = #map1}]} {
    %mul3A = arith.constant 2 : i32
    %mul3A_0 = arith.muli %arg1, %mul3A : i32
    %add3A = arith.addi %mul3A_0, %arg0 : i32
    %mul3A_1 = arith.constant 640 : i32
    %mul3A_2 = arith.muli %arg1, %mul3A_1 : i32
    "tpu.region"() ({
      %run_scoped3A = tpu.sem_alloc : memref<!tpu.dma_semaphore, #tpu.memory_space<semaphore_mem>>
      %dma_start3A_239 = arith.constant 0 : i32
      %dma_start3A_240 = arith.constant 0 : i32
      %dma_start3A_241 = tpu.memref_slice %arg4[%add3A, %dma_start3A_239, %dma_start3A_240] : memref<32x80x128xi32, #tpu.memory_space<hbm>> -> memref<1x80x128xi32, #tpu.memory_space<hbm>>
      %dma_start3A_242 = tpu.memref_squeeze %dma_start3A_241 : memref<1x80x128xi32, #tpu.memory_space<hbm>> -> memref<80x128xi32, #tpu.memory_space<hbm>>
      %dma_start3A_243 = arith.constant 0 : i32
      %dma_start3A_244 = arith.constant 0 : i32
      %dma_start3A_245 = tpu.memref_slice %arg4[%add3A, %dma_start3A_243, %dma_start3A_244] : memref<32x80x128xi32, #tpu.memory_space<hbm>> -> memref<1x80x128xi32, #tpu.memory_space<hbm>>
      %dma_start3A_246 = tpu.memref_squeeze %dma_start3A_245 : memref<1x80x128xi32, #tpu.memory_space<hbm>> -> memref<80x128xi32, #tpu.memory_space<hbm>>
      tpu.enqueue_dma source(%dma_start3A_246 : memref<80x128xi32, #tpu.memory_space<hbm>>) target(%arg9 : memref<80x128xi32, #tpu.memory_space<vmem>>) target_semaphore(%run_scoped3A : memref<!tpu.dma_semaphore, #tpu.memory_space<semaphore_mem>>)
      %dma_wait3A_247 = arith.constant 0 : i32
      %dma_wait3A_248 = arith.constant 0 : i32
      %dma_wait3A_249 = tpu.memref_slice %arg4[%add3A, %dma_wait3A_247, %dma_wait3A_248] : memref<32x80x128xi32, #tpu.memory_space<hbm>> -> memref<1x80x128xi32, #tpu.memory_space<hbm>>
      %dma_wait3A_250 = tpu.memref_squeeze %dma_wait3A_249 : memref<1x80x128xi32, #tpu.memory_space<hbm>> -> memref<80x128xi32, #tpu.memory_space<hbm>>
      %dma_wait3A_251 = arith.constant 0 : i32
      %dma_wait3A_252 = arith.constant 0 : i32
      %dma_wait3A_253 = tpu.memref_slice %arg4[%add3A, %dma_wait3A_251, %dma_wait3A_252] : memref<32x80x128xi32, #tpu.memory_space<hbm>> -> memref<1x80x128xi32, #tpu.memory_space<hbm>>
      %dma_wait3A_254 = tpu.memref_squeeze %dma_wait3A_253 : memref<1x80x128xi32, #tpu.memory_space<hbm>> -> memref<80x128xi32, #tpu.memory_space<hbm>>
      tpu.wait_dma2 semaphore(%run_scoped3A : memref<!tpu.dma_semaphore, #tpu.memory_space<semaphore_mem>>) src(%dma_wait3A_254 : memref<80x128xi32, #tpu.memory_space<hbm>>) dst(%arg9 : memref<80x128xi32, #tpu.memory_space<vmem>>)
      tpu.yield
    }) : () -> ()
    "tpu.region"() ({
      %run_scoped3A = tpu.sem_alloc : memref<!tpu.dma_semaphore, #tpu.memory_space<semaphore_mem>>
      %dma_start3A_239 = arith.constant 0 : i32
      %dma_start3A_240 = arith.constant 0 : i32
      %dma_start3A_241 = tpu.memref_slice %arg5[%add3A, %dma_start3A_239, %dma_start3A_240] : memref<32x80x128xi32, #tpu.memory_space<hbm>> -> memref<1x80x128xi32, #tpu.memory_space<hbm>>
      %dma_start3A_242 = tpu.memref_squeeze %dma_start3A_241 : memref<1x80x128xi32, #tpu.memory_space<hbm>> -> memref<80x128xi32, #tpu.memory_space<hbm>>
      %dma_start3A_243 = arith.constant 0 : i32
      %dma_start3A_244 = arith.constant 0 : i32
      %dma_start3A_245 = tpu.memref_slice %arg5[%add3A, %dma_start3A_243, %dma_start3A_244] : memref<32x80x128xi32, #tpu.memory_space<hbm>> -> memref<1x80x128xi32, #tpu.memory_space<hbm>>
      %dma_start3A_246 = tpu.memref_squeeze %dma_start3A_245 : memref<1x80x128xi32, #tpu.memory_space<hbm>> -> memref<80x128xi32, #tpu.memory_space<hbm>>
      tpu.enqueue_dma source(%dma_start3A_246 : memref<80x128xi32, #tpu.memory_space<hbm>>) target(%arg10 : memref<80x128xi32, #tpu.memory_space<vmem>>) target_semaphore(%run_scoped3A : memref<!tpu.dma_semaphore, #tpu.memory_space<semaphore_mem>>)
      %dma_wait3A_247 = arith.constant 0 : i32
      %dma_wait3A_248 = arith.constant 0 : i32
      %dma_wait3A_249 = tpu.memref_slice %arg5[%add3A, %dma_wait3A_247, %dma_wait3A_248] : memref<32x80x128xi32, #tpu.memory_space<hbm>> -> memref<1x80x128xi32, #tpu.memory_space<hbm>>
      %dma_wait3A_250 = tpu.memref_squeeze %dma_wait3A_249 : memref<1x80x128xi32, #tpu.memory_space<hbm>> -> memref<80x128xi32, #tpu.memory_space<hbm>>
      %dma_wait3A_251 = arith.constant 0 : i32
      %dma_wait3A_252 = arith.constant 0 : i32
      %dma_wait3A_253 = tpu.memref_slice %arg5[%add3A, %dma_wait3A_251, %dma_wait3A_252] : memref<32x80x128xi32, #tpu.memory_space<hbm>> -> memref<1x80x128xi32, #tpu.memory_space<hbm>>
      %dma_wait3A_254 = tpu.memref_squeeze %dma_wait3A_253 : memref<1x80x128xi32, #tpu.memory_space<hbm>> -> memref<80x128xi32, #tpu.memory_space<hbm>>
      tpu.wait_dma2 semaphore(%run_scoped3A : memref<!tpu.dma_semaphore, #tpu.memory_space<semaphore_mem>>) src(%dma_wait3A_254 : memref<80x128xi32, #tpu.memory_space<hbm>>) dst(%arg10 : memref<80x128xi32, #tpu.memory_space<vmem>>)
      tpu.yield
    }) : () -> ()
    "tpu.region"() ({
      %run_scoped3A = tpu.sem_alloc : memref<!tpu.dma_semaphore, #tpu.memory_space<semaphore_mem>>
      %dma_start3A_239 = arith.constant 0 : i32
      %dma_start3A_240 = tpu.memref_slice %arg15[%mul3A_2, %dma_start3A_239] : memref<10240x64xf32, #tpu.memory_space<vmem_shared>> -> memref<640x64xf32, #tpu.memory_space<vmem_shared>>
      %dma_start3A_241 = arith.constant 0 : i32
      %dma_start3A_242 = tpu.memref_slice %arg6[%mul3A_2, %dma_start3A_241] : memref<10240x64xf32, #tpu.memory_space<hbm>> -> memref<640x64xf32, #tpu.memory_space<hbm>>
      tpu.enqueue_dma source(%dma_start3A_242 : memref<640x64xf32, #tpu.memory_space<hbm>>) target(%dma_start3A_240 : memref<640x64xf32, #tpu.memory_space<vmem_shared>>) target_semaphore(%run_scoped3A : memref<!tpu.dma_semaphore, #tpu.memory_space<semaphore_mem>>)
      %dma_wait3A_243 = arith.constant 0 : i32
      %dma_wait3A_244 = tpu.memref_slice %arg15[%mul3A_2, %dma_wait3A_243] : memref<10240x64xf32, #tpu.memory_space<vmem_shared>> -> memref<640x64xf32, #tpu.memory_space<vmem_shared>>
      %dma_wait3A_245 = arith.constant 0 : i32
      %dma_wait3A_246 = tpu.memref_slice %arg6[%mul3A_2, %dma_wait3A_245] : memref<10240x64xf32, #tpu.memory_space<hbm>> -> memref<640x64xf32, #tpu.memory_space<hbm>>
      tpu.wait_dma2 semaphore(%run_scoped3A : memref<!tpu.dma_semaphore, #tpu.memory_space<semaphore_mem>>) src(%dma_wait3A_246 : memref<640x64xf32, #tpu.memory_space<hbm>>) dst(%dma_wait3A_244 : memref<640x64xf32, #tpu.memory_space<vmem_shared>>)
      tpu.yield
    }) : () -> ()
    %barrier3A = arith.constant 0 : index
    tpu.barrier barrier_id(%barrier3A)
    %dma_start3A = arith.constant 0 : i32
    %dma_start3A_3 = arith.constant 0 : i32
    %dma_start3A_4 = tpu.memref_slice %arg9[%dma_start3A, %dma_start3A_3] : memref<80x128xi32, #tpu.memory_space<vmem>> -> memref<1x128xi32, #tpu.memory_space<vmem>>
    %dma_start3A_5 = tpu.memref_squeeze %dma_start3A_4 : memref<1x128xi32, #tpu.memory_space<vmem>> -> memref<128xi32, #tpu.memory_space<vmem>>
    %dma_start3A_6 = arith.constant 0 : i32
    %dma_start3A_7 = arith.constant 0 : i32
    %dma_start3A_8 = tpu.memref_slice %arg2[%dma_start3A_6, %dma_start3A_7] : memref<10000x64xf32, #tpu.memory_space<hbm>> -> memref<10000x64xf32, #tpu.memory_space<hbm>>
    tpu.enqueue_indirect_dma source(%dma_start3A_8 : memref<10000x64xf32, #tpu.memory_space<hbm>>) target(%arg11 : memref<128x64xf32, #tpu.memory_space<vmem>>) offsets(%dma_start3A_5 : memref<128xi32, #tpu.memory_space<vmem>>) semaphore(%arg16 : memref<!tpu.dma_semaphore, #tpu.memory_space<semaphore_mem>>)
    %dma_start3A_9 = arith.constant 1 : i32
    %dma_start3A_10 = arith.constant 0 : i32
    %dma_start3A_11 = tpu.memref_slice %arg9[%dma_start3A_9, %dma_start3A_10] : memref<80x128xi32, #tpu.memory_space<vmem>> -> memref<1x128xi32, #tpu.memory_space<vmem>>
    %dma_start3A_12 = tpu.memref_squeeze %dma_start3A_11 : memref<1x128xi32, #tpu.memory_space<vmem>> -> memref<128xi32, #tpu.memory_space<vmem>>
    %dma_start3A_13 = arith.constant 0 : i32
    %dma_start3A_14 = arith.constant 0 : i32
    %dma_start3A_15 = tpu.memref_slice %arg2[%dma_start3A_13, %dma_start3A_14] : memref<10000x64xf32, #tpu.memory_space<hbm>> -> memref<10000x64xf32, #tpu.memory_space<hbm>>
    tpu.enqueue_indirect_dma source(%dma_start3A_15 : memref<10000x64xf32, #tpu.memory_space<hbm>>) target(%arg12 : memref<128x64xf32, #tpu.memory_space<vmem>>) offsets(%dma_start3A_12 : memref<128xi32, #tpu.memory_space<vmem>>) semaphore(%arg17 : memref<!tpu.dma_semaphore, #tpu.memory_space<semaphore_mem>>)
    %dma_start3A_16 = arith.constant 2 : i32
    %dma_start3A_17 = arith.constant 0 : i32
    %dma_start3A_18 = tpu.memref_slice %arg9[%dma_start3A_16, %dma_start3A_17] : memref<80x128xi32, #tpu.memory_space<vmem>> -> memref<1x128xi32, #tpu.memory_space<vmem>>
    %dma_start3A_19 = tpu.memref_squeeze %dma_start3A_18 : memref<1x128xi32, #tpu.memory_space<vmem>> -> memref<128xi32, #tpu.memory_space<vmem>>
    %dma_start3A_20 = arith.constant 0 : i32
    %dma_start3A_21 = arith.constant 0 : i32
    %dma_start3A_22 = tpu.memref_slice %arg2[%dma_start3A_20, %dma_start3A_21] : memref<10000x64xf32, #tpu.memory_space<hbm>> -> memref<10000x64xf32, #tpu.memory_space<hbm>>
    tpu.enqueue_indirect_dma source(%dma_start3A_22 : memref<10000x64xf32, #tpu.memory_space<hbm>>) target(%arg13 : memref<128x64xf32, #tpu.memory_space<vmem>>) offsets(%dma_start3A_19 : memref<128xi32, #tpu.memory_space<vmem>>) semaphore(%arg18 : memref<!tpu.dma_semaphore, #tpu.memory_space<semaphore_mem>>)
    %dma_start3A_23 = arith.constant 3 : i32
    %dma_start3A_24 = arith.constant 0 : i32
    %dma_start3A_25 = tpu.memref_slice %arg9[%dma_start3A_23, %dma_start3A_24] : memref<80x128xi32, #tpu.memory_space<vmem>> -> memref<1x128xi32, #tpu.memory_space<vmem>>
    %dma_start3A_26 = tpu.memref_squeeze %dma_start3A_25 : memref<1x128xi32, #tpu.memory_space<vmem>> -> memref<128xi32, #tpu.memory_space<vmem>>
    %dma_start3A_27 = arith.constant 0 : i32
    %dma_start3A_28 = arith.constant 0 : i32
    %dma_start3A_29 = tpu.memref_slice %arg2[%dma_start3A_27, %dma_start3A_28] : memref<10000x64xf32, #tpu.memory_space<hbm>> -> memref<10000x64xf32, #tpu.memory_space<hbm>>
    tpu.enqueue_indirect_dma source(%dma_start3A_29 : memref<10000x64xf32, #tpu.memory_space<hbm>>) target(%arg14 : memref<128x64xf32, #tpu.memory_space<vmem>>) offsets(%dma_start3A_26 : memref<128xi32, #tpu.memory_space<vmem>>) semaphore(%arg19 : memref<!tpu.dma_semaphore, #tpu.memory_space<semaphore_mem>>)
    %scan3A = arith.constant 0 : i32
    %scan3A_30 = arith.constant 0 : i32
    %scan3A_31 = arith.constant 19 : i32
    %scan3A_32 = arith.addi %scan3A_30, %scan3A_31 : i32
    %scan3A_33 = arith.constant 1 : i32
    scf.for %scan3A_239 = %scan3A_30 to %scan3A_32 step %scan3A_33  : i32 {
      %mul3A_240 = arith.constant 4 : i32
      %mul3A_241 = arith.muli %mul3A_240, %scan3A_239 : i32
      %add3A_242 = arith.constant 0 : i32
      %add3A_243 = arith.addi %mul3A_241, %add3A_242 : i32
      %dma_wait3A_244 = arith.constant 0 : i32
      %dma_wait3A_245 = tpu.memref_slice %arg9[%add3A_243, %dma_wait3A_244] : memref<80x128xi32, #tpu.memory_space<vmem>> -> memref<1x128xi32, #tpu.memory_space<vmem>>
      %dma_wait3A_246 = tpu.memref_squeeze %dma_wait3A_245 : memref<1x128xi32, #tpu.memory_space<vmem>> -> memref<128xi32, #tpu.memory_space<vmem>>
      %dma_wait3A_247 = arith.constant 0 : i32
      %dma_wait3A_248 = arith.constant 0 : i32
      %dma_wait3A_249 = tpu.memref_slice %arg2[%dma_wait3A_247, %dma_wait3A_248] : memref<10000x64xf32, #tpu.memory_space<hbm>> -> memref<10000x64xf32, #tpu.memory_space<hbm>>
      tpu.wait_indirect_dma semaphore(%arg16 : memref<!tpu.dma_semaphore, #tpu.memory_space<semaphore_mem>>) src(%dma_wait3A_249 : memref<10000x64xf32, #tpu.memory_space<hbm>>) dst(%arg11 : memref<128x64xf32, #tpu.memory_space<vmem>>)
      %add3A_250 = arith.constant 0 : i32
      %add3A_251 = arith.addi %mul3A_241, %add3A_250 : i32
      %dma_start3A_252 = arith.constant 0 : i32
      %dma_start3A_253 = tpu.memref_slice %arg10[%add3A_251, %dma_start3A_252] : memref<80x128xi32, #tpu.memory_space<vmem>> -> memref<1x128xi32, #tpu.memory_space<vmem>>
      %dma_start3A_254 = tpu.memref_squeeze %dma_start3A_253 : memref<1x128xi32, #tpu.memory_space<vmem>> -> memref<128xi32, #tpu.memory_space<vmem>>
      %dma_start3A_255 = arith.constant 0 : i32
      %dma_start3A_256 = arith.constant 0 : i32
      %dma_start3A_257 = tpu.memref_slice %arg15[%dma_start3A_255, %dma_start3A_256] : memref<10240x64xf32, #tpu.memory_space<vmem_shared>> -> memref<10240x64xf32, #tpu.memory_space<vmem_shared>>
      tpu.enqueue_indirect_dma source(%arg11 : memref<128x64xf32, #tpu.memory_space<vmem>>) target(%dma_start3A_257 : memref<10240x64xf32, #tpu.memory_space<vmem_shared>>) offsets(%dma_start3A_254 : memref<128xi32, #tpu.memory_space<vmem>>) semaphore(%arg20 : memref<!tpu.dma_semaphore, #tpu.memory_space<semaphore_mem>>) {add = true}
      %add3A_258 = arith.constant 1 : i32
      %add3A_259 = arith.addi %mul3A_241, %add3A_258 : i32
      %dma_wait3A_260 = arith.constant 0 : i32
      %dma_wait3A_261 = tpu.memref_slice %arg9[%add3A_259, %dma_wait3A_260] : memref<80x128xi32, #tpu.memory_space<vmem>> -> memref<1x128xi32, #tpu.memory_space<vmem>>
      %dma_wait3A_262 = tpu.memref_squeeze %dma_wait3A_261 : memref<1x128xi32, #tpu.memory_space<vmem>> -> memref<128xi32, #tpu.memory_space<vmem>>
      %dma_wait3A_263 = arith.constant 0 : i32
      %dma_wait3A_264 = arith.constant 0 : i32
      %dma_wait3A_265 = tpu.memref_slice %arg2[%dma_wait3A_263, %dma_wait3A_264] : memref<10000x64xf32, #tpu.memory_space<hbm>> -> memref<10000x64xf32, #tpu.memory_space<hbm>>
      tpu.wait_indirect_dma semaphore(%arg17 : memref<!tpu.dma_semaphore, #tpu.memory_space<semaphore_mem>>) src(%dma_wait3A_265 : memref<10000x64xf32, #tpu.memory_space<hbm>>) dst(%arg12 : memref<128x64xf32, #tpu.memory_space<vmem>>)
      %add3A_266 = arith.constant 1 : i32
      %add3A_267 = arith.addi %mul3A_241, %add3A_266 : i32
      %dma_start3A_268 = arith.constant 0 : i32
      %dma_start3A_269 = tpu.memref_slice %arg10[%add3A_267, %dma_start3A_268] : memref<80x128xi32, #tpu.memory_space<vmem>> -> memref<1x128xi32, #tpu.memory_space<vmem>>
      %dma_start3A_270 = tpu.memref_squeeze %dma_start3A_269 : memref<1x128xi32, #tpu.memory_space<vmem>> -> memref<128xi32, #tpu.memory_space<vmem>>
      %dma_start3A_271 = arith.constant 0 : i32
      %dma_start3A_272 = arith.constant 0 : i32
      %dma_start3A_273 = tpu.memref_slice %arg15[%dma_start3A_271, %dma_start3A_272] : memref<10240x64xf32, #tpu.memory_space<vmem_shared>> -> memref<10240x64xf32, #tpu.memory_space<vmem_shared>>
      tpu.enqueue_indirect_dma source(%arg12 : memref<128x64xf32, #tpu.memory_space<vmem>>) target(%dma_start3A_273 : memref<10240x64xf32, #tpu.memory_space<vmem_shared>>) offsets(%dma_start3A_270 : memref<128xi32, #tpu.memory_space<vmem>>) semaphore(%arg21 : memref<!tpu.dma_semaphore, #tpu.memory_space<semaphore_mem>>) {add = true}
      %add3A_274 = arith.constant 2 : i32
      %add3A_275 = arith.addi %mul3A_241, %add3A_274 : i32
      %dma_wait3A_276 = arith.constant 0 : i32
      %dma_wait3A_277 = tpu.memref_slice %arg9[%add3A_275, %dma_wait3A_276] : memref<80x128xi32, #tpu.memory_space<vmem>> -> memref<1x128xi32, #tpu.memory_space<vmem>>
      %dma_wait3A_278 = tpu.memref_squeeze %dma_wait3A_277 : memref<1x128xi32, #tpu.memory_space<vmem>> -> memref<128xi32, #tpu.memory_space<vmem>>
      %dma_wait3A_279 = arith.constant 0 : i32
      %dma_wait3A_280 = arith.constant 0 : i32
      %dma_wait3A_281 = tpu.memref_slice %arg2[%dma_wait3A_279, %dma_wait3A_280] : memref<10000x64xf32, #tpu.memory_space<hbm>> -> memref<10000x64xf32, #tpu.memory_space<hbm>>
      tpu.wait_indirect_dma semaphore(%arg18 : memref<!tpu.dma_semaphore, #tpu.memory_space<semaphore_mem>>) src(%dma_wait3A_281 : memref<10000x64xf32, #tpu.memory_space<hbm>>) dst(%arg13 : memref<128x64xf32, #tpu.memory_space<vmem>>)
      %add3A_282 = arith.constant 2 : i32
      %add3A_283 = arith.addi %mul3A_241, %add3A_282 : i32
      %dma_start3A_284 = arith.constant 0 : i32
      %dma_start3A_285 = tpu.memref_slice %arg10[%add3A_283, %dma_start3A_284] : memref<80x128xi32, #tpu.memory_space<vmem>> -> memref<1x128xi32, #tpu.memory_space<vmem>>
      %dma_start3A_286 = tpu.memref_squeeze %dma_start3A_285 : memref<1x128xi32, #tpu.memory_space<vmem>> -> memref<128xi32, #tpu.memory_space<vmem>>
      %dma_start3A_287 = arith.constant 0 : i32
      %dma_start3A_288 = arith.constant 0 : i32
      %dma_start3A_289 = tpu.memref_slice %arg15[%dma_start3A_287, %dma_start3A_288] : memref<10240x64xf32, #tpu.memory_space<vmem_shared>> -> memref<10240x64xf32, #tpu.memory_space<vmem_shared>>
      tpu.enqueue_indirect_dma source(%arg13 : memref<128x64xf32, #tpu.memory_space<vmem>>) target(%dma_start3A_289 : memref<10240x64xf32, #tpu.memory_space<vmem_shared>>) offsets(%dma_start3A_286 : memref<128xi32, #tpu.memory_space<vmem>>) semaphore(%arg22 : memref<!tpu.dma_semaphore, #tpu.memory_space<semaphore_mem>>) {add = true}
      %add3A_290 = arith.constant 3 : i32
      %add3A_291 = arith.addi %mul3A_241, %add3A_290 : i32
      %dma_wait3A_292 = arith.constant 0 : i32
      %dma_wait3A_293 = tpu.memref_slice %arg9[%add3A_291, %dma_wait3A_292] : memref<80x128xi32, #tpu.memory_space<vmem>> -> memref<1x128xi32, #tpu.memory_space<vmem>>
      %dma_wait3A_294 = tpu.memref_squeeze %dma_wait3A_293 : memref<1x128xi32, #tpu.memory_space<vmem>> -> memref<128xi32, #tpu.memory_space<vmem>>
      %dma_wait3A_295 = arith.constant 0 : i32
      %dma_wait3A_296 = arith.constant 0 : i32
      %dma_wait3A_297 = tpu.memref_slice %arg2[%dma_wait3A_295, %dma_wait3A_296] : memref<10000x64xf32, #tpu.memory_space<hbm>> -> memref<10000x64xf32, #tpu.memory_space<hbm>>
      tpu.wait_indirect_dma semaphore(%arg19 : memref<!tpu.dma_semaphore, #tpu.memory_space<semaphore_mem>>) src(%dma_wait3A_297 : memref<10000x64xf32, #tpu.memory_space<hbm>>) dst(%arg14 : memref<128x64xf32, #tpu.memory_space<vmem>>)
      %add3A_298 = arith.constant 3 : i32
      %add3A_299 = arith.addi %mul3A_241, %add3A_298 : i32
      %dma_start3A_300 = arith.constant 0 : i32
      %dma_start3A_301 = tpu.memref_slice %arg10[%add3A_299, %dma_start3A_300] : memref<80x128xi32, #tpu.memory_space<vmem>> -> memref<1x128xi32, #tpu.memory_space<vmem>>
      %dma_start3A_302 = tpu.memref_squeeze %dma_start3A_301 : memref<1x128xi32, #tpu.memory_space<vmem>> -> memref<128xi32, #tpu.memory_space<vmem>>
      %dma_start3A_303 = arith.constant 0 : i32
      %dma_start3A_304 = arith.constant 0 : i32
      %dma_start3A_305 = tpu.memref_slice %arg15[%dma_start3A_303, %dma_start3A_304] : memref<10240x64xf32, #tpu.memory_space<vmem_shared>> -> memref<10240x64xf32, #tpu.memory_space<vmem_shared>>
      tpu.enqueue_indirect_dma source(%arg14 : memref<128x64xf32, #tpu.memory_space<vmem>>) target(%dma_start3A_305 : memref<10240x64xf32, #tpu.memory_space<vmem_shared>>) offsets(%dma_start3A_302 : memref<128xi32, #tpu.memory_space<vmem>>) semaphore(%arg23 : memref<!tpu.dma_semaphore, #tpu.memory_space<semaphore_mem>>) {add = true}
      %add3A_306 = arith.constant 0 : i32
      %add3A_307 = arith.addi %mul3A_241, %add3A_306 : i32
      %dma_wait3A_308 = arith.constant 0 : i32
      %dma_wait3A_309 = tpu.memref_slice %arg10[%add3A_307, %dma_wait3A_308] : memref<80x128xi32, #tpu.memory_space<vmem>> -> memref<1x128xi32, #tpu.memory_space<vmem>>
      %dma_wait3A_310 = tpu.memref_squeeze %dma_wait3A_309 : memref<1x128xi32, #tpu.memory_space<vmem>> -> memref<128xi32, #tpu.memory_space<vmem>>
      %dma_wait3A_311 = arith.constant 0 : i32
      %dma_wait3A_312 = arith.constant 0 : i32
      %dma_wait3A_313 = tpu.memref_slice %arg15[%dma_wait3A_311, %dma_wait3A_312] : memref<10240x64xf32, #tpu.memory_space<vmem_shared>> -> memref<10240x64xf32, #tpu.memory_space<vmem_shared>>
      tpu.wait_indirect_dma semaphore(%arg20 : memref<!tpu.dma_semaphore, #tpu.memory_space<semaphore_mem>>) src(%arg11 : memref<128x64xf32, #tpu.memory_space<vmem>>) dst(%dma_wait3A_313 : memref<10240x64xf32, #tpu.memory_space<vmem_shared>>)
      %add3A_314 = arith.constant 4 : i32
      %add3A_315 = arith.addi %mul3A_241, %add3A_314 : i32
      %add3A_316 = arith.constant 0 : i32
      %add3A_317 = arith.addi %add3A_315, %add3A_316 : i32
      %dma_start3A_318 = arith.constant 0 : i32
      %dma_start3A_319 = tpu.memref_slice %arg9[%add3A_317, %dma_start3A_318] : memref<80x128xi32, #tpu.memory_space<vmem>> -> memref<1x128xi32, #tpu.memory_space<vmem>>
      %dma_start3A_320 = tpu.memref_squeeze %dma_start3A_319 : memref<1x128xi32, #tpu.memory_space<vmem>> -> memref<128xi32, #tpu.memory_space<vmem>>
      %dma_start3A_321 = arith.constant 0 : i32
      %dma_start3A_322 = arith.constant 0 : i32
      %dma_start3A_323 = tpu.memref_slice %arg2[%dma_start3A_321, %dma_start3A_322] : memref<10000x64xf32, #tpu.memory_space<hbm>> -> memref<10000x64xf32, #tpu.memory_space<hbm>>
      tpu.enqueue_indirect_dma source(%dma_start3A_323 : memref<10000x64xf32, #tpu.memory_space<hbm>>) target(%arg11 : memref<128x64xf32, #tpu.memory_space<vmem>>) offsets(%dma_start3A_320 : memref<128xi32, #tpu.memory_space<vmem>>) semaphore(%arg16 : memref<!tpu.dma_semaphore, #tpu.memory_space<semaphore_mem>>)
      %add3A_324 = arith.constant 1 : i32
      %add3A_325 = arith.addi %mul3A_241, %add3A_324 : i32
      %dma_wait3A_326 = arith.constant 0 : i32
      %dma_wait3A_327 = tpu.memref_slice %arg10[%add3A_325, %dma_wait3A_326] : memref<80x128xi32, #tpu.memory_space<vmem>> -> memref<1x128xi32, #tpu.memory_space<vmem>>
      %dma_wait3A_328 = tpu.memref_squeeze %dma_wait3A_327 : memref<1x128xi32, #tpu.memory_space<vmem>> -> memref<128xi32, #tpu.memory_space<vmem>>
      %dma_wait3A_329 = arith.constant 0 : i32
      %dma_wait3A_330 = arith.constant 0 : i32
      %dma_wait3A_331 = tpu.memref_slice %arg15[%dma_wait3A_329, %dma_wait3A_330] : memref<10240x64xf32, #tpu.memory_space<vmem_shared>> -> memref<10240x64xf32, #tpu.memory_space<vmem_shared>>
      tpu.wait_indirect_dma semaphore(%arg21 : memref<!tpu.dma_semaphore, #tpu.memory_space<semaphore_mem>>) src(%arg12 : memref<128x64xf32, #tpu.memory_space<vmem>>) dst(%dma_wait3A_331 : memref<10240x64xf32, #tpu.memory_space<vmem_shared>>)
      %add3A_332 = arith.constant 4 : i32
      %add3A_333 = arith.addi %mul3A_241, %add3A_332 : i32
      %add3A_334 = arith.constant 1 : i32
      %add3A_335 = arith.addi %add3A_333, %add3A_334 : i32
      %dma_start3A_336 = arith.constant 0 : i32
      %dma_start3A_337 = tpu.memref_slice %arg9[%add3A_335, %dma_start3A_336] : memref<80x128xi32, #tpu.memory_space<vmem>> -> memref<1x128xi32, #tpu.memory_space<vmem>>
      %dma_start3A_338 = tpu.memref_squeeze %dma_start3A_337 : memref<1x128xi32, #tpu.memory_space<vmem>> -> memref<128xi32, #tpu.memory_space<vmem>>
      %dma_start3A_339 = arith.constant 0 : i32
      %dma_start3A_340 = arith.constant 0 : i32
      %dma_start3A_341 = tpu.memref_slice %arg2[%dma_start3A_339, %dma_start3A_340] : memref<10000x64xf32, #tpu.memory_space<hbm>> -> memref<10000x64xf32, #tpu.memory_space<hbm>>
      tpu.enqueue_indirect_dma source(%dma_start3A_341 : memref<10000x64xf32, #tpu.memory_space<hbm>>) target(%arg12 : memref<128x64xf32, #tpu.memory_space<vmem>>) offsets(%dma_start3A_338 : memref<128xi32, #tpu.memory_space<vmem>>) semaphore(%arg17 : memref<!tpu.dma_semaphore, #tpu.memory_space<semaphore_mem>>)
      %add3A_342 = arith.constant 2 : i32
      %add3A_343 = arith.addi %mul3A_241, %add3A_342 : i32
      %dma_wait3A_344 = arith.constant 0 : i32
      %dma_wait3A_345 = tpu.memref_slice %arg10[%add3A_343, %dma_wait3A_344] : memref<80x128xi32, #tpu.memory_space<vmem>> -> memref<1x128xi32, #tpu.memory_space<vmem>>
      %dma_wait3A_346 = tpu.memref_squeeze %dma_wait3A_345 : memref<1x128xi32, #tpu.memory_space<vmem>> -> memref<128xi32, #tpu.memory_space<vmem>>
      %dma_wait3A_347 = arith.constant 0 : i32
      %dma_wait3A_348 = arith.constant 0 : i32
      %dma_wait3A_349 = tpu.memref_slice %arg15[%dma_wait3A_347, %dma_wait3A_348] : memref<10240x64xf32, #tpu.memory_space<vmem_shared>> -> memref<10240x64xf32, #tpu.memory_space<vmem_shared>>
      tpu.wait_indirect_dma semaphore(%arg22 : memref<!tpu.dma_semaphore, #tpu.memory_space<semaphore_mem>>) src(%arg13 : memref<128x64xf32, #tpu.memory_space<vmem>>) dst(%dma_wait3A_349 : memref<10240x64xf32, #tpu.memory_space<vmem_shared>>)
      %add3A_350 = arith.constant 4 : i32
      %add3A_351 = arith.addi %mul3A_241, %add3A_350 : i32
      %add3A_352 = arith.constant 2 : i32
      %add3A_353 = arith.addi %add3A_351, %add3A_352 : i32
      %dma_start3A_354 = arith.constant 0 : i32
      %dma_start3A_355 = tpu.memref_slice %arg9[%add3A_353, %dma_start3A_354] : memref<80x128xi32, #tpu.memory_space<vmem>> -> memref<1x128xi32, #tpu.memory_space<vmem>>
      %dma_start3A_356 = tpu.memref_squeeze %dma_start3A_355 : memref<1x128xi32, #tpu.memory_space<vmem>> -> memref<128xi32, #tpu.memory_space<vmem>>
      %dma_start3A_357 = arith.constant 0 : i32
      %dma_start3A_358 = arith.constant 0 : i32
      %dma_start3A_359 = tpu.memref_slice %arg2[%dma_start3A_357, %dma_start3A_358] : memref<10000x64xf32, #tpu.memory_space<hbm>> -> memref<10000x64xf32, #tpu.memory_space<hbm>>
      tpu.enqueue_indirect_dma source(%dma_start3A_359 : memref<10000x64xf32, #tpu.memory_space<hbm>>) target(%arg13 : memref<128x64xf32, #tpu.memory_space<vmem>>) offsets(%dma_start3A_356 : memref<128xi32, #tpu.memory_space<vmem>>) semaphore(%arg18 : memref<!tpu.dma_semaphore, #tpu.memory_space<semaphore_mem>>)
      %add3A_360 = arith.constant 3 : i32
      %add3A_361 = arith.addi %mul3A_241, %add3A_360 : i32
      %dma_wait3A_362 = arith.constant 0 : i32
      %dma_wait3A_363 = tpu.memref_slice %arg10[%add3A_361, %dma_wait3A_362] : memref<80x128xi32, #tpu.memory_space<vmem>> -> memref<1x128xi32, #tpu.memory_space<vmem>>
      %dma_wait3A_364 = tpu.memref_squeeze %dma_wait3A_363 : memref<1x128xi32, #tpu.memory_space<vmem>> -> memref<128xi32, #tpu.memory_space<vmem>>
      %dma_wait3A_365 = arith.constant 0 : i32
      %dma_wait3A_366 = arith.constant 0 : i32
      %dma_wait3A_367 = tpu.memref_slice %arg15[%dma_wait3A_365, %dma_wait3A_366] : memref<10240x64xf32, #tpu.memory_space<vmem_shared>> -> memref<10240x64xf32, #tpu.memory_space<vmem_shared>>
      tpu.wait_indirect_dma semaphore(%arg23 : memref<!tpu.dma_semaphore, #tpu.memory_space<semaphore_mem>>) src(%arg14 : memref<128x64xf32, #tpu.memory_space<vmem>>) dst(%dma_wait3A_367 : memref<10240x64xf32, #tpu.memory_space<vmem_shared>>)
      %add3A_368 = arith.constant 4 : i32
      %add3A_369 = arith.addi %mul3A_241, %add3A_368 : i32
      %add3A_370 = arith.constant 3 : i32
      %add3A_371 = arith.addi %add3A_369, %add3A_370 : i32
      %dma_start3A_372 = arith.constant 0 : i32
      %dma_start3A_373 = tpu.memref_slice %arg9[%add3A_371, %dma_start3A_372] : memref<80x128xi32, #tpu.memory_space<vmem>> -> memref<1x128xi32, #tpu.memory_space<vmem>>
      %dma_start3A_374 = tpu.memref_squeeze %dma_start3A_373 : memref<1x128xi32, #tpu.memory_space<vmem>> -> memref<128xi32, #tpu.memory_space<vmem>>
      %dma_start3A_375 = arith.constant 0 : i32
      %dma_start3A_376 = arith.constant 0 : i32
      %dma_start3A_377 = tpu.memref_slice %arg2[%dma_start3A_375, %dma_start3A_376] : memref<10000x64xf32, #tpu.memory_space<hbm>> -> memref<10000x64xf32, #tpu.memory_space<hbm>>
      tpu.enqueue_indirect_dma source(%dma_start3A_377 : memref<10000x64xf32, #tpu.memory_space<hbm>>) target(%arg14 : memref<128x64xf32, #tpu.memory_space<vmem>>) offsets(%dma_start3A_374 : memref<128xi32, #tpu.memory_space<vmem>>) semaphore(%arg19 : memref<!tpu.dma_semaphore, #tpu.memory_space<semaphore_mem>>)
    }
    %scan3A_34 = arith.constant 19 : i32
    %dma_wait3A = arith.constant 76 : i32
    %dma_wait3A_35 = arith.constant 0 : i32
    %dma_wait3A_36 = tpu.memref_slice %arg9[%dma_wait3A, %dma_wait3A_35] : memref<80x128xi32, #tpu.memory_space<vmem>> -> memref<1x128xi32, #tpu.memory_space<vmem>>
    %dma_wait3A_37 = tpu.memref_squeeze %dma_wait3A_36 : memref<1x128xi32, #tpu.memory_space<vmem>> -> memref<128xi32, #tpu.memory_space<vmem>>
    %dma_wait3A_38 = arith.constant 0 : i32
    %dma_wait3A_39 = arith.constant 0 : i32
    %dma_wait3A_40 = tpu.memref_slice %arg2[%dma_wait3A_38, %dma_wait3A_39] : memref<10000x64xf32, #tpu.memory_space<hbm>> -> memref<10000x64xf32, #tpu.memory_space<hbm>>
    tpu.wait_indirect_dma semaphore(%arg16 : memref<!tpu.dma_semaphore, #tpu.memory_space<semaphore_mem>>) src(%dma_wait3A_40 : memref<10000x64xf32, #tpu.memory_space<hbm>>) dst(%arg11 : memref<128x64xf32, #tpu.memory_space<vmem>>)
    %dma_start3A_41 = arith.constant 76 : i32
    %dma_start3A_42 = arith.constant 0 : i32
    %dma_start3A_43 = tpu.memref_slice %arg10[%dma_start3A_41, %dma_start3A_42] : memref<80x128xi32, #tpu.memory_space<vmem>> -> memref<1x128xi32, #tpu.memory_space<vmem>>
    %dma_start3A_44 = tpu.memref_squeeze %dma_start3A_43 : memref<1x128xi32, #tpu.memory_space<vmem>> -> memref<128xi32, #tpu.memory_space<vmem>>
    %dma_start3A_45 = arith.constant 0 : i32
    %dma_start3A_46 = arith.constant 0 : i32
    %dma_start3A_47 = tpu.memref_slice %arg15[%dma_start3A_45, %dma_start3A_46] : memref<10240x64xf32, #tpu.memory_space<vmem_shared>> -> memref<10240x64xf32, #tpu.memory_space<vmem_shared>>
    tpu.enqueue_indirect_dma source(%arg11 : memref<128x64xf32, #tpu.memory_space<vmem>>) target(%dma_start3A_47 : memref<10240x64xf32, #tpu.memory_space<vmem_shared>>) offsets(%dma_start3A_44 : memref<128xi32, #tpu.memory_space<vmem>>) semaphore(%arg20 : memref<!tpu.dma_semaphore, #tpu.memory_space<semaphore_mem>>) {add = true}
    %dma_wait3A_48 = arith.constant 77 : i32
    %dma_wait3A_49 = arith.constant 0 : i32
    %dma_wait3A_50 = tpu.memref_slice %arg9[%dma_wait3A_48, %dma_wait3A_49] : memref<80x128xi32, #tpu.memory_space<vmem>> -> memref<1x128xi32, #tpu.memory_space<vmem>>
    %dma_wait3A_51 = tpu.memref_squeeze %dma_wait3A_50 : memref<1x128xi32, #tpu.memory_space<vmem>> -> memref<128xi32, #tpu.memory_space<vmem>>
    %dma_wait3A_52 = arith.constant 0 : i32
    %dma_wait3A_53 = arith.constant 0 : i32
    %dma_wait3A_54 = tpu.memref_slice %arg2[%dma_wait3A_52, %dma_wait3A_53] : memref<10000x64xf32, #tpu.memory_space<hbm>> -> memref<10000x64xf32, #tpu.memory_space<hbm>>
    tpu.wait_indirect_dma semaphore(%arg17 : memref<!tpu.dma_semaphore, #tpu.memory_space<semaphore_mem>>) src(%dma_wait3A_54 : memref<10000x64xf32, #tpu.memory_space<hbm>>) dst(%arg12 : memref<128x64xf32, #tpu.memory_space<vmem>>)
    %dma_start3A_55 = arith.constant 77 : i32
    %dma_start3A_56 = arith.constant 0 : i32
    %dma_start3A_57 = tpu.memref_slice %arg10[%dma_start3A_55, %dma_start3A_56] : memref<80x128xi32, #tpu.memory_space<vmem>> -> memref<1x128xi32, #tpu.memory_space<vmem>>
    %dma_start3A_58 = tpu.memref_squeeze %dma_start3A_57 : memref<1x128xi32, #tpu.memory_space<vmem>> -> memref<128xi32, #tpu.memory_space<vmem>>
    %dma_start3A_59 = arith.constant 0 : i32
    %dma_start3A_60 = arith.constant 0 : i32
    %dma_start3A_61 = tpu.memref_slice %arg15[%dma_start3A_59, %dma_start3A_60] : memref<10240x64xf32, #tpu.memory_space<vmem_shared>> -> memref<10240x64xf32, #tpu.memory_space<vmem_shared>>
    tpu.enqueue_indirect_dma source(%arg12 : memref<128x64xf32, #tpu.memory_space<vmem>>) target(%dma_start3A_61 : memref<10240x64xf32, #tpu.memory_space<vmem_shared>>) offsets(%dma_start3A_58 : memref<128xi32, #tpu.memory_space<vmem>>) semaphore(%arg21 : memref<!tpu.dma_semaphore, #tpu.memory_space<semaphore_mem>>) {add = true}
    %dma_wait3A_62 = arith.constant 78 : i32
    %dma_wait3A_63 = arith.constant 0 : i32
    %dma_wait3A_64 = tpu.memref_slice %arg9[%dma_wait3A_62, %dma_wait3A_63] : memref<80x128xi32, #tpu.memory_space<vmem>> -> memref<1x128xi32, #tpu.memory_space<vmem>>
    %dma_wait3A_65 = tpu.memref_squeeze %dma_wait3A_64 : memref<1x128xi32, #tpu.memory_space<vmem>> -> memref<128xi32, #tpu.memory_space<vmem>>
    %dma_wait3A_66 = arith.constant 0 : i32
    %dma_wait3A_67 = arith.constant 0 : i32
    %dma_wait3A_68 = tpu.memref_slice %arg2[%dma_wait3A_66, %dma_wait3A_67] : memref<10000x64xf32, #tpu.memory_space<hbm>> -> memref<10000x64xf32, #tpu.memory_space<hbm>>
    tpu.wait_indirect_dma semaphore(%arg18 : memref<!tpu.dma_semaphore, #tpu.memory_space<semaphore_mem>>) src(%dma_wait3A_68 : memref<10000x64xf32, #tpu.memory_space<hbm>>) dst(%arg13 : memref<128x64xf32, #tpu.memory_space<vmem>>)
    %dma_start3A_69 = arith.constant 78 : i32
    %dma_start3A_70 = arith.constant 0 : i32
    %dma_start3A_71 = tpu.memref_slice %arg10[%dma_start3A_69, %dma_start3A_70] : memref<80x128xi32, #tpu.memory_space<vmem>> -> memref<1x128xi32, #tpu.memory_space<vmem>>
    %dma_start3A_72 = tpu.memref_squeeze %dma_start3A_71 : memref<1x128xi32, #tpu.memory_space<vmem>> -> memref<128xi32, #tpu.memory_space<vmem>>
    %dma_start3A_73 = arith.constant 0 : i32
    %dma_start3A_74 = arith.constant 0 : i32
    %dma_start3A_75 = tpu.memref_slice %arg15[%dma_start3A_73, %dma_start3A_74] : memref<10240x64xf32, #tpu.memory_space<vmem_shared>> -> memref<10240x64xf32, #tpu.memory_space<vmem_shared>>
    tpu.enqueue_indirect_dma source(%arg13 : memref<128x64xf32, #tpu.memory_space<vmem>>) target(%dma_start3A_75 : memref<10240x64xf32, #tpu.memory_space<vmem_shared>>) offsets(%dma_start3A_72 : memref<128xi32, #tpu.memory_space<vmem>>) semaphore(%arg22 : memref<!tpu.dma_semaphore, #tpu.memory_space<semaphore_mem>>) {add = true}
    %dma_wait3A_76 = arith.constant 79 : i32
    %dma_wait3A_77 = arith.constant 0 : i32
    %dma_wait3A_78 = tpu.memref_slice %arg9[%dma_wait3A_76, %dma_wait3A_77] : memref<80x128xi32, #tpu.memory_space<vmem>> -> memref<1x128xi32, #tpu.memory_space<vmem>>
    %dma_wait3A_79 = tpu.memref_squeeze %dma_wait3A_78 : memref<1x128xi32, #tpu.memory_space<vmem>> -> memref<128xi32, #tpu.memory_space<vmem>>
    %dma_wait3A_80 = arith.constant 0 : i32
    %dma_wait3A_81 = arith.constant 0 : i32
    %dma_wait3A_82 = tpu.memref_slice %arg2[%dma_wait3A_80, %dma_wait3A_81] : memref<10000x64xf32, #tpu.memory_space<hbm>> -> memref<10000x64xf32, #tpu.memory_space<hbm>>
    tpu.wait_indirect_dma semaphore(%arg19 : memref<!tpu.dma_semaphore, #tpu.memory_space<semaphore_mem>>) src(%dma_wait3A_82 : memref<10000x64xf32, #tpu.memory_space<hbm>>) dst(%arg14 : memref<128x64xf32, #tpu.memory_space<vmem>>)
    %dma_start3A_83 = arith.constant 79 : i32
    %dma_start3A_84 = arith.constant 0 : i32
    %dma_start3A_85 = tpu.memref_slice %arg10[%dma_start3A_83, %dma_start3A_84] : memref<80x128xi32, #tpu.memory_space<vmem>> -> memref<1x128xi32, #tpu.memory_space<vmem>>
    %dma_start3A_86 = tpu.memref_squeeze %dma_start3A_85 : memref<1x128xi32, #tpu.memory_space<vmem>> -> memref<128xi32, #tpu.memory_space<vmem>>
    %dma_start3A_87 = arith.constant 0 : i32
    %dma_start3A_88 = arith.constant 0 : i32
    %dma_start3A_89 = tpu.memref_slice %arg15[%dma_start3A_87, %dma_start3A_88] : memref<10240x64xf32, #tpu.memory_space<vmem_shared>> -> memref<10240x64xf32, #tpu.memory_space<vmem_shared>>
    tpu.enqueue_indirect_dma source(%arg14 : memref<128x64xf32, #tpu.memory_space<vmem>>) target(%dma_start3A_89 : memref<10240x64xf32, #tpu.memory_space<vmem_shared>>) offsets(%dma_start3A_86 : memref<128xi32, #tpu.memory_space<vmem>>) semaphore(%arg23 : memref<!tpu.dma_semaphore, #tpu.memory_space<semaphore_mem>>) {add = true}
    %dma_wait3A_90 = arith.constant 76 : i32
    %dma_wait3A_91 = arith.constant 0 : i32
    %dma_wait3A_92 = tpu.memref_slice %arg10[%dma_wait3A_90, %dma_wait3A_91] : memref<80x128xi32, #tpu.memory_space<vmem>> -> memref<1x128xi32, #tpu.memory_space<vmem>>
    %dma_wait3A_93 = tpu.memref_squeeze %dma_wait3A_92 : memref<1x128xi32, #tpu.memory_space<vmem>> -> memref<128xi32, #tpu.memory_space<vmem>>
    %dma_wait3A_94 = arith.constant 0 : i32
    %dma_wait3A_95 = arith.constant 0 : i32
    %dma_wait3A_96 = tpu.memref_slice %arg15[%dma_wait3A_94, %dma_wait3A_95] : memref<10240x64xf32, #tpu.memory_space<vmem_shared>> -> memref<10240x64xf32, #tpu.memory_space<vmem_shared>>
    tpu.wait_indirect_dma semaphore(%arg20 : memref<!tpu.dma_semaphore, #tpu.memory_space<semaphore_mem>>) src(%arg11 : memref<128x64xf32, #tpu.memory_space<vmem>>) dst(%dma_wait3A_96 : memref<10240x64xf32, #tpu.memory_space<vmem_shared>>)
    %dma_wait3A_97 = arith.constant 77 : i32
    %dma_wait3A_98 = arith.constant 0 : i32
    %dma_wait3A_99 = tpu.memref_slice %arg10[%dma_wait3A_97, %dma_wait3A_98] : memref<80x128xi32, #tpu.memory_space<vmem>> -> memref<1x128xi32, #tpu.memory_space<vmem>>
    %dma_wait3A_100 = tpu.memref_squeeze %dma_wait3A_99 : memref<1x128xi32, #tpu.memory_space<vmem>> -> memref<128xi32, #tpu.memory_space<vmem>>
    %dma_wait3A_101 = arith.constant 0 : i32
    %dma_wait3A_102 = arith.constant 0 : i32
    %dma_wait3A_103 = tpu.memref_slice %arg15[%dma_wait3A_101, %dma_wait3A_102] : memref<10240x64xf32, #tpu.memory_space<vmem_shared>> -> memref<10240x64xf32, #tpu.memory_space<vmem_shared>>
    tpu.wait_indirect_dma semaphore(%arg21 : memref<!tpu.dma_semaphore, #tpu.memory_space<semaphore_mem>>) src(%arg12 : memref<128x64xf32, #tpu.memory_space<vmem>>) dst(%dma_wait3A_103 : memref<10240x64xf32, #tpu.memory_space<vmem_shared>>)
    %dma_wait3A_104 = arith.constant 78 : i32
    %dma_wait3A_105 = arith.constant 0 : i32
    %dma_wait3A_106 = tpu.memref_slice %arg10[%dma_wait3A_104, %dma_wait3A_105] : memref<80x128xi32, #tpu.memory_space<vmem>> -> memref<1x128xi32, #tpu.memory_space<vmem>>
    %dma_wait3A_107 = tpu.memref_squeeze %dma_wait3A_106 : memref<1x128xi32, #tpu.memory_space<vmem>> -> memref<128xi32, #tpu.memory_space<vmem>>
    %dma_wait3A_108 = arith.constant 0 : i32
    %dma_wait3A_109 = arith.constant 0 : i32
    %dma_wait3A_110 = tpu.memref_slice %arg15[%dma_wait3A_108, %dma_wait3A_109] : memref<10240x64xf32, #tpu.memory_space<vmem_shared>> -> memref<10240x64xf32, #tpu.memory_space<vmem_shared>>
    tpu.wait_indirect_dma semaphore(%arg22 : memref<!tpu.dma_semaphore, #tpu.memory_space<semaphore_mem>>) src(%arg13 : memref<128x64xf32, #tpu.memory_space<vmem>>) dst(%dma_wait3A_110 : memref<10240x64xf32, #tpu.memory_space<vmem_shared>>)
    %dma_wait3A_111 = arith.constant 79 : i32
    %dma_wait3A_112 = arith.constant 0 : i32
    %dma_wait3A_113 = tpu.memref_slice %arg10[%dma_wait3A_111, %dma_wait3A_112] : memref<80x128xi32, #tpu.memory_space<vmem>> -> memref<1x128xi32, #tpu.memory_space<vmem>>
    %dma_wait3A_114 = tpu.memref_squeeze %dma_wait3A_113 : memref<1x128xi32, #tpu.memory_space<vmem>> -> memref<128xi32, #tpu.memory_space<vmem>>
    %dma_wait3A_115 = arith.constant 0 : i32
    %dma_wait3A_116 = arith.constant 0 : i32
    %dma_wait3A_117 = tpu.memref_slice %arg15[%dma_wait3A_115, %dma_wait3A_116] : memref<10240x64xf32, #tpu.memory_space<vmem_shared>> -> memref<10240x64xf32, #tpu.memory_space<vmem_shared>>
    tpu.wait_indirect_dma semaphore(%arg23 : memref<!tpu.dma_semaphore, #tpu.memory_space<semaphore_mem>>) src(%arg14 : memref<128x64xf32, #tpu.memory_space<vmem>>) dst(%dma_wait3A_117 : memref<10240x64xf32, #tpu.memory_space<vmem_shared>>)
    %barrier3A_118 = arith.constant 0 : index
    tpu.barrier barrier_id(%barrier3A_118)
    "tpu.region"() ({
      %run_scoped3A = tpu.sem_alloc : memref<!tpu.dma_semaphore, #tpu.memory_space<semaphore_mem>>
      %dma_start3A_239 = arith.constant 0 : i32
      %dma_start3A_240 = tpu.memref_slice %arg7[%arg0, %mul3A_2, %dma_start3A_239] : memref<2x10240x64xf32, #tpu.memory_space<hbm>> -> memref<1x640x64xf32, #tpu.memory_space<hbm>>
      %dma_start3A_241 = tpu.memref_squeeze %dma_start3A_240 : memref<1x640x64xf32, #tpu.memory_space<hbm>> -> memref<640x64xf32, #tpu.memory_space<hbm>>
      %dma_start3A_242 = arith.constant 0 : i32
      %dma_start3A_243 = tpu.memref_slice %arg15[%mul3A_2, %dma_start3A_242] : memref<10240x64xf32, #tpu.memory_space<vmem_shared>> -> memref<640x64xf32, #tpu.memory_space<vmem_shared>>
      tpu.enqueue_dma source(%dma_start3A_243 : memref<640x64xf32, #tpu.memory_space<vmem_shared>>) target(%dma_start3A_241 : memref<640x64xf32, #tpu.memory_space<hbm>>) target_semaphore(%run_scoped3A : memref<!tpu.dma_semaphore, #tpu.memory_space<semaphore_mem>>)
      %dma_wait3A_244 = arith.constant 0 : i32
      %dma_wait3A_245 = tpu.memref_slice %arg7[%arg0, %mul3A_2, %dma_wait3A_244] : memref<2x10240x64xf32, #tpu.memory_space<hbm>> -> memref<1x640x64xf32, #tpu.memory_space<hbm>>
      %dma_wait3A_246 = tpu.memref_squeeze %dma_wait3A_245 : memref<1x640x64xf32, #tpu.memory_space<hbm>> -> memref<640x64xf32, #tpu.memory_space<hbm>>
      %dma_wait3A_247 = arith.constant 0 : i32
      %dma_wait3A_248 = tpu.memref_slice %arg15[%mul3A_2, %dma_wait3A_247] : memref<10240x64xf32, #tpu.memory_space<vmem_shared>> -> memref<640x64xf32, #tpu.memory_space<vmem_shared>>
      tpu.wait_dma2 semaphore(%run_scoped3A : memref<!tpu.dma_semaphore, #tpu.memory_space<semaphore_mem>>) src(%dma_wait3A_248 : memref<640x64xf32, #tpu.memory_space<vmem_shared>>) dst(%dma_wait3A_246 : memref<640x64xf32, #tpu.memory_space<hbm>>)
      tpu.yield
    }) : () -> ()
    "tpu.region"() ({
      %run_scoped3A = tpu.sem_alloc : memref<!tpu.dma_semaphore, #tpu.memory_space<semaphore_mem>>
      %dma_start3A_239 = arith.constant 0 : i32
      %dma_start3A_240 = tpu.memref_slice %arg15[%mul3A_2, %dma_start3A_239] : memref<10240x64xf32, #tpu.memory_space<vmem_shared>> -> memref<640x64xf32, #tpu.memory_space<vmem_shared>>
      %dma_start3A_241 = arith.constant 0 : i32
      %dma_start3A_242 = tpu.memref_slice %arg6[%mul3A_2, %dma_start3A_241] : memref<10240x64xf32, #tpu.memory_space<hbm>> -> memref<640x64xf32, #tpu.memory_space<hbm>>
      tpu.enqueue_dma source(%dma_start3A_242 : memref<640x64xf32, #tpu.memory_space<hbm>>) target(%dma_start3A_240 : memref<640x64xf32, #tpu.memory_space<vmem_shared>>) target_semaphore(%run_scoped3A : memref<!tpu.dma_semaphore, #tpu.memory_space<semaphore_mem>>)
      %dma_wait3A_243 = arith.constant 0 : i32
      %dma_wait3A_244 = tpu.memref_slice %arg15[%mul3A_2, %dma_wait3A_243] : memref<10240x64xf32, #tpu.memory_space<vmem_shared>> -> memref<640x64xf32, #tpu.memory_space<vmem_shared>>
      %dma_wait3A_245 = arith.constant 0 : i32
      %dma_wait3A_246 = tpu.memref_slice %arg6[%mul3A_2, %dma_wait3A_245] : memref<10240x64xf32, #tpu.memory_space<hbm>> -> memref<640x64xf32, #tpu.memory_space<hbm>>
      tpu.wait_dma2 semaphore(%run_scoped3A : memref<!tpu.dma_semaphore, #tpu.memory_space<semaphore_mem>>) src(%dma_wait3A_246 : memref<640x64xf32, #tpu.memory_space<hbm>>) dst(%dma_wait3A_244 : memref<640x64xf32, #tpu.memory_space<vmem_shared>>)
      tpu.yield
    }) : () -> ()
    %barrier3A_119 = arith.constant 0 : index
    tpu.barrier barrier_id(%barrier3A_119)
    %dma_start3A_120 = arith.constant 0 : i32
    %dma_start3A_121 = arith.constant 0 : i32
    %dma_start3A_122 = tpu.memref_slice %arg9[%dma_start3A_120, %dma_start3A_121] : memref<80x128xi32, #tpu.memory_space<vmem>> -> memref<1x128xi32, #tpu.memory_space<vmem>>
    %dma_start3A_123 = tpu.memref_squeeze %dma_start3A_122 : memref<1x128xi32, #tpu.memory_space<vmem>> -> memref<128xi32, #tpu.memory_space<vmem>>
    %dma_start3A_124 = arith.constant 0 : i32
    %dma_start3A_125 = arith.constant 0 : i32
    %dma_start3A_126 = tpu.memref_slice %arg3[%dma_start3A_124, %dma_start3A_125] : memref<10000x64xf32, #tpu.memory_space<hbm>> -> memref<10000x64xf32, #tpu.memory_space<hbm>>
    tpu.enqueue_indirect_dma source(%dma_start3A_126 : memref<10000x64xf32, #tpu.memory_space<hbm>>) target(%arg11 : memref<128x64xf32, #tpu.memory_space<vmem>>) offsets(%dma_start3A_123 : memref<128xi32, #tpu.memory_space<vmem>>) semaphore(%arg16 : memref<!tpu.dma_semaphore, #tpu.memory_space<semaphore_mem>>)
    %dma_start3A_127 = arith.constant 1 : i32
    %dma_start3A_128 = arith.constant 0 : i32
    %dma_start3A_129 = tpu.memref_slice %arg9[%dma_start3A_127, %dma_start3A_128] : memref<80x128xi32, #tpu.memory_space<vmem>> -> memref<1x128xi32, #tpu.memory_space<vmem>>
    %dma_start3A_130 = tpu.memref_squeeze %dma_start3A_129 : memref<1x128xi32, #tpu.memory_space<vmem>> -> memref<128xi32, #tpu.memory_space<vmem>>
    %dma_start3A_131 = arith.constant 0 : i32
    %dma_start3A_132 = arith.constant 0 : i32
    %dma_start3A_133 = tpu.memref_slice %arg3[%dma_start3A_131, %dma_start3A_132] : memref<10000x64xf32, #tpu.memory_space<hbm>> -> memref<10000x64xf32, #tpu.memory_space<hbm>>
    tpu.enqueue_indirect_dma source(%dma_start3A_133 : memref<10000x64xf32, #tpu.memory_space<hbm>>) target(%arg12 : memref<128x64xf32, #tpu.memory_space<vmem>>) offsets(%dma_start3A_130 : memref<128xi32, #tpu.memory_space<vmem>>) semaphore(%arg17 : memref<!tpu.dma_semaphore, #tpu.memory_space<semaphore_mem>>)
    %dma_start3A_134 = arith.constant 2 : i32
    %dma_start3A_135 = arith.constant 0 : i32
    %dma_start3A_136 = tpu.memref_slice %arg9[%dma_start3A_134, %dma_start3A_135] : memref<80x128xi32, #tpu.memory_space<vmem>> -> memref<1x128xi32, #tpu.memory_space<vmem>>
    %dma_start3A_137 = tpu.memref_squeeze %dma_start3A_136 : memref<1x128xi32, #tpu.memory_space<vmem>> -> memref<128xi32, #tpu.memory_space<vmem>>
    %dma_start3A_138 = arith.constant 0 : i32
    %dma_start3A_139 = arith.constant 0 : i32
    %dma_start3A_140 = tpu.memref_slice %arg3[%dma_start3A_138, %dma_start3A_139] : memref<10000x64xf32, #tpu.memory_space<hbm>> -> memref<10000x64xf32, #tpu.memory_space<hbm>>
    tpu.enqueue_indirect_dma source(%dma_start3A_140 : memref<10000x64xf32, #tpu.memory_space<hbm>>) target(%arg13 : memref<128x64xf32, #tpu.memory_space<vmem>>) offsets(%dma_start3A_137 : memref<128xi32, #tpu.memory_space<vmem>>) semaphore(%arg18 : memref<!tpu.dma_semaphore, #tpu.memory_space<semaphore_mem>>)
    %dma_start3A_141 = arith.constant 3 : i32
    %dma_start3A_142 = arith.constant 0 : i32
    %dma_start3A_143 = tpu.memref_slice %arg9[%dma_start3A_141, %dma_start3A_142] : memref<80x128xi32, #tpu.memory_space<vmem>> -> memref<1x128xi32, #tpu.memory_space<vmem>>
    %dma_start3A_144 = tpu.memref_squeeze %dma_start3A_143 : memref<1x128xi32, #tpu.memory_space<vmem>> -> memref<128xi32, #tpu.memory_space<vmem>>
    %dma_start3A_145 = arith.constant 0 : i32
    %dma_start3A_146 = arith.constant 0 : i32
    %dma_start3A_147 = tpu.memref_slice %arg3[%dma_start3A_145, %dma_start3A_146] : memref<10000x64xf32, #tpu.memory_space<hbm>> -> memref<10000x64xf32, #tpu.memory_space<hbm>>
    tpu.enqueue_indirect_dma source(%dma_start3A_147 : memref<10000x64xf32, #tpu.memory_space<hbm>>) target(%arg14 : memref<128x64xf32, #tpu.memory_space<vmem>>) offsets(%dma_start3A_144 : memref<128xi32, #tpu.memory_space<vmem>>) semaphore(%arg19 : memref<!tpu.dma_semaphore, #tpu.memory_space<semaphore_mem>>)
    %scan3A_148 = arith.constant 0 : i32
    %scan3A_149 = arith.constant 0 : i32
    %scan3A_150 = arith.constant 19 : i32
    %scan3A_151 = arith.addi %scan3A_149, %scan3A_150 : i32
    %scan3A_152 = arith.constant 1 : i32
    scf.for %scan3A_239 = %scan3A_149 to %scan3A_151 step %scan3A_152  : i32 {
      %mul3A_240 = arith.constant 4 : i32
      %mul3A_241 = arith.muli %mul3A_240, %scan3A_239 : i32
      %add3A_242 = arith.constant 0 : i32
      %add3A_243 = arith.addi %mul3A_241, %add3A_242 : i32
      %dma_wait3A_244 = arith.constant 0 : i32
      %dma_wait3A_245 = tpu.memref_slice %arg9[%add3A_243, %dma_wait3A_244] : memref<80x128xi32, #tpu.memory_space<vmem>> -> memref<1x128xi32, #tpu.memory_space<vmem>>
      %dma_wait3A_246 = tpu.memref_squeeze %dma_wait3A_245 : memref<1x128xi32, #tpu.memory_space<vmem>> -> memref<128xi32, #tpu.memory_space<vmem>>
      %dma_wait3A_247 = arith.constant 0 : i32
      %dma_wait3A_248 = arith.constant 0 : i32
      %dma_wait3A_249 = tpu.memref_slice %arg3[%dma_wait3A_247, %dma_wait3A_248] : memref<10000x64xf32, #tpu.memory_space<hbm>> -> memref<10000x64xf32, #tpu.memory_space<hbm>>
      tpu.wait_indirect_dma semaphore(%arg16 : memref<!tpu.dma_semaphore, #tpu.memory_space<semaphore_mem>>) src(%dma_wait3A_249 : memref<10000x64xf32, #tpu.memory_space<hbm>>) dst(%arg11 : memref<128x64xf32, #tpu.memory_space<vmem>>)
      %add3A_250 = arith.constant 0 : i32
      %add3A_251 = arith.addi %mul3A_241, %add3A_250 : i32
      %dma_start3A_252 = arith.constant 0 : i32
      %dma_start3A_253 = tpu.memref_slice %arg10[%add3A_251, %dma_start3A_252] : memref<80x128xi32, #tpu.memory_space<vmem>> -> memref<1x128xi32, #tpu.memory_space<vmem>>
      %dma_start3A_254 = tpu.memref_squeeze %dma_start3A_253 : memref<1x128xi32, #tpu.memory_space<vmem>> -> memref<128xi32, #tpu.memory_space<vmem>>
      %dma_start3A_255 = arith.constant 0 : i32
      %dma_start3A_256 = arith.constant 0 : i32
      %dma_start3A_257 = tpu.memref_slice %arg15[%dma_start3A_255, %dma_start3A_256] : memref<10240x64xf32, #tpu.memory_space<vmem_shared>> -> memref<10240x64xf32, #tpu.memory_space<vmem_shared>>
      tpu.enqueue_indirect_dma source(%arg11 : memref<128x64xf32, #tpu.memory_space<vmem>>) target(%dma_start3A_257 : memref<10240x64xf32, #tpu.memory_space<vmem_shared>>) offsets(%dma_start3A_254 : memref<128xi32, #tpu.memory_space<vmem>>) semaphore(%arg20 : memref<!tpu.dma_semaphore, #tpu.memory_space<semaphore_mem>>) {add = true}
      %add3A_258 = arith.constant 1 : i32
      %add3A_259 = arith.addi %mul3A_241, %add3A_258 : i32
      %dma_wait3A_260 = arith.constant 0 : i32
      %dma_wait3A_261 = tpu.memref_slice %arg9[%add3A_259, %dma_wait3A_260] : memref<80x128xi32, #tpu.memory_space<vmem>> -> memref<1x128xi32, #tpu.memory_space<vmem>>
      %dma_wait3A_262 = tpu.memref_squeeze %dma_wait3A_261 : memref<1x128xi32, #tpu.memory_space<vmem>> -> memref<128xi32, #tpu.memory_space<vmem>>
      %dma_wait3A_263 = arith.constant 0 : i32
      %dma_wait3A_264 = arith.constant 0 : i32
      %dma_wait3A_265 = tpu.memref_slice %arg3[%dma_wait3A_263, %dma_wait3A_264] : memref<10000x64xf32, #tpu.memory_space<hbm>> -> memref<10000x64xf32, #tpu.memory_space<hbm>>
      tpu.wait_indirect_dma semaphore(%arg17 : memref<!tpu.dma_semaphore, #tpu.memory_space<semaphore_mem>>) src(%dma_wait3A_265 : memref<10000x64xf32, #tpu.memory_space<hbm>>) dst(%arg12 : memref<128x64xf32, #tpu.memory_space<vmem>>)
      %add3A_266 = arith.constant 1 : i32
      %add3A_267 = arith.addi %mul3A_241, %add3A_266 : i32
      %dma_start3A_268 = arith.constant 0 : i32
      %dma_start3A_269 = tpu.memref_slice %arg10[%add3A_267, %dma_start3A_268] : memref<80x128xi32, #tpu.memory_space<vmem>> -> memref<1x128xi32, #tpu.memory_space<vmem>>
      %dma_start3A_270 = tpu.memref_squeeze %dma_start3A_269 : memref<1x128xi32, #tpu.memory_space<vmem>> -> memref<128xi32, #tpu.memory_space<vmem>>
      %dma_start3A_271 = arith.constant 0 : i32
      %dma_start3A_272 = arith.constant 0 : i32
      %dma_start3A_273 = tpu.memref_slice %arg15[%dma_start3A_271, %dma_start3A_272] : memref<10240x64xf32, #tpu.memory_space<vmem_shared>> -> memref<10240x64xf32, #tpu.memory_space<vmem_shared>>
      tpu.enqueue_indirect_dma source(%arg12 : memref<128x64xf32, #tpu.memory_space<vmem>>) target(%dma_start3A_273 : memref<10240x64xf32, #tpu.memory_space<vmem_shared>>) offsets(%dma_start3A_270 : memref<128xi32, #tpu.memory_space<vmem>>) semaphore(%arg21 : memref<!tpu.dma_semaphore, #tpu.memory_space<semaphore_mem>>) {add = true}
      %add3A_274 = arith.constant 2 : i32
      %add3A_275 = arith.addi %mul3A_241, %add3A_274 : i32
      %dma_wait3A_276 = arith.constant 0 : i32
      %dma_wait3A_277 = tpu.memref_slice %arg9[%add3A_275, %dma_wait3A_276] : memref<80x128xi32, #tpu.memory_space<vmem>> -> memref<1x128xi32, #tpu.memory_space<vmem>>
      %dma_wait3A_278 = tpu.memref_squeeze %dma_wait3A_277 : memref<1x128xi32, #tpu.memory_space<vmem>> -> memref<128xi32, #tpu.memory_space<vmem>>
      %dma_wait3A_279 = arith.constant 0 : i32
      %dma_wait3A_280 = arith.constant 0 : i32
      %dma_wait3A_281 = tpu.memref_slice %arg3[%dma_wait3A_279, %dma_wait3A_280] : memref<10000x64xf32, #tpu.memory_space<hbm>> -> memref<10000x64xf32, #tpu.memory_space<hbm>>
      tpu.wait_indirect_dma semaphore(%arg18 : memref<!tpu.dma_semaphore, #tpu.memory_space<semaphore_mem>>) src(%dma_wait3A_281 : memref<10000x64xf32, #tpu.memory_space<hbm>>) dst(%arg13 : memref<128x64xf32, #tpu.memory_space<vmem>>)
      %add3A_282 = arith.constant 2 : i32
      %add3A_283 = arith.addi %mul3A_241, %add3A_282 : i32
      %dma_start3A_284 = arith.constant 0 : i32
      %dma_start3A_285 = tpu.memref_slice %arg10[%add3A_283, %dma_start3A_284] : memref<80x128xi32, #tpu.memory_space<vmem>> -> memref<1x128xi32, #tpu.memory_space<vmem>>
      %dma_start3A_286 = tpu.memref_squeeze %dma_start3A_285 : memref<1x128xi32, #tpu.memory_space<vmem>> -> memref<128xi32, #tpu.memory_space<vmem>>
      %dma_start3A_287 = arith.constant 0 : i32
      %dma_start3A_288 = arith.constant 0 : i32
      %dma_start3A_289 = tpu.memref_slice %arg15[%dma_start3A_287, %dma_start3A_288] : memref<10240x64xf32, #tpu.memory_space<vmem_shared>> -> memref<10240x64xf32, #tpu.memory_space<vmem_shared>>
      tpu.enqueue_indirect_dma source(%arg13 : memref<128x64xf32, #tpu.memory_space<vmem>>) target(%dma_start3A_289 : memref<10240x64xf32, #tpu.memory_space<vmem_shared>>) offsets(%dma_start3A_286 : memref<128xi32, #tpu.memory_space<vmem>>) semaphore(%arg22 : memref<!tpu.dma_semaphore, #tpu.memory_space<semaphore_mem>>) {add = true}
      %add3A_290 = arith.constant 3 : i32
      %add3A_291 = arith.addi %mul3A_241, %add3A_290 : i32
      %dma_wait3A_292 = arith.constant 0 : i32
      %dma_wait3A_293 = tpu.memref_slice %arg9[%add3A_291, %dma_wait3A_292] : memref<80x128xi32, #tpu.memory_space<vmem>> -> memref<1x128xi32, #tpu.memory_space<vmem>>
      %dma_wait3A_294 = tpu.memref_squeeze %dma_wait3A_293 : memref<1x128xi32, #tpu.memory_space<vmem>> -> memref<128xi32, #tpu.memory_space<vmem>>
      %dma_wait3A_295 = arith.constant 0 : i32
      %dma_wait3A_296 = arith.constant 0 : i32
      %dma_wait3A_297 = tpu.memref_slice %arg3[%dma_wait3A_295, %dma_wait3A_296] : memref<10000x64xf32, #tpu.memory_space<hbm>> -> memref<10000x64xf32, #tpu.memory_space<hbm>>
      tpu.wait_indirect_dma semaphore(%arg19 : memref<!tpu.dma_semaphore, #tpu.memory_space<semaphore_mem>>) src(%dma_wait3A_297 : memref<10000x64xf32, #tpu.memory_space<hbm>>) dst(%arg14 : memref<128x64xf32, #tpu.memory_space<vmem>>)
      %add3A_298 = arith.constant 3 : i32
      %add3A_299 = arith.addi %mul3A_241, %add3A_298 : i32
      %dma_start3A_300 = arith.constant 0 : i32
      %dma_start3A_301 = tpu.memref_slice %arg10[%add3A_299, %dma_start3A_300] : memref<80x128xi32, #tpu.memory_space<vmem>> -> memref<1x128xi32, #tpu.memory_space<vmem>>
      %dma_start3A_302 = tpu.memref_squeeze %dma_start3A_301 : memref<1x128xi32, #tpu.memory_space<vmem>> -> memref<128xi32, #tpu.memory_space<vmem>>
      %dma_start3A_303 = arith.constant 0 : i32
      %dma_start3A_304 = arith.constant 0 : i32
      %dma_start3A_305 = tpu.memref_slice %arg15[%dma_start3A_303, %dma_start3A_304] : memref<10240x64xf32, #tpu.memory_space<vmem_shared>> -> memref<10240x64xf32, #tpu.memory_space<vmem_shared>>
      tpu.enqueue_indirect_dma source(%arg14 : memref<128x64xf32, #tpu.memory_space<vmem>>) target(%dma_start3A_305 : memref<10240x64xf32, #tpu.memory_space<vmem_shared>>) offsets(%dma_start3A_302 : memref<128xi32, #tpu.memory_space<vmem>>) semaphore(%arg23 : memref<!tpu.dma_semaphore, #tpu.memory_space<semaphore_mem>>) {add = true}
      %add3A_306 = arith.constant 0 : i32
      %add3A_307 = arith.addi %mul3A_241, %add3A_306 : i32
      %dma_wait3A_308 = arith.constant 0 : i32
      %dma_wait3A_309 = tpu.memref_slice %arg10[%add3A_307, %dma_wait3A_308] : memref<80x128xi32, #tpu.memory_space<vmem>> -> memref<1x128xi32, #tpu.memory_space<vmem>>
      %dma_wait3A_310 = tpu.memref_squeeze %dma_wait3A_309 : memref<1x128xi32, #tpu.memory_space<vmem>> -> memref<128xi32, #tpu.memory_space<vmem>>
      %dma_wait3A_311 = arith.constant 0 : i32
      %dma_wait3A_312 = arith.constant 0 : i32
      %dma_wait3A_313 = tpu.memref_slice %arg15[%dma_wait3A_311, %dma_wait3A_312] : memref<10240x64xf32, #tpu.memory_space<vmem_shared>> -> memref<10240x64xf32, #tpu.memory_space<vmem_shared>>
      tpu.wait_indirect_dma semaphore(%arg20 : memref<!tpu.dma_semaphore, #tpu.memory_space<semaphore_mem>>) src(%arg11 : memref<128x64xf32, #tpu.memory_space<vmem>>) dst(%dma_wait3A_313 : memref<10240x64xf32, #tpu.memory_space<vmem_shared>>)
      %add3A_314 = arith.constant 4 : i32
      %add3A_315 = arith.addi %mul3A_241, %add3A_314 : i32
      %add3A_316 = arith.constant 0 : i32
      %add3A_317 = arith.addi %add3A_315, %add3A_316 : i32
      %dma_start3A_318 = arith.constant 0 : i32
      %dma_start3A_319 = tpu.memref_slice %arg9[%add3A_317, %dma_start3A_318] : memref<80x128xi32, #tpu.memory_space<vmem>> -> memref<1x128xi32, #tpu.memory_space<vmem>>
      %dma_start3A_320 = tpu.memref_squeeze %dma_start3A_319 : memref<1x128xi32, #tpu.memory_space<vmem>> -> memref<128xi32, #tpu.memory_space<vmem>>
      %dma_start3A_321 = arith.constant 0 : i32
      %dma_start3A_322 = arith.constant 0 : i32
      %dma_start3A_323 = tpu.memref_slice %arg3[%dma_start3A_321, %dma_start3A_322] : memref<10000x64xf32, #tpu.memory_space<hbm>> -> memref<10000x64xf32, #tpu.memory_space<hbm>>
      tpu.enqueue_indirect_dma source(%dma_start3A_323 : memref<10000x64xf32, #tpu.memory_space<hbm>>) target(%arg11 : memref<128x64xf32, #tpu.memory_space<vmem>>) offsets(%dma_start3A_320 : memref<128xi32, #tpu.memory_space<vmem>>) semaphore(%arg16 : memref<!tpu.dma_semaphore, #tpu.memory_space<semaphore_mem>>)
      %add3A_324 = arith.constant 1 : i32
      %add3A_325 = arith.addi %mul3A_241, %add3A_324 : i32
      %dma_wait3A_326 = arith.constant 0 : i32
      %dma_wait3A_327 = tpu.memref_slice %arg10[%add3A_325, %dma_wait3A_326] : memref<80x128xi32, #tpu.memory_space<vmem>> -> memref<1x128xi32, #tpu.memory_space<vmem>>
      %dma_wait3A_328 = tpu.memref_squeeze %dma_wait3A_327 : memref<1x128xi32, #tpu.memory_space<vmem>> -> memref<128xi32, #tpu.memory_space<vmem>>
      %dma_wait3A_329 = arith.constant 0 : i32
      %dma_wait3A_330 = arith.constant 0 : i32
      %dma_wait3A_331 = tpu.memref_slice %arg15[%dma_wait3A_329, %dma_wait3A_330] : memref<10240x64xf32, #tpu.memory_space<vmem_shared>> -> memref<10240x64xf32, #tpu.memory_space<vmem_shared>>
      tpu.wait_indirect_dma semaphore(%arg21 : memref<!tpu.dma_semaphore, #tpu.memory_space<semaphore_mem>>) src(%arg12 : memref<128x64xf32, #tpu.memory_space<vmem>>) dst(%dma_wait3A_331 : memref<10240x64xf32, #tpu.memory_space<vmem_shared>>)
      %add3A_332 = arith.constant 4 : i32
      %add3A_333 = arith.addi %mul3A_241, %add3A_332 : i32
      %add3A_334 = arith.constant 1 : i32
      %add3A_335 = arith.addi %add3A_333, %add3A_334 : i32
      %dma_start3A_336 = arith.constant 0 : i32
      %dma_start3A_337 = tpu.memref_slice %arg9[%add3A_335, %dma_start3A_336] : memref<80x128xi32, #tpu.memory_space<vmem>> -> memref<1x128xi32, #tpu.memory_space<vmem>>
      %dma_start3A_338 = tpu.memref_squeeze %dma_start3A_337 : memref<1x128xi32, #tpu.memory_space<vmem>> -> memref<128xi32, #tpu.memory_space<vmem>>
      %dma_start3A_339 = arith.constant 0 : i32
      %dma_start3A_340 = arith.constant 0 : i32
      %dma_start3A_341 = tpu.memref_slice %arg3[%dma_start3A_339, %dma_start3A_340] : memref<10000x64xf32, #tpu.memory_space<hbm>> -> memref<10000x64xf32, #tpu.memory_space<hbm>>
      tpu.enqueue_indirect_dma source(%dma_start3A_341 : memref<10000x64xf32, #tpu.memory_space<hbm>>) target(%arg12 : memref<128x64xf32, #tpu.memory_space<vmem>>) offsets(%dma_start3A_338 : memref<128xi32, #tpu.memory_space<vmem>>) semaphore(%arg17 : memref<!tpu.dma_semaphore, #tpu.memory_space<semaphore_mem>>)
      %add3A_342 = arith.constant 2 : i32
      %add3A_343 = arith.addi %mul3A_241, %add3A_342 : i32
      %dma_wait3A_344 = arith.constant 0 : i32
      %dma_wait3A_345 = tpu.memref_slice %arg10[%add3A_343, %dma_wait3A_344] : memref<80x128xi32, #tpu.memory_space<vmem>> -> memref<1x128xi32, #tpu.memory_space<vmem>>
      %dma_wait3A_346 = tpu.memref_squeeze %dma_wait3A_345 : memref<1x128xi32, #tpu.memory_space<vmem>> -> memref<128xi32, #tpu.memory_space<vmem>>
      %dma_wait3A_347 = arith.constant 0 : i32
      %dma_wait3A_348 = arith.constant 0 : i32
      %dma_wait3A_349 = tpu.memref_slice %arg15[%dma_wait3A_347, %dma_wait3A_348] : memref<10240x64xf32, #tpu.memory_space<vmem_shared>> -> memref<10240x64xf32, #tpu.memory_space<vmem_shared>>
      tpu.wait_indirect_dma semaphore(%arg22 : memref<!tpu.dma_semaphore, #tpu.memory_space<semaphore_mem>>) src(%arg13 : memref<128x64xf32, #tpu.memory_space<vmem>>) dst(%dma_wait3A_349 : memref<10240x64xf32, #tpu.memory_space<vmem_shared>>)
      %add3A_350 = arith.constant 4 : i32
      %add3A_351 = arith.addi %mul3A_241, %add3A_350 : i32
      %add3A_352 = arith.constant 2 : i32
      %add3A_353 = arith.addi %add3A_351, %add3A_352 : i32
      %dma_start3A_354 = arith.constant 0 : i32
      %dma_start3A_355 = tpu.memref_slice %arg9[%add3A_353, %dma_start3A_354] : memref<80x128xi32, #tpu.memory_space<vmem>> -> memref<1x128xi32, #tpu.memory_space<vmem>>
      %dma_start3A_356 = tpu.memref_squeeze %dma_start3A_355 : memref<1x128xi32, #tpu.memory_space<vmem>> -> memref<128xi32, #tpu.memory_space<vmem>>
      %dma_start3A_357 = arith.constant 0 : i32
      %dma_start3A_358 = arith.constant 0 : i32
      %dma_start3A_359 = tpu.memref_slice %arg3[%dma_start3A_357, %dma_start3A_358] : memref<10000x64xf32, #tpu.memory_space<hbm>> -> memref<10000x64xf32, #tpu.memory_space<hbm>>
      tpu.enqueue_indirect_dma source(%dma_start3A_359 : memref<10000x64xf32, #tpu.memory_space<hbm>>) target(%arg13 : memref<128x64xf32, #tpu.memory_space<vmem>>) offsets(%dma_start3A_356 : memref<128xi32, #tpu.memory_space<vmem>>) semaphore(%arg18 : memref<!tpu.dma_semaphore, #tpu.memory_space<semaphore_mem>>)
      %add3A_360 = arith.constant 3 : i32
      %add3A_361 = arith.addi %mul3A_241, %add3A_360 : i32
      %dma_wait3A_362 = arith.constant 0 : i32
      %dma_wait3A_363 = tpu.memref_slice %arg10[%add3A_361, %dma_wait3A_362] : memref<80x128xi32, #tpu.memory_space<vmem>> -> memref<1x128xi32, #tpu.memory_space<vmem>>
      %dma_wait3A_364 = tpu.memref_squeeze %dma_wait3A_363 : memref<1x128xi32, #tpu.memory_space<vmem>> -> memref<128xi32, #tpu.memory_space<vmem>>
      %dma_wait3A_365 = arith.constant 0 : i32
      %dma_wait3A_366 = arith.constant 0 : i32
      %dma_wait3A_367 = tpu.memref_slice %arg15[%dma_wait3A_365, %dma_wait3A_366] : memref<10240x64xf32, #tpu.memory_space<vmem_shared>> -> memref<10240x64xf32, #tpu.memory_space<vmem_shared>>
      tpu.wait_indirect_dma semaphore(%arg23 : memref<!tpu.dma_semaphore, #tpu.memory_space<semaphore_mem>>) src(%arg14 : memref<128x64xf32, #tpu.memory_space<vmem>>) dst(%dma_wait3A_367 : memref<10240x64xf32, #tpu.memory_space<vmem_shared>>)
      %add3A_368 = arith.constant 4 : i32
      %add3A_369 = arith.addi %mul3A_241, %add3A_368 : i32
      %add3A_370 = arith.constant 3 : i32
      %add3A_371 = arith.addi %add3A_369, %add3A_370 : i32
      %dma_start3A_372 = arith.constant 0 : i32
      %dma_start3A_373 = tpu.memref_slice %arg9[%add3A_371, %dma_start3A_372] : memref<80x128xi32, #tpu.memory_space<vmem>> -> memref<1x128xi32, #tpu.memory_space<vmem>>
      %dma_start3A_374 = tpu.memref_squeeze %dma_start3A_373 : memref<1x128xi32, #tpu.memory_space<vmem>> -> memref<128xi32, #tpu.memory_space<vmem>>
      %dma_start3A_375 = arith.constant 0 : i32
      %dma_start3A_376 = arith.constant 0 : i32
      %dma_start3A_377 = tpu.memref_slice %arg3[%dma_start3A_375, %dma_start3A_376] : memref<10000x64xf32, #tpu.memory_space<hbm>> -> memref<10000x64xf32, #tpu.memory_space<hbm>>
      tpu.enqueue_indirect_dma source(%dma_start3A_377 : memref<10000x64xf32, #tpu.memory_space<hbm>>) target(%arg14 : memref<128x64xf32, #tpu.memory_space<vmem>>) offsets(%dma_start3A_374 : memref<128xi32, #tpu.memory_space<vmem>>) semaphore(%arg19 : memref<!tpu.dma_semaphore, #tpu.memory_space<semaphore_mem>>)
    }
    %scan3A_153 = arith.constant 19 : i32
    %dma_wait3A_154 = arith.constant 76 : i32
    %dma_wait3A_155 = arith.constant 0 : i32
    %dma_wait3A_156 = tpu.memref_slice %arg9[%dma_wait3A_154, %dma_wait3A_155] : memref<80x128xi32, #tpu.memory_space<vmem>> -> memref<1x128xi32, #tpu.memory_space<vmem>>
    %dma_wait3A_157 = tpu.memref_squeeze %dma_wait3A_156 : memref<1x128xi32, #tpu.memory_space<vmem>> -> memref<128xi32, #tpu.memory_space<vmem>>
    %dma_wait3A_158 = arith.constant 0 : i32
    %dma_wait3A_159 = arith.constant 0 : i32
    %dma_wait3A_160 = tpu.memref_slice %arg3[%dma_wait3A_158, %dma_wait3A_159] : memref<10000x64xf32, #tpu.memory_space<hbm>> -> memref<10000x64xf32, #tpu.memory_space<hbm>>
    tpu.wait_indirect_dma semaphore(%arg16 : memref<!tpu.dma_semaphore, #tpu.memory_space<semaphore_mem>>) src(%dma_wait3A_160 : memref<10000x64xf32, #tpu.memory_space<hbm>>) dst(%arg11 : memref<128x64xf32, #tpu.memory_space<vmem>>)
    %dma_start3A_161 = arith.constant 76 : i32
    %dma_start3A_162 = arith.constant 0 : i32
    %dma_start3A_163 = tpu.memref_slice %arg10[%dma_start3A_161, %dma_start3A_162] : memref<80x128xi32, #tpu.memory_space<vmem>> -> memref<1x128xi32, #tpu.memory_space<vmem>>
    %dma_start3A_164 = tpu.memref_squeeze %dma_start3A_163 : memref<1x128xi32, #tpu.memory_space<vmem>> -> memref<128xi32, #tpu.memory_space<vmem>>
    %dma_start3A_165 = arith.constant 0 : i32
    %dma_start3A_166 = arith.constant 0 : i32
    %dma_start3A_167 = tpu.memref_slice %arg15[%dma_start3A_165, %dma_start3A_166] : memref<10240x64xf32, #tpu.memory_space<vmem_shared>> -> memref<10240x64xf32, #tpu.memory_space<vmem_shared>>
    tpu.enqueue_indirect_dma source(%arg11 : memref<128x64xf32, #tpu.memory_space<vmem>>) target(%dma_start3A_167 : memref<10240x64xf32, #tpu.memory_space<vmem_shared>>) offsets(%dma_start3A_164 : memref<128xi32, #tpu.memory_space<vmem>>) semaphore(%arg20 : memref<!tpu.dma_semaphore, #tpu.memory_space<semaphore_mem>>) {add = true}
    %dma_wait3A_168 = arith.constant 77 : i32
    %dma_wait3A_169 = arith.constant 0 : i32
    %dma_wait3A_170 = tpu.memref_slice %arg9[%dma_wait3A_168, %dma_wait3A_169] : memref<80x128xi32, #tpu.memory_space<vmem>> -> memref<1x128xi32, #tpu.memory_space<vmem>>
    %dma_wait3A_171 = tpu.memref_squeeze %dma_wait3A_170 : memref<1x128xi32, #tpu.memory_space<vmem>> -> memref<128xi32, #tpu.memory_space<vmem>>
    %dma_wait3A_172 = arith.constant 0 : i32
    %dma_wait3A_173 = arith.constant 0 : i32
    %dma_wait3A_174 = tpu.memref_slice %arg3[%dma_wait3A_172, %dma_wait3A_173] : memref<10000x64xf32, #tpu.memory_space<hbm>> -> memref<10000x64xf32, #tpu.memory_space<hbm>>
    tpu.wait_indirect_dma semaphore(%arg17 : memref<!tpu.dma_semaphore, #tpu.memory_space<semaphore_mem>>) src(%dma_wait3A_174 : memref<10000x64xf32, #tpu.memory_space<hbm>>) dst(%arg12 : memref<128x64xf32, #tpu.memory_space<vmem>>)
    %dma_start3A_175 = arith.constant 77 : i32
    %dma_start3A_176 = arith.constant 0 : i32
    %dma_start3A_177 = tpu.memref_slice %arg10[%dma_start3A_175, %dma_start3A_176] : memref<80x128xi32, #tpu.memory_space<vmem>> -> memref<1x128xi32, #tpu.memory_space<vmem>>
    %dma_start3A_178 = tpu.memref_squeeze %dma_start3A_177 : memref<1x128xi32, #tpu.memory_space<vmem>> -> memref<128xi32, #tpu.memory_space<vmem>>
    %dma_start3A_179 = arith.constant 0 : i32
    %dma_start3A_180 = arith.constant 0 : i32
    %dma_start3A_181 = tpu.memref_slice %arg15[%dma_start3A_179, %dma_start3A_180] : memref<10240x64xf32, #tpu.memory_space<vmem_shared>> -> memref<10240x64xf32, #tpu.memory_space<vmem_shared>>
    tpu.enqueue_indirect_dma source(%arg12 : memref<128x64xf32, #tpu.memory_space<vmem>>) target(%dma_start3A_181 : memref<10240x64xf32, #tpu.memory_space<vmem_shared>>) offsets(%dma_start3A_178 : memref<128xi32, #tpu.memory_space<vmem>>) semaphore(%arg21 : memref<!tpu.dma_semaphore, #tpu.memory_space<semaphore_mem>>) {add = true}
    %dma_wait3A_182 = arith.constant 78 : i32
    %dma_wait3A_183 = arith.constant 0 : i32
    %dma_wait3A_184 = tpu.memref_slice %arg9[%dma_wait3A_182, %dma_wait3A_183] : memref<80x128xi32, #tpu.memory_space<vmem>> -> memref<1x128xi32, #tpu.memory_space<vmem>>
    %dma_wait3A_185 = tpu.memref_squeeze %dma_wait3A_184 : memref<1x128xi32, #tpu.memory_space<vmem>> -> memref<128xi32, #tpu.memory_space<vmem>>
    %dma_wait3A_186 = arith.constant 0 : i32
    %dma_wait3A_187 = arith.constant 0 : i32
    %dma_wait3A_188 = tpu.memref_slice %arg3[%dma_wait3A_186, %dma_wait3A_187] : memref<10000x64xf32, #tpu.memory_space<hbm>> -> memref<10000x64xf32, #tpu.memory_space<hbm>>
    tpu.wait_indirect_dma semaphore(%arg18 : memref<!tpu.dma_semaphore, #tpu.memory_space<semaphore_mem>>) src(%dma_wait3A_188 : memref<10000x64xf32, #tpu.memory_space<hbm>>) dst(%arg13 : memref<128x64xf32, #tpu.memory_space<vmem>>)
    %dma_start3A_189 = arith.constant 78 : i32
    %dma_start3A_190 = arith.constant 0 : i32
    %dma_start3A_191 = tpu.memref_slice %arg10[%dma_start3A_189, %dma_start3A_190] : memref<80x128xi32, #tpu.memory_space<vmem>> -> memref<1x128xi32, #tpu.memory_space<vmem>>
    %dma_start3A_192 = tpu.memref_squeeze %dma_start3A_191 : memref<1x128xi32, #tpu.memory_space<vmem>> -> memref<128xi32, #tpu.memory_space<vmem>>
    %dma_start3A_193 = arith.constant 0 : i32
    %dma_start3A_194 = arith.constant 0 : i32
    %dma_start3A_195 = tpu.memref_slice %arg15[%dma_start3A_193, %dma_start3A_194] : memref<10240x64xf32, #tpu.memory_space<vmem_shared>> -> memref<10240x64xf32, #tpu.memory_space<vmem_shared>>
    tpu.enqueue_indirect_dma source(%arg13 : memref<128x64xf32, #tpu.memory_space<vmem>>) target(%dma_start3A_195 : memref<10240x64xf32, #tpu.memory_space<vmem_shared>>) offsets(%dma_start3A_192 : memref<128xi32, #tpu.memory_space<vmem>>) semaphore(%arg22 : memref<!tpu.dma_semaphore, #tpu.memory_space<semaphore_mem>>) {add = true}
    %dma_wait3A_196 = arith.constant 79 : i32
    %dma_wait3A_197 = arith.constant 0 : i32
    %dma_wait3A_198 = tpu.memref_slice %arg9[%dma_wait3A_196, %dma_wait3A_197] : memref<80x128xi32, #tpu.memory_space<vmem>> -> memref<1x128xi32, #tpu.memory_space<vmem>>
    %dma_wait3A_199 = tpu.memref_squeeze %dma_wait3A_198 : memref<1x128xi32, #tpu.memory_space<vmem>> -> memref<128xi32, #tpu.memory_space<vmem>>
    %dma_wait3A_200 = arith.constant 0 : i32
    %dma_wait3A_201 = arith.constant 0 : i32
    %dma_wait3A_202 = tpu.memref_slice %arg3[%dma_wait3A_200, %dma_wait3A_201] : memref<10000x64xf32, #tpu.memory_space<hbm>> -> memref<10000x64xf32, #tpu.memory_space<hbm>>
    tpu.wait_indirect_dma semaphore(%arg19 : memref<!tpu.dma_semaphore, #tpu.memory_space<semaphore_mem>>) src(%dma_wait3A_202 : memref<10000x64xf32, #tpu.memory_space<hbm>>) dst(%arg14 : memref<128x64xf32, #tpu.memory_space<vmem>>)
    %dma_start3A_203 = arith.constant 79 : i32
    %dma_start3A_204 = arith.constant 0 : i32
    %dma_start3A_205 = tpu.memref_slice %arg10[%dma_start3A_203, %dma_start3A_204] : memref<80x128xi32, #tpu.memory_space<vmem>> -> memref<1x128xi32, #tpu.memory_space<vmem>>
    %dma_start3A_206 = tpu.memref_squeeze %dma_start3A_205 : memref<1x128xi32, #tpu.memory_space<vmem>> -> memref<128xi32, #tpu.memory_space<vmem>>
    %dma_start3A_207 = arith.constant 0 : i32
    %dma_start3A_208 = arith.constant 0 : i32
    %dma_start3A_209 = tpu.memref_slice %arg15[%dma_start3A_207, %dma_start3A_208] : memref<10240x64xf32, #tpu.memory_space<vmem_shared>> -> memref<10240x64xf32, #tpu.memory_space<vmem_shared>>
    tpu.enqueue_indirect_dma source(%arg14 : memref<128x64xf32, #tpu.memory_space<vmem>>) target(%dma_start3A_209 : memref<10240x64xf32, #tpu.memory_space<vmem_shared>>) offsets(%dma_start3A_206 : memref<128xi32, #tpu.memory_space<vmem>>) semaphore(%arg23 : memref<!tpu.dma_semaphore, #tpu.memory_space<semaphore_mem>>) {add = true}
    %dma_wait3A_210 = arith.constant 76 : i32
    %dma_wait3A_211 = arith.constant 0 : i32
    %dma_wait3A_212 = tpu.memref_slice %arg10[%dma_wait3A_210, %dma_wait3A_211] : memref<80x128xi32, #tpu.memory_space<vmem>> -> memref<1x128xi32, #tpu.memory_space<vmem>>
    %dma_wait3A_213 = tpu.memref_squeeze %dma_wait3A_212 : memref<1x128xi32, #tpu.memory_space<vmem>> -> memref<128xi32, #tpu.memory_space<vmem>>
    %dma_wait3A_214 = arith.constant 0 : i32
    %dma_wait3A_215 = arith.constant 0 : i32
    %dma_wait3A_216 = tpu.memref_slice %arg15[%dma_wait3A_214, %dma_wait3A_215] : memref<10240x64xf32, #tpu.memory_space<vmem_shared>> -> memref<10240x64xf32, #tpu.memory_space<vmem_shared>>
    tpu.wait_indirect_dma semaphore(%arg20 : memref<!tpu.dma_semaphore, #tpu.memory_space<semaphore_mem>>) src(%arg11 : memref<128x64xf32, #tpu.memory_space<vmem>>) dst(%dma_wait3A_216 : memref<10240x64xf32, #tpu.memory_space<vmem_shared>>)
    %dma_wait3A_217 = arith.constant 77 : i32
    %dma_wait3A_218 = arith.constant 0 : i32
    %dma_wait3A_219 = tpu.memref_slice %arg10[%dma_wait3A_217, %dma_wait3A_218] : memref<80x128xi32, #tpu.memory_space<vmem>> -> memref<1x128xi32, #tpu.memory_space<vmem>>
    %dma_wait3A_220 = tpu.memref_squeeze %dma_wait3A_219 : memref<1x128xi32, #tpu.memory_space<vmem>> -> memref<128xi32, #tpu.memory_space<vmem>>
    %dma_wait3A_221 = arith.constant 0 : i32
    %dma_wait3A_222 = arith.constant 0 : i32
    %dma_wait3A_223 = tpu.memref_slice %arg15[%dma_wait3A_221, %dma_wait3A_222] : memref<10240x64xf32, #tpu.memory_space<vmem_shared>> -> memref<10240x64xf32, #tpu.memory_space<vmem_shared>>
    tpu.wait_indirect_dma semaphore(%arg21 : memref<!tpu.dma_semaphore, #tpu.memory_space<semaphore_mem>>) src(%arg12 : memref<128x64xf32, #tpu.memory_space<vmem>>) dst(%dma_wait3A_223 : memref<10240x64xf32, #tpu.memory_space<vmem_shared>>)
    %dma_wait3A_224 = arith.constant 78 : i32
    %dma_wait3A_225 = arith.constant 0 : i32
    %dma_wait3A_226 = tpu.memref_slice %arg10[%dma_wait3A_224, %dma_wait3A_225] : memref<80x128xi32, #tpu.memory_space<vmem>> -> memref<1x128xi32, #tpu.memory_space<vmem>>
    %dma_wait3A_227 = tpu.memref_squeeze %dma_wait3A_226 : memref<1x128xi32, #tpu.memory_space<vmem>> -> memref<128xi32, #tpu.memory_space<vmem>>
    %dma_wait3A_228 = arith.constant 0 : i32
    %dma_wait3A_229 = arith.constant 0 : i32
    %dma_wait3A_230 = tpu.memref_slice %arg15[%dma_wait3A_228, %dma_wait3A_229] : memref<10240x64xf32, #tpu.memory_space<vmem_shared>> -> memref<10240x64xf32, #tpu.memory_space<vmem_shared>>
    tpu.wait_indirect_dma semaphore(%arg22 : memref<!tpu.dma_semaphore, #tpu.memory_space<semaphore_mem>>) src(%arg13 : memref<128x64xf32, #tpu.memory_space<vmem>>) dst(%dma_wait3A_230 : memref<10240x64xf32, #tpu.memory_space<vmem_shared>>)
    %dma_wait3A_231 = arith.constant 79 : i32
    %dma_wait3A_232 = arith.constant 0 : i32
    %dma_wait3A_233 = tpu.memref_slice %arg10[%dma_wait3A_231, %dma_wait3A_232] : memref<80x128xi32, #tpu.memory_space<vmem>> -> memref<1x128xi32, #tpu.memory_space<vmem>>
    %dma_wait3A_234 = tpu.memref_squeeze %dma_wait3A_233 : memref<1x128xi32, #tpu.memory_space<vmem>> -> memref<128xi32, #tpu.memory_space<vmem>>
    %dma_wait3A_235 = arith.constant 0 : i32
    %dma_wait3A_236 = arith.constant 0 : i32
    %dma_wait3A_237 = tpu.memref_slice %arg15[%dma_wait3A_235, %dma_wait3A_236] : memref<10240x64xf32, #tpu.memory_space<vmem_shared>> -> memref<10240x64xf32, #tpu.memory_space<vmem_shared>>
    tpu.wait_indirect_dma semaphore(%arg23 : memref<!tpu.dma_semaphore, #tpu.memory_space<semaphore_mem>>) src(%arg14 : memref<128x64xf32, #tpu.memory_space<vmem>>) dst(%dma_wait3A_237 : memref<10240x64xf32, #tpu.memory_space<vmem_shared>>)
    %barrier3A_238 = arith.constant 0 : index
    tpu.barrier barrier_id(%barrier3A_238)
    "tpu.region"() ({
      %run_scoped3A = tpu.sem_alloc : memref<!tpu.dma_semaphore, #tpu.memory_space<semaphore_mem>>
      %dma_start3A_239 = arith.constant 0 : i32
      %dma_start3A_240 = tpu.memref_slice %arg8[%arg0, %mul3A_2, %dma_start3A_239] : memref<2x10240x64xf32, #tpu.memory_space<hbm>> -> memref<1x640x64xf32, #tpu.memory_space<hbm>>
      %dma_start3A_241 = tpu.memref_squeeze %dma_start3A_240 : memref<1x640x64xf32, #tpu.memory_space<hbm>> -> memref<640x64xf32, #tpu.memory_space<hbm>>
      %dma_start3A_242 = arith.constant 0 : i32
      %dma_start3A_243 = tpu.memref_slice %arg15[%mul3A_2, %dma_start3A_242] : memref<10240x64xf32, #tpu.memory_space<vmem_shared>> -> memref<640x64xf32, #tpu.memory_space<vmem_shared>>
      tpu.enqueue_dma source(%dma_start3A_243 : memref<640x64xf32, #tpu.memory_space<vmem_shared>>) target(%dma_start3A_241 : memref<640x64xf32, #tpu.memory_space<hbm>>) target_semaphore(%run_scoped3A : memref<!tpu.dma_semaphore, #tpu.memory_space<semaphore_mem>>)
      %dma_wait3A_244 = arith.constant 0 : i32
      %dma_wait3A_245 = tpu.memref_slice %arg8[%arg0, %mul3A_2, %dma_wait3A_244] : memref<2x10240x64xf32, #tpu.memory_space<hbm>> -> memref<1x640x64xf32, #tpu.memory_space<hbm>>
      %dma_wait3A_246 = tpu.memref_squeeze %dma_wait3A_245 : memref<1x640x64xf32, #tpu.memory_space<hbm>> -> memref<640x64xf32, #tpu.memory_space<hbm>>
      %dma_wait3A_247 = arith.constant 0 : i32
      %dma_wait3A_248 = tpu.memref_slice %arg15[%mul3A_2, %dma_wait3A_247] : memref<10240x64xf32, #tpu.memory_space<vmem_shared>> -> memref<640x64xf32, #tpu.memory_space<vmem_shared>>
      tpu.wait_dma2 semaphore(%run_scoped3A : memref<!tpu.dma_semaphore, #tpu.memory_space<semaphore_mem>>) src(%dma_wait3A_248 : memref<640x64xf32, #tpu.memory_space<vmem_shared>>) dst(%dma_wait3A_246 : memref<640x64xf32, #tpu.memory_space<hbm>>)
      tpu.yield
    }) : () -> ()
    return
  }
}

module attributes {stable_mosaic.version = 14 : i64} {
  func.func @_mm_scale_body(%arg0: i32, %arg1: memref<1000x128xf32, #tpu.memory_space<vmem>>, %arg2: memref<128x128xf32, #tpu.memory_space<vmem>>, %arg3: memref<1000x1xf32, #tpu.memory_space<vmem>>, %arg4: memref<1000x1xf32, #tpu.memory_space<vmem>>, %arg5: memref<1000x64xf32, #tpu.memory_space<vmem>>, %arg6: memref<1000x64xf32, #tpu.memory_space<vmem>>) attributes {dimension_semantics = [#tpu.dimension_semantics<arbitrary>], iteration_bounds = array<i64: 10>, scalar_prefetch = 0 : i64, scratch_operands = 0 : i64, tpu.core_type = #tpu.core_type<tc>, window_params = [{transform_indices = @transform_0, window_bounds = array<i64: 1000, 128>}, {pipeline_mode = #tpu.pipeline_mode<synchronous>, transform_indices = @transform_1, window_bounds = array<i64: 128, 128>}, {transform_indices = @transform_2, window_bounds = array<i64: 1000, 1>}, {transform_indices = @transform_3, window_bounds = array<i64: 1000, 1>}, {transform_indices = @transform_4, window_bounds = array<i64: 1000, 64>}, {transform_indices = @transform_5, window_bounds = array<i64: 1000, 64>}]} {
    %get3A = arith.constant 0 : index
    %get3A_0 = arith.constant 0 : index
    %get3A_1 = vector.load %arg3[%get3A, %get3A_0] : memref<1000x1xf32, #tpu.memory_space<vmem>>, vector<1000x1xf32>
    %get3A_2 = arith.constant 0 : index
    %get3A_3 = arith.constant 0 : index
    %get3A_4 = vector.load %arg4[%get3A_2, %get3A_3] : memref<1000x1xf32, #tpu.memory_space<vmem>>, vector<1000x1xf32>
    %add3A = arith.addf %get3A_1, %get3A_4 : vector<1000x1xf32>
    %add3A_5 = arith.constant 1.000000e+00 : f32
    %add3A_6 = vector.broadcast %add3A_5 : f32 to vector<1000x1xf32>
    %add3A_7 = arith.addf %add3A, %add3A_6 : vector<1000x1xf32>
    %rsqrt3A = math.rsqrt %add3A_7 : vector<1000x1xf32>
    %get3A_8 = arith.constant 0 : index
    %get3A_9 = arith.constant 0 : index
    %get3A_10 = vector.load %arg1[%get3A_8, %get3A_9] : memref<1000x128xf32, #tpu.memory_space<vmem>>, vector<1000x128xf32>
    %get3A_11 = arith.constant 0 : index
    %get3A_12 = arith.constant 0 : index
    %get3A_13 = vector.load %arg2[%get3A_11, %get3A_12] : memref<128x128xf32, #tpu.memory_space<vmem>>, vector<128x128xf32>
    %dot_general3A = arith.constant dense<0.000000e+00> : vector<1000x128xf32>
    %dot_general3A_14 = tpu.matmul %get3A_10, %get3A_13, %dot_general3A {dimension_numbers = #tpu.dot_dimension_numbers<[1], [0], [0], [1], [0, 0, 1, 1], [], []>, transpose_lhs_hint = false} : vector<1000x128xf32>, vector<128x128xf32>, vector<1000x128xf32> -> vector<1000x128xf32>
    %mul3A = vector.broadcast %rsqrt3A : vector<1000x1xf32> to vector<1000x128xf32>
    %mul3A_15 = arith.mulf %dot_general3A_14, %mul3A : vector<1000x128xf32>
    %slice3A = vector.extract_strided_slice %mul3A_15 {offsets = [0, 0], sizes = [1000, 64], strides = [1, 1]} : vector<1000x128xf32> to vector<1000x64xf32>
    %swap3A = arith.constant 0 : index
    %swap3A_16 = arith.constant 0 : index
    %swap3A_17 = vector.load %arg5[%swap3A, %swap3A_16] : memref<1000x64xf32, #tpu.memory_space<vmem>>, vector<1000x64xf32>
    tpu.vector_store %arg5[%swap3A, %swap3A_16], %slice3A {strides = array<i32>} : memref<1000x64xf32, #tpu.memory_space<vmem>>, vector<1000x64xf32>,
    %slice3A_18 = vector.extract_strided_slice %mul3A_15 {offsets = [0, 64], sizes = [1000, 64], strides = [1, 1]} : vector<1000x128xf32> to vector<1000x64xf32>
    %swap3A_19 = arith.constant 0 : index
    %swap3A_20 = arith.constant 0 : index
    %swap3A_21 = vector.load %arg6[%swap3A_19, %swap3A_20] : memref<1000x64xf32, #tpu.memory_space<vmem>>, vector<1000x64xf32>
    tpu.vector_store %arg6[%swap3A_19, %swap3A_20], %slice3A_18 {strides = array<i32>} : memref<1000x64xf32, #tpu.memory_space<vmem>>, vector<1000x64xf32>,
    return
  }
  func.func @transform_0(%arg0: i32) -> (i32, i32) {
    %c0_i32 = arith.constant 0 : i32
    %c0_i32_0 = arith.constant 0 : i32
    return %arg0, %c0_i32 : i32, i32
  }
  func.func @transform_1(%arg0: i32) -> (i32, i32) {
    %c0_i32 = arith.constant 0 : i32
    %c0_i32_0 = arith.constant 0 : i32
    %c0_i32_1 = arith.constant 0 : i32
    return %c0_i32, %c0_i32_0 : i32, i32
  }
  func.func @transform_2(%arg0: i32) -> (i32, i32) {
    %c0_i32 = arith.constant 0 : i32
    %c0_i32_0 = arith.constant 0 : i32
    return %arg0, %c0_i32 : i32, i32
  }
  func.func @transform_3(%arg0: i32) -> (i32, i32) {
    %c0_i32 = arith.constant 0 : i32
    %c0_i32_0 = arith.constant 0 : i32
    return %arg0, %c0_i32 : i32, i32
  }
  func.func @transform_4(%arg0: i32) -> (i32, i32) {
    %c0_i32 = arith.constant 0 : i32
    %c0_i32_0 = arith.constant 0 : i32
    return %arg0, %c0_i32 : i32, i32
  }
  func.func @transform_5(%arg0: i32) -> (i32, i32) {
    %c0_i32 = arith.constant 0 : i32
    %c0_i32_0 = arith.constant 0 : i32
    return %arg0, %c0_i32 : i32, i32
  }
}

module attributes {stable_mosaic.version = 14 : i64} {
  func.func @_layer2_body(%arg0: i32, %arg1: memref<1000x64xf32, #tpu.memory_space<vmem>>, %arg2: memref<1000x64xf32, #tpu.memory_space<vmem>>, %arg3: memref<1000x64xf32, #tpu.memory_space<vmem>>, %arg4: memref<1000x64xf32, #tpu.memory_space<vmem>>, %arg5: memref<1000x64xf32, #tpu.memory_space<vmem>>, %arg6: memref<1000x64xf32, #tpu.memory_space<vmem>>, %arg7: memref<1000x1xf32, #tpu.memory_space<vmem>>, %arg8: memref<1000x1xf32, #tpu.memory_space<vmem>>, %arg9: memref<1x128xf32, #tpu.memory_space<vmem>>, %arg10: memref<128x64xf32, #tpu.memory_space<vmem>>, %arg11: memref<1000x64xf32, #tpu.memory_space<vmem>>) attributes {dimension_semantics = [#tpu.dimension_semantics<arbitrary>], iteration_bounds = array<i64: 10>, scalar_prefetch = 0 : i64, scratch_operands = 0 : i64, tpu.core_type = #tpu.core_type<tc>, window_params = [{transform_indices = @transform_0, window_bounds = array<i64: 1000, 64>}, {transform_indices = @transform_1, window_bounds = array<i64: 1000, 64>}, {transform_indices = @transform_2, window_bounds = array<i64: 1000, 64>}, {transform_indices = @transform_3, window_bounds = array<i64: 1000, 64>}, {transform_indices = @transform_4, window_bounds = array<i64: 1000, 64>}, {transform_indices = @transform_5, window_bounds = array<i64: 1000, 64>}, {transform_indices = @transform_6, window_bounds = array<i64: 1000, 1>}, {transform_indices = @transform_7, window_bounds = array<i64: 1000, 1>}, {pipeline_mode = #tpu.pipeline_mode<synchronous>, transform_indices = @transform_8, window_bounds = array<i64: 1, 128>}, {pipeline_mode = #tpu.pipeline_mode<synchronous>, transform_indices = @transform_9, window_bounds = array<i64: 128, 64>}, {transform_indices = @transform_10, window_bounds = array<i64: 1000, 64>}]} {
    %get3A = arith.constant 0 : index
    %get3A_0 = arith.constant 0 : index
    %get3A_1 = vector.load %arg7[%get3A, %get3A_0] : memref<1000x1xf32, #tpu.memory_space<vmem>>, vector<1000x1xf32>
    %get3A_2 = arith.constant 0 : index
    %get3A_3 = arith.constant 0 : index
    %get3A_4 = vector.load %arg8[%get3A_2, %get3A_3] : memref<1000x1xf32, #tpu.memory_space<vmem>>, vector<1000x1xf32>
    %add3A = arith.addf %get3A_1, %get3A_4 : vector<1000x1xf32>
    %add3A_5 = arith.constant 1.000000e+00 : f32
    %add3A_6 = vector.broadcast %add3A_5 : f32 to vector<1000x1xf32>
    %add3A_7 = arith.addf %add3A, %add3A_6 : vector<1000x1xf32>
    %rsqrt3A = math.rsqrt %add3A_7 : vector<1000x1xf32>
    %get3A_8 = arith.constant 0 : index
    %get3A_9 = arith.constant 0 : index
    %get3A_10 = vector.load %arg9[%get3A_8, %get3A_9] : memref<1x128xf32, #tpu.memory_space<vmem>>, vector<1x128xf32>
    %get3A_11 = arith.constant 0 : index
    %get3A_12 = arith.constant 0 : index
    %get3A_13 = vector.load %arg1[%get3A_11, %get3A_12] : memref<1000x64xf32, #tpu.memory_space<vmem>>, vector<1000x64xf32>
    %get3A_14 = arith.constant 0 : index
    %get3A_15 = arith.constant 0 : index
    %get3A_16 = vector.load %arg2[%get3A_14, %get3A_15] : memref<1000x64xf32, #tpu.memory_space<vmem>>, vector<1000x64xf32>
    %add3A_17 = arith.addf %get3A_13, %get3A_16 : vector<1000x64xf32>
    %get3A_18 = arith.constant 0 : index
    %get3A_19 = arith.constant 0 : index
    %get3A_20 = vector.load %arg5[%get3A_18, %get3A_19] : memref<1000x64xf32, #tpu.memory_space<vmem>>, vector<1000x64xf32>
    %add3A_21 = arith.addf %add3A_17, %get3A_20 : vector<1000x64xf32>
    %mul3A = vector.broadcast %rsqrt3A : vector<1000x1xf32> to vector<1000x64xf32>
    %mul3A_22 = arith.mulf %mul3A, %add3A_21 : vector<1000x64xf32>
    %slice3A = vector.extract_strided_slice %get3A_10 {offsets = [0, 0], sizes = [1, 64], strides = [1, 1]} : vector<1x128xf32> to vector<1x64xf32>
    %add3A_23 = vector.broadcast %slice3A : vector<1x64xf32> to vector<1000x64xf32>
    %add3A_24 = arith.addf %mul3A_22, %add3A_23 : vector<1000x64xf32>
    %max3A = arith.constant 0.000000e+00 : f32
    %max3A_25 = vector.broadcast %max3A : f32 to vector<1000x64xf32>
    %max3A_26 = arith.maximumf %add3A_24, %max3A_25 : vector<1000x64xf32>
    %get3A_27 = arith.constant 0 : index
    %get3A_28 = arith.constant 0 : index
    %get3A_29 = vector.load %arg3[%get3A_27, %get3A_28] : memref<1000x64xf32, #tpu.memory_space<vmem>>, vector<1000x64xf32>
    %get3A_30 = arith.constant 0 : index
    %get3A_31 = arith.constant 0 : index
    %get3A_32 = vector.load %arg4[%get3A_30, %get3A_31] : memref<1000x64xf32, #tpu.memory_space<vmem>>, vector<1000x64xf32>
    %add3A_33 = arith.addf %get3A_29, %get3A_32 : vector<1000x64xf32>
    %get3A_34 = arith.constant 0 : index
    %get3A_35 = arith.constant 0 : index
    %get3A_36 = vector.load %arg6[%get3A_34, %get3A_35] : memref<1000x64xf32, #tpu.memory_space<vmem>>, vector<1000x64xf32>
    %add3A_37 = arith.addf %add3A_33, %get3A_36 : vector<1000x64xf32>
    %mul3A_38 = vector.broadcast %rsqrt3A : vector<1000x1xf32> to vector<1000x64xf32>
    %mul3A_39 = arith.mulf %mul3A_38, %add3A_37 : vector<1000x64xf32>
    %slice3A_40 = vector.extract_strided_slice %get3A_10 {offsets = [0, 64], sizes = [1, 64], strides = [1, 1]} : vector<1x128xf32> to vector<1x64xf32>
    %add3A_41 = vector.broadcast %slice3A_40 : vector<1x64xf32> to vector<1000x64xf32>
    %add3A_42 = arith.addf %mul3A_39, %add3A_41 : vector<1000x64xf32>
    %max3A_43 = arith.constant 0.000000e+00 : f32
    %max3A_44 = vector.broadcast %max3A_43 : f32 to vector<1000x64xf32>
    %max3A_45 = arith.maximumf %add3A_42, %max3A_44 : vector<1000x64xf32>
    %get3A_46 = arith.constant 0 : index
    %get3A_47 = arith.constant 0 : index
    %get3A_48 = vector.load %arg10[%get3A_46, %get3A_47] : memref<128x64xf32, #tpu.memory_space<vmem>>, vector<128x64xf32>
    %slice3A_49 = vector.extract_strided_slice %get3A_48 {offsets = [0, 0], sizes = [64, 64], strides = [1, 1]} : vector<128x64xf32> to vector<64x64xf32>
    %dot_general3A = arith.constant dense<0.000000e+00> : vector<1000x64xf32>
    %dot_general3A_50 = tpu.matmul %max3A_26, %slice3A_49, %dot_general3A {dimension_numbers = #tpu.dot_dimension_numbers<[1], [0], [0], [1], [0, 0, 1, 1], [], []>, transpose_lhs_hint = false} : vector<1000x64xf32>, vector<64x64xf32>, vector<1000x64xf32> -> vector<1000x64xf32>
    %slice3A_51 = vector.extract_strided_slice %get3A_48 {offsets = [64, 0], sizes = [64, 64], strides = [1, 1]} : vector<128x64xf32> to vector<64x64xf32>
    %dot_general3A_52 = arith.constant dense<0.000000e+00> : vector<1000x64xf32>
    %dot_general3A_53 = tpu.matmul %max3A_45, %slice3A_51, %dot_general3A_52 {dimension_numbers = #tpu.dot_dimension_numbers<[1], [0], [0], [1], [0, 0, 1, 1], [], []>, transpose_lhs_hint = false} : vector<1000x64xf32>, vector<64x64xf32>, vector<1000x64xf32> -> vector<1000x64xf32>
    %add3A_54 = arith.addf %dot_general3A_50, %dot_general3A_53 : vector<1000x64xf32>
    %mul3A_55 = vector.broadcast %rsqrt3A : vector<1000x1xf32> to vector<1000x64xf32>
    %mul3A_56 = arith.mulf %mul3A_55, %add3A_54 : vector<1000x64xf32>
    %swap3A = arith.constant 0 : index
    %swap3A_57 = arith.constant 0 : index
    %swap3A_58 = vector.load %arg11[%swap3A, %swap3A_57] : memref<1000x64xf32, #tpu.memory_space<vmem>>, vector<1000x64xf32>
    tpu.vector_store %arg11[%swap3A, %swap3A_57], %mul3A_56 {strides = array<i32>} : memref<1000x64xf32, #tpu.memory_space<vmem>>, vector<1000x64xf32>,
    return
  }
  func.func @transform_0(%arg0: i32) -> (i32, i32) {
    %c0_i32 = arith.constant 0 : i32
    %c0_i32_0 = arith.constant 0 : i32
    return %arg0, %c0_i32 : i32, i32
  }
  func.func @transform_1(%arg0: i32) -> (i32, i32) {
    %c0_i32 = arith.constant 0 : i32
    %c0_i32_0 = arith.constant 0 : i32
    return %arg0, %c0_i32 : i32, i32
  }
  func.func @transform_2(%arg0: i32) -> (i32, i32) {
    %c0_i32 = arith.constant 0 : i32
    %c0_i32_0 = arith.constant 0 : i32
    return %arg0, %c0_i32 : i32, i32
  }
  func.func @transform_3(%arg0: i32) -> (i32, i32) {
    %c0_i32 = arith.constant 0 : i32
    %c0_i32_0 = arith.constant 0 : i32
    return %arg0, %c0_i32 : i32, i32
  }
  func.func @transform_4(%arg0: i32) -> (i32, i32) {
    %c0_i32 = arith.constant 0 : i32
    %c0_i32_0 = arith.constant 0 : i32
    return %arg0, %c0_i32 : i32, i32
  }
  func.func @transform_5(%arg0: i32) -> (i32, i32) {
    %c0_i32 = arith.constant 0 : i32
    %c0_i32_0 = arith.constant 0 : i32
    return %arg0, %c0_i32 : i32, i32
  }
  func.func @transform_6(%arg0: i32) -> (i32, i32) {
    %c0_i32 = arith.constant 0 : i32
    %c0_i32_0 = arith.constant 0 : i32
    return %arg0, %c0_i32 : i32, i32
  }
  func.func @transform_7(%arg0: i32) -> (i32, i32) {
    %c0_i32 = arith.constant 0 : i32
    %c0_i32_0 = arith.constant 0 : i32
    return %arg0, %c0_i32 : i32, i32
  }
  func.func @transform_8(%arg0: i32) -> (i32, i32) {
    %c0_i32 = arith.constant 0 : i32
    %c0_i32_0 = arith.constant 0 : i32
    %c0_i32_1 = arith.constant 0 : i32
    return %c0_i32, %c0_i32_0 : i32, i32
  }
  func.func @transform_9(%arg0: i32) -> (i32, i32) {
    %c0_i32 = arith.constant 0 : i32
    %c0_i32_0 = arith.constant 0 : i32
    %c0_i32_1 = arith.constant 0 : i32
    return %c0_i32, %c0_i32_0 : i32, i32
  }
  func.func @transform_10(%arg0: i32) -> (i32, i32) {
    %c0_i32 = arith.constant 0 : i32
    %c0_i32_0 = arith.constant 0 : i32
    return %arg0, %c0_i32 : i32, i32
  }
}

module attributes {stable_mosaic.version = 14 : i64} {
  func.func @_head_body(%arg0: i32, %arg1: memref<1000x64xf32, #tpu.memory_space<vmem>>, %arg2: memref<1000x64xf32, #tpu.memory_space<vmem>>, %arg3: memref<1000x64xf32, #tpu.memory_space<vmem>>, %arg4: memref<1000x1xf32, #tpu.memory_space<vmem>>, %arg5: memref<1000x1xf32, #tpu.memory_space<vmem>>, %arg6: memref<1x64xf32, #tpu.memory_space<vmem>>, %arg7: memref<64x32xf32, #tpu.memory_space<vmem>>, %arg8: memref<1x32xf32, #tpu.memory_space<vmem>>, %arg9: memref<32x2xf32, #tpu.memory_space<vmem>>, %arg10: memref<1x2xf32, #tpu.memory_space<vmem>>, %arg11: memref<1000x2xf32, #tpu.memory_space<vmem>>, %arg12: memref<1x1xf32, #tpu.memory_space<vmem>>, %arg13: memref<2xf32, #tpu.memory_space<smem>>) attributes {dimension_semantics = [#tpu.dimension_semantics<arbitrary>], iteration_bounds = array<i64: 10>, scalar_prefetch = 0 : i64, scratch_operands = 1 : i64, tpu.core_type = #tpu.core_type<tc>, window_params = [{transform_indices = @transform_0, window_bounds = array<i64: 1000, 64>}, {transform_indices = @transform_1, window_bounds = array<i64: 1000, 64>}, {transform_indices = @transform_2, window_bounds = array<i64: 1000, 64>}, {transform_indices = @transform_3, window_bounds = array<i64: 1000, 1>}, {transform_indices = @transform_4, window_bounds = array<i64: 1000, 1>}, {pipeline_mode = #tpu.pipeline_mode<synchronous>, transform_indices = @transform_5, window_bounds = array<i64: 1, 64>}, {pipeline_mode = #tpu.pipeline_mode<synchronous>, transform_indices = @transform_6, window_bounds = array<i64: 64, 32>}, {pipeline_mode = #tpu.pipeline_mode<synchronous>, transform_indices = @transform_7, window_bounds = array<i64: 1, 32>}, {pipeline_mode = #tpu.pipeline_mode<synchronous>, transform_indices = @transform_8, window_bounds = array<i64: 32, 2>}, {pipeline_mode = #tpu.pipeline_mode<synchronous>, transform_indices = @transform_9, window_bounds = array<i64: 1, 2>}, {transform_indices = @transform_10, window_bounds = array<i64: 1000, 2>}, {pipeline_mode = #tpu.pipeline_mode<synchronous>, transform_indices = @transform_11, window_bounds = array<i64: 1, 1>}]} {
    %eq3A = arith.constant 0 : i32
    %eq3A_0 = arith.cmpi eq, %arg0, %eq3A : i32
    %convert_element_type3A = arith.extui %eq3A_0 : i1 to i32
    %cond3A = arith.constant 0 : i32
    %cond3A_1 = arith.cmpi ne, %convert_element_type3A, %cond3A : i32
    scf.if %cond3A_1 {
      %swap3A_82 = arith.constant 0.000000e+00 : f32
      %swap3A_83 = arith.constant 0 : index
      %swap3A_84 = memref.load %arg13[%swap3A_83] : memref<2xf32, #tpu.memory_space<smem>>
      memref.store %swap3A_82, %arg13[%swap3A_83] : memref<2xf32, #tpu.memory_space<smem>>
      %swap3A_85 = arith.constant 0.000000e+00 : f32
      %swap3A_86 = arith.constant 1 : index
      %swap3A_87 = memref.load %arg13[%swap3A_86] : memref<2xf32, #tpu.memory_space<smem>>
      memref.store %swap3A_85, %arg13[%swap3A_86] : memref<2xf32, #tpu.memory_space<smem>>
    } else {
    }
    %get3A = arith.constant 0 : index
    %get3A_2 = arith.constant 0 : index
    %get3A_3 = vector.load %arg4[%get3A, %get3A_2] : memref<1000x1xf32, #tpu.memory_space<vmem>>, vector<1000x1xf32>
    %get3A_4 = arith.constant 0 : index
    %get3A_5 = arith.constant 0 : index
    %get3A_6 = vector.load %arg5[%get3A_4, %get3A_5] : memref<1000x1xf32, #tpu.memory_space<vmem>>, vector<1000x1xf32>
    %add3A = arith.addf %get3A_3, %get3A_6 : vector<1000x1xf32>
    %add3A_7 = arith.constant 1.000000e+00 : f32
    %add3A_8 = vector.broadcast %add3A_7 : f32 to vector<1000x1xf32>
    %add3A_9 = arith.addf %add3A, %add3A_8 : vector<1000x1xf32>
    %rsqrt3A = math.rsqrt %add3A_9 : vector<1000x1xf32>
    %get3A_10 = arith.constant 0 : index
    %get3A_11 = arith.constant 0 : index
    %get3A_12 = vector.load %arg1[%get3A_10, %get3A_11] : memref<1000x64xf32, #tpu.memory_space<vmem>>, vector<1000x64xf32>
    %get3A_13 = arith.constant 0 : index
    %get3A_14 = arith.constant 0 : index
    %get3A_15 = vector.load %arg2[%get3A_13, %get3A_14] : memref<1000x64xf32, #tpu.memory_space<vmem>>, vector<1000x64xf32>
    %add3A_16 = arith.addf %get3A_12, %get3A_15 : vector<1000x64xf32>
    %get3A_17 = arith.constant 0 : index
    %get3A_18 = arith.constant 0 : index
    %get3A_19 = vector.load %arg3[%get3A_17, %get3A_18] : memref<1000x64xf32, #tpu.memory_space<vmem>>, vector<1000x64xf32>
    %add3A_20 = arith.addf %add3A_16, %get3A_19 : vector<1000x64xf32>
    %mul3A = vector.broadcast %rsqrt3A : vector<1000x1xf32> to vector<1000x64xf32>
    %mul3A_21 = arith.mulf %mul3A, %add3A_20 : vector<1000x64xf32>
    %get3A_22 = arith.constant 0 : index
    %get3A_23 = arith.constant 0 : index
    %get3A_24 = vector.load %arg6[%get3A_22, %get3A_23] : memref<1x64xf32, #tpu.memory_space<vmem>>, vector<1x64xf32>
    %add3A_25 = vector.broadcast %get3A_24 : vector<1x64xf32> to vector<1000x64xf32>
    %add3A_26 = arith.addf %mul3A_21, %add3A_25 : vector<1000x64xf32>
    %get3A_27 = arith.constant 0 : index
    %get3A_28 = arith.constant 0 : index
    %get3A_29 = vector.load %arg7[%get3A_27, %get3A_28] : memref<64x32xf32, #tpu.memory_space<vmem>>, vector<64x32xf32>
    %dot_general3A = arith.constant dense<0.000000e+00> : vector<1000x32xf32>
    %dot_general3A_30 = tpu.matmul %add3A_26, %get3A_29, %dot_general3A {dimension_numbers = #tpu.dot_dimension_numbers<[1], [0], [0], [1], [0, 0, 1, 1], [], []>, transpose_lhs_hint = false} : vector<1000x64xf32>, vector<64x32xf32>, vector<1000x32xf32> -> vector<1000x32xf32>
    %get3A_31 = arith.constant 0 : index
    %get3A_32 = arith.constant 0 : index
    %get3A_33 = vector.load %arg8[%get3A_31, %get3A_32] : memref<1x32xf32, #tpu.memory_space<vmem>>, vector<1x32xf32>
    %add3A_34 = vector.broadcast %get3A_33 : vector<1x32xf32> to vector<1000x32xf32>
    %add3A_35 = arith.addf %dot_general3A_30, %add3A_34 : vector<1000x32xf32>
    %tanh3A = math.tanh %add3A_35 : vector<1000x32xf32>
    %get3A_36 = arith.constant 0 : index
    %get3A_37 = arith.constant 0 : index
    %get3A_38 = vector.load %arg9[%get3A_36, %get3A_37] : memref<32x2xf32, #tpu.memory_space<vmem>>, vector<32x2xf32>
    %dot_general3A_39 = arith.constant dense<0.000000e+00> : vector<1000x2xf32>
    %dot_general3A_40 = tpu.matmul %tanh3A, %get3A_38, %dot_general3A_39 {dimension_numbers = #tpu.dot_dimension_numbers<[1], [0], [0], [1], [0, 0, 1, 1], [], []>, transpose_lhs_hint = false} : vector<1000x32xf32>, vector<32x2xf32>, vector<1000x2xf32> -> vector<1000x2xf32>
    %get3A_41 = arith.constant 0 : index
    %get3A_42 = arith.constant 0 : index
    %get3A_43 = vector.load %arg10[%get3A_41, %get3A_42] : memref<1x2xf32, #tpu.memory_space<vmem>>, vector<1x2xf32>
    %add3A_44 = vector.broadcast %get3A_43 : vector<1x2xf32> to vector<1000x2xf32>
    %add3A_45 = arith.addf %dot_general3A_40, %add3A_44 : vector<1000x2xf32>
    %reduce_max3A = arith.constant dense<0xFF800000> : vector<1000xf32>
    %reduce_max3A_46 = vector.multi_reduction <maximumf>, %add3A_45, %reduce_max3A [1] : vector<1000x2xf32> to vector<1000xf32>
    %broadcast_in_dim3A = vector.shape_cast %reduce_max3A_46 : vector<1000xf32> to vector<1000x1xf32>
    %sub3A = vector.broadcast %broadcast_in_dim3A : vector<1000x1xf32> to vector<1000x2xf32>
    %sub3A_47 = arith.subf %add3A_45, %sub3A : vector<1000x2xf32>
    %exp3A = math.exp %sub3A_47 : vector<1000x2xf32>
    %reduce_sum3A = arith.constant dense<0.000000e+00> : vector<1000xf32>
    %reduce_sum3A_48 = vector.multi_reduction <add>, %exp3A, %reduce_sum3A [1] : vector<1000x2xf32> to vector<1000xf32>
    %broadcast_in_dim3A_49 = vector.shape_cast %reduce_sum3A_48 : vector<1000xf32> to vector<1000x1xf32>
    %div3A = vector.broadcast %broadcast_in_dim3A_49 : vector<1000x1xf32> to vector<1000x2xf32>
    %div3A_50 = arith.divf %exp3A, %div3A : vector<1000x2xf32>
    %swap3A = arith.constant 0 : index
    %swap3A_51 = arith.constant 0 : index
    %swap3A_52 = vector.load %arg11[%swap3A, %swap3A_51] : memref<1000x2xf32, #tpu.memory_space<vmem>>, vector<1000x2xf32>
    tpu.vector_store %arg11[%swap3A, %swap3A_51], %div3A_50 {strides = array<i32>} : memref<1000x2xf32, #tpu.memory_space<vmem>>, vector<1000x2xf32>,
    %sub3A_53 = arith.constant 5.000000e-01 : f32
    %sub3A_54 = vector.broadcast %sub3A_53 : f32 to vector<1000x2xf32>
    %sub3A_55 = arith.subf %div3A_50, %sub3A_54 : vector<1000x2xf32>
    %get3A_56 = arith.constant 0 : index
    %get3A_57 = memref.load %arg13[%get3A_56] : memref<2xf32, #tpu.memory_space<smem>>
    %reduce_sum3A_58 = vector.shape_cast %sub3A_55 : vector<1000x2xf32> to vector<1x1000x2xf32>
    %reduce_sum3A_59 = arith.constant dense<0.000000e+00> : vector<1xf32>
    %reduce_sum3A_60 = vector.multi_reduction <add>, %reduce_sum3A_58, %reduce_sum3A_59 [1, 2] : vector<1x1000x2xf32> to vector<1xf32>
    %reduce_sum3A_61 = vector.shape_cast %reduce_sum3A_60 : vector<1xf32> to vector<1x1x1xf32>
    %reduce_sum3A_62 = vector.extract %reduce_sum3A_61[0, 0, 0] : f32 from vector<1x1x1xf32>
    %add3A_63 = arith.addf %get3A_57, %reduce_sum3A_62 : f32
    %swap3A_64 = arith.constant 0 : index
    %swap3A_65 = memref.load %arg13[%swap3A_64] : memref<2xf32, #tpu.memory_space<smem>>
    memref.store %add3A_63, %arg13[%swap3A_64] : memref<2xf32, #tpu.memory_space<smem>>
    %get3A_66 = arith.constant 1 : index
    %get3A_67 = memref.load %arg13[%get3A_66] : memref<2xf32, #tpu.memory_space<smem>>
    %mul3A_68 = arith.mulf %sub3A_55, %sub3A_55 : vector<1000x2xf32>
    %reduce_sum3A_69 = vector.shape_cast %mul3A_68 : vector<1000x2xf32> to vector<1x1000x2xf32>
    %reduce_sum3A_70 = arith.constant dense<0.000000e+00> : vector<1xf32>
    %reduce_sum3A_71 = vector.multi_reduction <add>, %reduce_sum3A_69, %reduce_sum3A_70 [1, 2] : vector<1x1000x2xf32> to vector<1xf32>
    %reduce_sum3A_72 = vector.shape_cast %reduce_sum3A_71 : vector<1xf32> to vector<1x1x1xf32>
    %reduce_sum3A_73 = vector.extract %reduce_sum3A_72[0, 0, 0] : f32 from vector<1x1x1xf32>
    %add3A_74 = arith.addf %get3A_67, %reduce_sum3A_73 : f32
    %swap3A_75 = arith.constant 1 : index
    %swap3A_76 = memref.load %arg13[%swap3A_75] : memref<2xf32, #tpu.memory_space<smem>>
    memref.store %add3A_74, %arg13[%swap3A_75] : memref<2xf32, #tpu.memory_space<smem>>
    %eq3A_77 = arith.constant 9 : i32
    %eq3A_78 = arith.cmpi eq, %arg0, %eq3A_77 : i32
    %convert_element_type3A_79 = arith.extui %eq3A_78 : i1 to i32
    %cond3A_80 = arith.constant 0 : i32
    %cond3A_81 = arith.cmpi ne, %convert_element_type3A_79, %cond3A_80 : i32
    scf.if %cond3A_81 {
      %get3A_82 = arith.constant 0 : index
      %get3A_83 = memref.load %arg13[%get3A_82] : memref<2xf32, #tpu.memory_space<smem>>
      %get3A_84 = arith.constant 1 : index
      %get3A_85 = memref.load %arg13[%get3A_84] : memref<2xf32, #tpu.memory_space<smem>>
      %mul3A_86 = arith.mulf %get3A_83, %get3A_83 : f32
      %div3A_87 = arith.constant 2.000000e+04 : f32
      %div3A_88 = arith.divf %mul3A_86, %div3A_87 : f32
      %sub3A_89 = arith.subf %get3A_85, %div3A_88 : f32
      %div3A_90 = arith.constant 1.999900e+04 : f32
      %div3A_91 = arith.divf %sub3A_89, %div3A_90 : f32
      %broadcast_in_dim3A_92 = vector.broadcast %div3A_91 : f32 to vector<1x1xf32>
      %swap3A_93 = arith.constant 0 : index
      %swap3A_94 = arith.constant 0 : index
      %swap3A_95 = vector.load %arg12[%swap3A_93, %swap3A_94] : memref<1x1xf32, #tpu.memory_space<vmem>>, vector<1x1xf32>
      tpu.vector_store %arg12[%swap3A_93, %swap3A_94], %broadcast_in_dim3A_92 {strides = array<i32>} : memref<1x1xf32, #tpu.memory_space<vmem>>, vector<1x1xf32>,
    } else {
    }
    return
  }
  func.func @transform_0(%arg0: i32) -> (i32, i32) {
    %c0_i32 = arith.constant 0 : i32
    %c0_i32_0 = arith.constant 0 : i32
    return %arg0, %c0_i32 : i32, i32
  }
  func.func @transform_1(%arg0: i32) -> (i32, i32) {
    %c0_i32 = arith.constant 0 : i32
    %c0_i32_0 = arith.constant 0 : i32
    return %arg0, %c0_i32 : i32, i32
  }
  func.func @transform_2(%arg0: i32) -> (i32, i32) {
    %c0_i32 = arith.constant 0 : i32
    %c0_i32_0 = arith.constant 0 : i32
    return %arg0, %c0_i32 : i32, i32
  }
  func.func @transform_3(%arg0: i32) -> (i32, i32) {
    %c0_i32 = arith.constant 0 : i32
    %c0_i32_0 = arith.constant 0 : i32
    return %arg0, %c0_i32 : i32, i32
  }
  func.func @transform_4(%arg0: i32) -> (i32, i32) {
    %c0_i32 = arith.constant 0 : i32
    %c0_i32_0 = arith.constant 0 : i32
    return %arg0, %c0_i32 : i32, i32
  }
  func.func @transform_5(%arg0: i32) -> (i32, i32) {
    %c0_i32 = arith.constant 0 : i32
    %c0_i32_0 = arith.constant 0 : i32
    %c0_i32_1 = arith.constant 0 : i32
    return %c0_i32, %c0_i32_0 : i32, i32
  }
  func.func @transform_6(%arg0: i32) -> (i32, i32) {
    %c0_i32 = arith.constant 0 : i32
    %c0_i32_0 = arith.constant 0 : i32
    %c0_i32_1 = arith.constant 0 : i32
    return %c0_i32, %c0_i32_0 : i32, i32
  }
  func.func @transform_7(%arg0: i32) -> (i32, i32) {
    %c0_i32 = arith.constant 0 : i32
    %c0_i32_0 = arith.constant 0 : i32
    %c0_i32_1 = arith.constant 0 : i32
    return %c0_i32, %c0_i32_0 : i32, i32
  }
  func.func @transform_8(%arg0: i32) -> (i32, i32) {
    %c0_i32 = arith.constant 0 : i32
    %c0_i32_0 = arith.constant 0 : i32
    %c0_i32_1 = arith.constant 0 : i32
    return %c0_i32, %c0_i32_0 : i32, i32
  }
  func.func @transform_9(%arg0: i32) -> (i32, i32) {
    %c0_i32 = arith.constant 0 : i32
    %c0_i32_0 = arith.constant 0 : i32
    %c0_i32_1 = arith.constant 0 : i32
    return %c0_i32, %c0_i32_0 : i32, i32
  }
  func.func @transform_10(%arg0: i32) -> (i32, i32) {
    %c0_i32 = arith.constant 0 : i32
    %c0_i32_0 = arith.constant 0 : i32
    return %arg0, %c0_i32 : i32, i32
  }
  func.func @transform_11(%arg0: i32) -> (i32, i32) {
    %c0_i32 = arith.constant 0 : i32
    %c0_i32_0 = arith.constant 0 : i32
    %c0_i32_1 = arith.constant 0 : i32
    return %c0_i32, %c0_i32_0 : i32, i32
  }
}

</mosaic_0001>

<sc_bundles>
// kernel: kernel.11.cloned.1.call-start
scs
__scs_entry_jumppad:
0x0: {  	(pc) =	sbr.rel $0x88, $3  }
0x1: {  	(tag) =	ssettag $0x0;
	lr =	simm.s32 $0x1  }
0x2: {  	[smem:$0x3F97] =	sst lr;
	_ =	strace $0xD0000000  }
0x3: {  	_ = 	snop  }
0x4: {  	_ = 	snop  }
0x5: {  	_ = 	snop  }
0x6: {  	_ = 	snop  }
0x7: {  	_ = 	snop  }
__scs_overlays_trampoline_lowered:
0x8: {  	[smem:$0x3FA6] =	sst s0  }
0x9: {  	[smem:$0x3FA7] =	sst s1  }
0xa: {  	[smem:$0x3FA8] =	sst s2  }
0xb: {  	[smem:$0x3FA9] =	sst s3  }
0xc: {  	[smem:$0x3FAA] =	sst s4  }
0xd: {  	[smem:$0x3FAB] =	sst s5  }
0xe: {  	[smem:$0x3FAC] =	sst s6  }
0xf: {  	[smem:$0x3FAD] =	sst s7  }
0x10: {  	[smem:$0x3FAE] =	sst s8  }
0x11: {  	[smem:$0x3FAF] =	sst s9;
	s0 =	simm.s32 @!p0 $0x0  }
0x12: {  	s1 =	sld [smem:$0x3F95];
	s0 =	simm.s32 @p0 $0x1  }
0x13: {  	[smem:$0x3FB0] =	sst s0;
	s0 =	simm.s32 @!p1 $0x0  }
0x14: {  	s2 =	sld [smem:$0x3F94];
	s0 =	simm.s32 @p1 $0x1  }
0x15: {  	[smem:$0x3FB1] =	sst s0;
	s0 =	simm.s32 @!p2 $0x0  }
0x16: {  	s3 =	sld [smem:$0x3FDB];
	s0 =	simm.s32 @p2 $0x1  }
0x17: {  	s4 =	simm.s32 $0x1BF5;
	[smem:$0x3FB3] =	sst s0  }
0x18: {  	s0 =	sld [smem:$0x3F96];
	_ =	swait.ge [sflag:s4], $0x0  }
0x19: {  	s7 =	sld [smem:$0x3F97]  }
0x1a: {  	s8 =	sadd.s32 $0xFFFFE003, lr  }
0x1b: {  	s9 =	sadd.s32 $0xFFFFFEF7, lr;
	s5 =	simm.s32 $0xFFFFFFFF;
	p2 =	slt.u32 s8, $0xFFFFF086  }
0x1c: {  	p1 =	slt.u32 s9, $0xF7A;
	s5 =	simm.s32 @!p2 $0x0  }
0x1d: {  	s5 =	simm.s32 @p1 $0x1;
	p0 =	seq.s32 s7, s2  }
0x1e: {  	s7 =	smul.u32 @!p0 $0xF7A, s2;
	p2 =	seq.s32 @!p0 s5, $0x0  }
0x1f: {  	s9 =	smul.u32 $0xF7A, s1;
	s8 =	simm.s32 @!p0 $0x1BF5;
	p2 =	por !p2, p0  }
0x20: {  	[sflag:s8] =	ssyncset.s32 @!p0 $0xFFFFF086;
	s6 =	sadd.s32 @!p0 s3, s7;
	s7 =	simm.s32 @!p0 $0x108  }
0x21: {  	s3 =	sadd.s32 s3, s9;
	s6 =	sadd.s32 @!p0 $0x88, s6;
	s7 =	simm.s32 @p2 $0x1082  }
0x22: {  	[simem:s7], [sflag:s8] =	dma.local @!p0 [hbm:s6], $0xF7A  }
0x23: {  	s9 =	sor.u32 $0xD0000000, s2;
	s6 =	simm.s32 $0x108;
	_ =	swait.ge @!p0 [sflag:s8], $0x0  }
0x24: {  	s3 =	sadd.s32 $0x88, s3;
	s6 =	simm.s32 @!p1 $0x1082;
	[sflag:s4] =	ssyncset.s32 $0xFFFFF086  }
0x25: {  	[simem:s6], [sflag:s4] =	dma.local [hbm:s3], $0xF7A  }
0x26: {  	[smem:$0x3F97] =	sst s1;
	(tag) =	ssettag s2;
	_ =	strace s9  }
0x27: {  	s1 =	sld [smem:$0x3FA7]  }
0x28: {  	s2 =	sld [smem:$0x3FA8]  }
0x29: {  	s4 =	sld [smem:$0x3FAA]  }
0x2a: {  	p0 =	seq.s32 s5, $0x0;
	s5 =	sld [smem:$0x3FAB]  }
0x2b: {  	s6 =	sld [smem:$0x3FAC]  }
0x2c: {  	s7 =	sld [smem:$0x3FAD]  }
0x2d: {  	s3 =	simm.s32 $0x108;
	s8 =	sld [smem:$0x3FAE]  }
0x2e: {  	s3 =	simm.s32 @!p0 $0x1082;
	s9 =	sld [smem:$0x3FAF]  }
0x2f: {  	lr =	sadd.s32 s0, s3;
	s0 =	sld [smem:$0x3FA6]  }
0x30: {  	s3 =	sld [smem:$0x3FA9]  }
0x31: {  	[smem:$0x3FB2] =	sst s10  }
0x32: {  	s10 =	sld [smem:$0x3FB0];
	_ =	sdelay $0x3  }
0x33: {  	p0 =	seq.s32 s10, $0x1;
	s10 =	sld [smem:$0x3FB2];
	_ =	sdelay $0x3  }
0x34: {  	[smem:$0x3FB2] =	sst s10  }
0x35: {  	s10 =	sld [smem:$0x3FB1];
	_ =	sdelay $0x3  }
0x36: {  	p1 =	seq.s32 s10, $0x1;
	s10 =	sld [smem:$0x3FB2];
	_ =	sdelay $0x3  }
0x37: {  	[smem:$0x3FB2] =	sst s10  }
0x38: {  	s10 =	sld [smem:$0x3FB3]  }
0x39: {  	_ = 	snop;
	(pc) =	sbr.ind lr, $3  }
0x3a: {  	_ = 	snop  }
0x3b: {  	_ = 	snop  }
0x3c: {  	p2 =	seq.s32 s10, $0x1;
	s10 =	sld [smem:$0x3FB2]  }
0x3d: {  	_ =	shalt  }
0x3e: {  	_ =	shalt  }
0x3f: {  	_ =	shalt  }
0x40: {  	_ =	shalt  }
0x41: {  	_ =	shalt  }
0x42: {  	_ =	shalt  }
0x43: {  	_ =	shalt  }
0x44: {  	_ =	shalt  }
0x45: {  	_ =	shalt  }
0x46: {  	_ =	shalt  }
0x47: {  	_ =	shalt  }
0x48: {  	_ =	shalt  }
0x49: {  	_ =	shalt  }
0x4a: {  	_ =	shalt  }
0x4b: {  	_ =	shalt  }
0x4c: {  	_ =	shalt  }
0x4d: {  	_ =	shalt  }
0x4e: {  	_ =	shalt  }
0x4f: {  	_ =	shalt  }
0x50: {  	_ =	shalt  }
0x51: {  	_ =	shalt  }
0x52: {  	_ =	shalt  }
0x53: {  	_ =	shalt  }
0x54: {  	_ =	shalt  }
0x55: {  	_ =	shalt  }
0x56: {  	_ =	shalt  }
0x57: {  	_ =	shalt  }
0x58: {  	_ =	shalt  }
0x59: {  	_ =	shalt  }
0x5a: {  	_ =	shalt  }
0x5b: {  	_ =	shalt  }
0x5c: {  	_ =	shalt  }
0x5d: {  	_ =	shalt  }
0x5e: {  	_ =	shalt  }
0x5f: {  	_ =	shalt  }
0x60: {  	_ =	shalt  }
0x61: {  	_ =	shalt  }
0x62: {  	_ =	shalt  }
0x63: {  	_ =	shalt  }
0x64: {  	_ =	shalt  }
0x65: {  	_ =	shalt  }
0x66: {  	_ =	shalt  }
0x67: {  	_ =	shalt  }
0x68: {  	_ =	shalt  }
0x69: {  	_ =	shalt  }
0x6a: {  	_ =	shalt  }
0x6b: {  	_ =	shalt  }
0x6c: {  	_ =	shalt  }
0x6d: {  	_ =	shalt  }
0x6e: {  	_ =	shalt  }
0x6f: {  	_ =	shalt  }
0x70: {  	_ =	shalt  }
0x71: {  	_ =	shalt  }
0x72: {  	_ =	shalt  }
0x73: {  	_ =	shalt  }
0x74: {  	_ =	shalt  }
0x75: {  	_ =	shalt  }
0x76: {  	_ =	shalt  }
0x77: {  	_ =	shalt  }
0x78: {  	_ =	shalt  }
0x79: {  	_ =	shalt  }
0x7a: {  	_ =	shalt  }
0x7b: {  	_ =	shalt  }
0x7c: {  	_ =	shalt  }
0x7d: {  	_ =	shalt  }
0x7e: {  	_ =	shalt  }
0x7f: {  	_ =	shalt  }
0x80: {  	_ =	shalt  }
0x81: {  	_ =	shalt  }
0x82: {  	_ =	shalt  }
0x83: {  	_ =	shalt  }
0x84: {  	_ =	shalt  }
0x85: {  	_ =	shalt  }
0x86: {  	_ =	shalt  }
0x87: {  	_ =	shalt  }
.Lfunc_end0:
.L_simem_size_0:
called_computation.1_lowered:
.L_overlay_start_0:
0x88: {  	s2 =	sld [smem:$0x3FD9]  }
0x89: {  	s3 =	sld [smem:$0x3FFE];
	_ =	sdelay $0x1  }
0x8a: {  	s1 =	srdreg.scid  }
0x8b: {  	s0 =	sand.u32 $0x1, s1  }
0x8c: {  	s16 =	sshll.u32 s0, $0xA;
	s2 =	sadd.s32 s3, s2  }
0x8d: {  	s2 =	sadd.s32 s2, s16  }
0x8e: {  	[smem:$0x3FBE] =	sst s2  }
0x8f: {  	_ = 	snop  }
0x90: {  	(tm) =	ssettm $0x1  }
0x91: {  	s17 =	sld [smem:$0x3FFB];
	_ =	sdelay $0x3  }
0x92: {  	_ =	strace s17  }
0x93: {  	s2 =	sld [smem:$0x3FFC];
	_ =	sdelay $0x3  }
0x94: {  	_ =	strace s2  }
0x95: {  	s2 =	sld [smem:$0x3FFD];
	_ =	sdelay $0x3  }
0x96: {  	_ =	strace s2  }
0x97: {  	_ =	strace $0x8FFFFFFF  }
0x98: {  	s18 =	sld [smem:$0x3FDB];
	_ =	sdelay $0x1  }
0x99: {  	s19 =	simm.s32 $_scs_section_size  }
0x9a: {  	s4 =	simm.s32 $_size__tile_overlayer_lowered;
	s5 =	simm.s32 $_tile_overlayer_lowered  }
0x9b: {  	s22 =	simm.s32 $0x1BFF;
	s21 =	sshll.u32 s5, $0x1;
	s2 =	sadd.s32 s19, s18  }
0x9c: {  	s6 =	simm.s32 $0x0;
	s20 =	sshll.u32 s4, $0x1;
	s4 =	sadd.s32 s21, s2  }
0x9d: {  	[timem:s6], [sflag:s22] =	dma.local [hbm:s4], s20  }
0x9e: {  	_ =	swait.ge [sflag:s22], s20  }
0x9f: {  	s3 =	ssub.s32 $0x0, s20;
	[sflag:s22] =	ssyncset.done $0x0  }
0xa0: {  	[sflag:s22] =	ssyncadd.s32 s3;
	_ =	sdelay $0x1  }
0xa1: {  	s23 =	simm.s32 $0x1B8B  }
0xa2: {  	_ =	swait.ge [sflag:s23], $0x1  }
0xa3: {  	[sflag:s23] =	ssyncset.done $0x0  }
0xa4: {  	s25 =	simm.s32 $0x1B8E;
	s24 =	sld [smem:$0x3FFE];
	[sflag:s23] =	ssyncadd.s32 $0xFFFFFFFF  }
0xa5: {  	s26 =	simm.s32 $execute0_lowered;
	[smem:$0x3FD2] =	sst s25  }
0xa6: {  	s4 =	sshll.u32 s26, $0x1;
	_ =	strace $0x80000049;
	[dreg:$0x1] =	wrdreg $0xFFFFFFFF  }
0xa7: {  	s28 =	simm.s32 $_size_execute0_lowered;
	s2 =	sadd.s32 s2, s4;
	[dreg:$0x0] =	wrdreg $0x0  }
0xa8: {  	s4 =	sshll.u32 s28, $0x1;
	[dreg:$0x2] =	wrdreg s2  }
0xa9: {  	[dreg:$0x3] =	wrdreg s4  }
0xaa: {  	[dreg:$0x4] =	wrdreg $0xC0  }
0xab: {  	_ =	task [dreg:s6], $0x5FFFF  }
0xac: {  	[dreg:$0x1] =	wrdreg $0xFFFFFFFF  }
0xad: {  	[dreg:$0x0] =	wrdreg $0x60  }
0xae: {  	[dreg:$0x2] =	wrdreg s24  }
0xaf: {  	[dreg:$0x3] =	wrdreg $0xD0000  }
0xb0: {  	[dreg:$0x4] =	wrdreg $0x9  }
0xb1: {  	_ =	task.clear_ibuf [dreg:s6], $0x5FFFF;
	_ =	strace $0x90000049  }
0xb2: {  	s29 =	simm.s32 $0x9;
	_ =	strace $0x8000004B  }
0xb3: {  	_ =	swait.ge [sflag:s29], $0x1  }
0xb4: {  	[sflag:s29] =	ssyncadd.s32 $0xFFFFFFFF  }
0xb5: {  	_ =	strace $0x9000004B  }
0xb6: {  	_ =	sfence  }
0xb7: {  	s30 =	sld [smem:$0x0];
	_ =	sdelay $0x2  }
0xb8: {  	s31 =	sshll.u32 s1, $0xD;
	s1 =	sshrl.u32 s1, $0x2  }
0xb9: {  	s3 =	sand.u32 $0x4000, s31;
	s1 =	sadd.s32 s1, s30  }
0xba: {  	s0 =	sor.u32 s3, s0;
	s1 =	sshll.u32 s1, $0x11  }
0xbb: {  	s0 =	sor.u32 s1, s0  }
0xbc: {  	s0 =	sadd.s32 $0x8F2B, s0  }
0xbd: {  	[sflag:s0] =	ssyncadd.remote.s32 $0x1  }
0xbe: {  	_ =	sfence.sel $0xFFFF  }
0xbf: {  	[dreg:$0x0] =	wrdreg $0xFFFFFFFF;
	(pc) =	sbr.abs _section_cstart, $3  }
0xc0: {  	[dreg:$0x1] =	wrdreg $0xFFFFFFFF  }
0xc1: {  	_ =	task.clear_ibuf [dreg:s6], $0x2FFFF;
	_ =	strace $0x9FFFFFFF  }
0xc2: {  	(tm) =	ssettm $0x7FFFFFFF  }
0xc3: {  	_ =	shalt  }
tec
execute0_lowered:
.L_overlay_start_1:
0x0: {  	(tag) =	ssettag $0x1  }
0x1: {  	s0 =	srdreg.scid  }
0x2: {  	s10 =	stileid.u32;
	s6 =	rddreg [dreg:$0x0]  }
0x3: {  	s2 =	rddreg [dreg:$0x1];
	s3 =	simm.s32 $0x0;
	s12 =	simm.s32 $0x9  }
0x4: {  	s16 =	simm.s32 $0x80;
	s17 =	simm.s32 $0x5000;
	s18 =	simm.s32 $0x7000  }
0x5: {  	s19 =	simm.s32 $0x100;
	s20 =	simm.s32 $0x9000;
	s21 =	simm.s32 $0x180  }
0x6: {  	s28 =	simm.s32 $0x5;
	s29 =	simm.s32 $0x6;
	s30 =	simm.s32 $0x7  }
0x7: {  	s31 =	simm.s32 $0x8;
	s13 =	simm.s32 $0x4F00;
	s0 =	sand.u32 $0x1, s0  }
0x8: {  	s1 =	sshll.u32 s10, $0x1;
	s7 =	smul.u32 $0xA000, s10;
	[smem:$0x7FF] =	sst s3  }
0x9: {  	s4 =	sadd.s32 $0xC7E00, s6;
	s5 =	sadd.s32 $0xB4400, s6;
	s26 =	sshll.u32 s10, $0x6  }
0xa: {  	s1 =	sor.u32 s0, s1;
	s8 =	smul.u32 $0xA0000, s0;
	_ =	strace $0x8000004A  }
0xb: {  	s0 =	ssub.s32 $0x2, s0;
	s14 =	sor.u32 $0x1C09, s26;
	s26 =	simm.s32 $0x4  }
0xc: {  	s1 =	smul.u32 $0x500, s1;
	s9 =	sshrl.u32 s7, $0x3;
	s22 =	sshrl.u32 s0, $0x1  }
0xd: {  	s24 =	sadd.s32 s7, s2;
	s8 =	sadd.s32 s7, s8;
	s9 =	sadd.s32 s9, s6  }
0xe: {  	s0 =	ssub.s32 s0, s22;
	s15 =	sshrl.u32 s24, $0x3;
	s22 =	simm.s32 $0xB000  }
0xf: {  	s24 =	simm.s32 $0x2;
	s7 =	simm.s32 $0x0;
	s8 =	sshrl.u32 s8, $0x3  }
0x10: {  	s1 =	sadd.s32 s1, s6;
	s0 =	smax.u32 s0, $0x1;
	s6 =	sadd.s32 s8, s6  }
0x11: {  	s23 =	sadd.s32 $0xDC00, s1;
	s1 =	sadd.s32 $0x3200, s1;
	[dreg:$0x7] =	wrdreg s0  }
0x12: {  	s8 =	sadd.s32 $0xDB800, s9;
	s0 =	simm.s32 $0x4E80;
	[dreg:$0x3] =	wrdreg s23  }
0x13: {  	[dreg:$0x4] =	wrdreg s1;
	s25 =	sadd.s32 $0x117800, s6;
	s6 =	sadd.s32 $0xEF800, s6  }
0x14: {  	s23 =	simm.s32 $0x1;
	s1 =	simm.s32 $0x4E00;
	[dreg:$0x5] =	wrdreg s25  }
0x15: {  	[dreg:$0x6] =	wrdreg s6;
	s25 =	simm.s32 $0x3;
	s6 =	simm.s32 $0x4F80  }
.LBB2_1:
0x16: {  	s9 =	rddreg [dreg:$0x3]  }
0x17: {  	[tilespmem:s3], [sflag:$0x9] =	stream.linear.gather [hbm4b:s9+s3], $0x2800, $0x38;
	[tilespmem:$0x17000] =	vst v63  }
0x18: {  	_ =	swait.ge [sflag:s12], $0x2800  }
0x19: {  	[sflag:s12] =	ssyncset.done $0x0  }
0x1a: {  	s10 =	simm.s32 $0x2800;
	s11 =	rddreg [dreg:$0x4];
	[sflag:s12] =	ssyncadd.s32 $0xFFFFD800  }
0x1b: {  	[tilespmem:s10], [sflag:$0x9] =	stream.linear.gather [hbm4b:s11+s3], $0x2800, $0x38;
	[tilespmem:$0x17000] =	vst v63  }
0x1c: {  	_ =	swait.ge [sflag:s12], $0x2800  }
0x1d: {  	[sflag:s12] =	ssyncset.done $0x0  }
0x1e: {  	[sflag:s12] =	ssyncadd.s32 $0xFFFFD800  }
0x1f: {  	[spmem:s15], [sflag:s14] =	dma.local [hbm:s8], $0x1400  }
0x20: {  	_ =	swait.ge [sflag:s12], $0x1400  }
0x21: {  	[sflag:s12] =	ssyncset.done $0x0  }
0x22: {  	[sflag:s12] =	ssyncadd.s32 $0xFFFFEC00  }
0x23: {  	[bflag:$0x0] =	sbarrier.arrive $0xFFFF  }
0x24: {  	[tilespmem:s17], [sflag:$0x1] =	stream.indirect.gather [hbm4b:s4+s16], $0x40, s3, s16, $0xb8;
	[tilespmem:$0x17000] =	vst v63  }
0x25: {  	_ = 	snop  }
0x26: {  	[tilespmem:s18], [sflag:$0x2] =	stream.indirect.gather [hbm4b:s4+s16], $0x40, s16, s16, $0xb8;
	[tilespmem:$0x17000] =	vst v63  }
0x27: {  	_ = 	snop  }
0x28: {  	[tilespmem:s20], [sflag:$0x3] =	stream.indirect.gather [hbm4b:s4+s16], $0x40, s19, s16, $0xb8;
	[tilespmem:$0x17000] =	vst v63  }
0x29: {  	_ = 	snop  }
0x2a: {  	[tilespmem:s22], [sflag:$0x4] =	stream.indirect.gather [hbm4b:s4+s16], $0x40, s21, s16, $0xb8;
	[tilespmem:$0x17000] =	vst v63  }
0x2b: {  	_ =	swait.ge [sflag:s23], $0x2000  }
0x2c: {  	[sflag:s23] =	ssyncset.done $0x0  }
0x2d: {  	s11 =	simm.s32 $0x2800;
	[sflag:s23] =	ssyncadd.s32 $0xFFFFE000  }
0x2e: {  	[spmem:s2] =	stream.indirect.scatter.add.f32 [tilespmem:s17], [sflag:$0x5], $0x40, s11, s16, $0xb8;
	[tilespmem:$0x17000] =	vst v63  }
0x2f: {  	_ =	swait.ge [sflag:s24], $0x2000  }
0x30: {  	[sflag:s24] =	ssyncset.done $0x0  }
0x31: {  	s10 =	simm.s32 $0x2880;
	[sflag:s24] =	ssyncadd.s32 $0xFFFFE000  }
0x32: {  	[spmem:s2] =	stream.indirect.scatter.add.f32 [tilespmem:s18], [sflag:$0x6], $0x40, s10, s16, $0xb8;
	[tilespmem:$0x17000] =	vst v63  }
0x33: {  	_ =	swait.ge [sflag:s25], $0x2000  }
0x34: {  	[sflag:s25] =	ssyncset.done $0x0  }
0x35: {  	s11 =	simm.s32 $0x2900;
	[sflag:s25] =	ssyncadd.s32 $0xFFFFE000  }
0x36: {  	[spmem:s2] =	stream.indirect.scatter.add.f32 [tilespmem:s20], [sflag:$0x7], $0x40, s11, s16, $0xb8;
	[tilespmem:$0x17000] =	vst v63  }
0x37: {  	_ =	swait.ge [sflag:s26], $0x2000  }
0x38: {  	[sflag:s26] =	ssyncset.done $0x0  }
0x39: {  	s10 =	simm.s32 $0x2980;
	[sflag:s26] =	ssyncadd.s32 $0xFFFFE000  }
0x3a: {  	[spmem:s2] =	stream.indirect.scatter.add.f32 [tilespmem:s22], [sflag:$0x8], $0x40, s10, s16, $0xb8;
	[tilespmem:$0x17000] =	vst v63  }
0x3b: {  	_ =	swait.ge [sflag:s28], $0x2000  }
0x3c: {  	[sflag:s28] =	ssyncset.done $0x0  }
0x3d: {  	s11 =	simm.s32 $0x200;
	[sflag:s28] =	ssyncadd.s32 $0xFFFFE000  }
0x3e: {  	[tilespmem:s17], [sflag:$0x1] =	stream.indirect.gather [hbm4b:s4+s16], $0x40, s11, s16, $0xb8;
	[tilespmem:$0x17000] =	vst v63  }
0x3f: {  	_ =	swait.ge [sflag:s29], $0x2000  }
0x40: {  	[sflag:s29] =	ssyncset.done $0x0  }
0x41: {  	s10 =	simm.s32 $0x280;
	[sflag:s29] =	ssyncadd.s32 $0xFFFFE000  }
0x42: {  	[tilespmem:s18], [sflag:$0x2] =	stream.indirect.gather [hbm4b:s4+s16], $0x40, s10, s16, $0xb8;
	[tilespmem:$0x17000] =	vst v63  }
0x43: {  	_ =	swait.ge [sflag:s30], $0x2000  }
0x44: {  	[sflag:s30] =	ssyncset.done $0x0  }
0x45: {  	s11 =	simm.s32 $0x300;
	[sflag:s30] =	ssyncadd.s32 $0xFFFFE000  }
0x46: {  	[tilespmem:s20], [sflag:$0x3] =	stream.indirect.gather [hbm4b:s4+s16], $0x40, s11, s16, $0xb8;
	[tilespmem:$0x17000] =	vst v63  }
0x47: {  	_ =	swait.ge [sflag:s31], $0x2000  }
0x48: {  	[sflag:s31] =	ssyncset.done $0x0  }
0x49: {  	s9 =	simm.s32 $0x800;
	s10 =	simm.s32 $0x380;
	[sflag:s31] =	ssyncadd.s32 $0xFFFFE000  }
.LBB2_2:
0x4a: {  	[tilespmem:s22], [sflag:$0x4] =	stream.indirect.gather [hbm4b:s4+s16], $0x40, s10, s16, $0xb8;
	[tilespmem:$0x17000] =	vst v63  }
0x4b: {  	s10 =	smov.u32 s9  }
0x4c: {  	p0 =	sne.s32 s9, $0x9000;
	s9 =	sadd.s32 $0x800, s9;
	_ =	swait.ge [sflag:s23], $0x2000  }
0x4d: {  	s10 =	sshra.s32 s10, $0x2;
	[sflag:s23] =	ssyncset.done $0x0  }
0x4e: {  	s11 =	sadd.s32 $0x2800, s10;
	[sflag:s23] =	ssyncadd.s32 $0xFFFFE000  }
0x4f: {  	[spmem:s2] =	stream.indirect.scatter.add.f32 [tilespmem:s17], [sflag:$0x5], $0x40, s11, s16, $0xb8;
	[tilespmem:$0x17000] =	vst v63  }
0x50: {  	_ =	swait.ge [sflag:s24], $0x2000  }
0x51: {  	[sflag:s24] =	ssyncset.done $0x0  }
0x52: {  	s11 =	sadd.s32 $0x2880, s10;
	[sflag:s24] =	ssyncadd.s32 $0xFFFFE000  }
0x53: {  	[spmem:s2] =	stream.indirect.scatter.add.f32 [tilespmem:s18], [sflag:$0x6], $0x40, s11, s16, $0xb8;
	[tilespmem:$0x17000] =	vst v63  }
0x54: {  	_ =	swait.ge [sflag:s25], $0x2000  }
0x55: {  	[sflag:s25] =	ssyncset.done $0x0  }
0x56: {  	s11 =	sadd.s32 $0x2900, s10;
	[sflag:s25] =	ssyncadd.s32 $0xFFFFE000  }
0x57: {  	[spmem:s2] =	stream.indirect.scatter.add.f32 [tilespmem:s20], [sflag:$0x7], $0x40, s11, s16, $0xb8;
	[tilespmem:$0x17000] =	vst v63  }
0x58: {  	_ =	swait.ge [sflag:s26], $0x2000  }
0x59: {  	[sflag:s26] =	ssyncset.done $0x0  }
0x5a: {  	s11 =	sadd.s32 $0x2980, s10;
	[sflag:s26] =	ssyncadd.s32 $0xFFFFE000  }
0x5b: {  	[spmem:s2] =	stream.indirect.scatter.add.f32 [tilespmem:s22], [sflag:$0x8], $0x40, s11, s16, $0xb8;
	[tilespmem:$0x17000] =	vst v63  }
0x5c: {  	_ =	swait.ge [sflag:s28], $0x2000  }
0x5d: {  	[sflag:s28] =	ssyncset.done $0x0  }
0x5e: {  	s11 =	sadd.s32 $0x200, s10;
	[sflag:s28] =	ssyncadd.s32 $0xFFFFE000  }
0x5f: {  	[tilespmem:s17], [sflag:$0x1] =	stream.indirect.gather [hbm4b:s4+s16], $0x40, s11, s16, $0xb8;
	[tilespmem:$0x17000] =	vst v63  }
0x60: {  	_ =	swait.ge [sflag:s29], $0x2000  }
0x61: {  	[sflag:s29] =	ssyncset.done $0x0  }
0x62: {  	s11 =	sadd.s32 $0x280, s10;
	[sflag:s29] =	ssyncadd.s32 $0xFFFFE000  }
0x63: {  	[tilespmem:s18], [sflag:$0x2] =	stream.indirect.gather [hbm4b:s4+s16], $0x40, s11, s16, $0xb8;
	[tilespmem:$0x17000] =	vst v63  }
0x64: {  	_ =	swait.ge [sflag:s30], $0x2000  }
0x65: {  	[sflag:s30] =	ssyncset.done $0x0  }
.Ltmp0:
0x66: {  	s11 =	sadd.s32 $0x300, s10;
	[sflag:s30] =	ssyncadd.s32 $0xFFFFE000;
	(pc) =	sbr.rel @p0 .LBB2_2-.Ltmp0, $4  }
0x67: {  	[tilespmem:s20], [sflag:$0x3] =	stream.indirect.gather [hbm4b:s4+s16], $0x40, s11, s16, $0xb8;
	[tilespmem:$0x17000] =	vst v63  }
0x68: {  	_ =	swait.ge [sflag:s31], $0x2000  }
0x69: {  	[sflag:s31] =	ssyncset.done $0x0  }
0x6a: {  	s10 =	sadd.s32 $0x380, s10;
	[sflag:s31] =	ssyncadd.s32 $0xFFFFE000  }
0x6b: {  	[tilespmem:s22], [sflag:$0x4] =	stream.indirect.gather [hbm4b:s4+s16], $0x40, s10, s16, $0xb8;
	[tilespmem:$0x17000] =	vst v63  }
0x6c: {  	_ =	swait.ge [sflag:s23], $0x2000  }
0x6d: {  	[sflag:s23] =	ssyncset.done $0x0  }
0x6e: {  	[sflag:s23] =	ssyncadd.s32 $0xFFFFE000  }
0x6f: {  	[spmem:s2] =	stream.indirect.scatter.add.f32 [tilespmem:s17], [sflag:$0x5], $0x40, s1, s16, $0xb8;
	[tilespmem:$0x17000] =	vst v63  }
0x70: {  	_ =	swait.ge [sflag:s24], $0x2000  }
0x71: {  	[sflag:s24] =	ssyncset.done $0x0  }
0x72: {  	[sflag:s24] =	ssyncadd.s32 $0xFFFFE000  }
0x73: {  	[spmem:s2] =	stream.indirect.scatter.add.f32 [tilespmem:s18], [sflag:$0x6], $0x40, s0, s16, $0xb8;
	[tilespmem:$0x17000] =	vst v63  }
0x74: {  	_ =	swait.ge [sflag:s25], $0x2000  }
0x75: {  	[sflag:s25] =	ssyncset.done $0x0  }
0x76: {  	[sflag:s25] =	ssyncadd.s32 $0xFFFFE000  }
0x77: {  	[spmem:s2] =	stream.indirect.scatter.add.f32 [tilespmem:s20], [sflag:$0x7], $0x40, s13, s16, $0xb8;
	[tilespmem:$0x17000] =	vst v63  }
0x78: {  	_ =	swait.ge [sflag:s26], $0x2000  }
0x79: {  	[sflag:s26] =	ssyncset.done $0x0  }
0x7a: {  	[sflag:s26] =	ssyncadd.s32 $0xFFFFE000  }
0x7b: {  	[spmem:s2] =	stream.indirect.scatter.add.f32 [tilespmem:s22], [sflag:$0x8], $0x40, s6, s16, $0xb8;
	[tilespmem:$0x17000] =	vst v63  }
0x7c: {  	_ =	swait.ge [sflag:s28], $0x2000  }
0x7d: {  	[sflag:s28] =	ssyncset.done $0x0  }
0x7e: {  	[sflag:s28] =	ssyncadd.s32 $0xFFFFE000  }
0x7f: {  	_ =	swait.ge [sflag:s29], $0x2000  }
0x80: {  	[sflag:s29] =	ssyncset.done $0x0  }
0x81: {  	[sflag:s29] =	ssyncadd.s32 $0xFFFFE000  }
0x82: {  	_ =	swait.ge [sflag:s30], $0x2000  }
0x83: {  	[sflag:s30] =	ssyncset.done $0x0  }
0x84: {  	[sflag:s30] =	ssyncadd.s32 $0xFFFFE000  }
0x85: {  	_ =	swait.ge [sflag:s31], $0x2000  }
0x86: {  	[sflag:s31] =	ssyncset.done $0x0  }
0x87: {  	[sflag:s31] =	ssyncadd.s32 $0xFFFFE000  }
0x88: {  	[bflag:$0x0] =	sbarrier.arrive $0xFFFF  }
0x89: {  	s9 =	rddreg [dreg:$0x5]  }
0x8a: {  	[hbm:s9], [sflag:s14] =	dma.local [spmem:s15], $0x1400  }
0x8b: {  	_ =	swait.ge [sflag:s12], $0x1400  }
0x8c: {  	[sflag:s12] =	ssyncset.done $0x0  }
0x8d: {  	[sflag:s12] =	ssyncadd.s32 $0xFFFFEC00  }
0x8e: {  	[spmem:s15], [sflag:s14] =	dma.local [hbm:s8], $0x1400  }
0x8f: {  	_ =	swait.ge [sflag:s12], $0x1400  }
0x90: {  	[sflag:s12] =	ssyncset.done $0x0  }
0x91: {  	[sflag:s12] =	ssyncadd.s32 $0xFFFFEC00  }
0x92: {  	s10 =	simm.s32 $0x0;
	[bflag:$0x0] =	sbarrier.arrive $0xFFFF  }
0x93: {  	[tilespmem:s17], [sflag:$0x1] =	stream.indirect.gather [hbm4b:s5+s16], $0x40, s10, s16, $0xb8;
	[tilespmem:$0x17000] =	vst v63  }
0x94: {  	_ = 	snop  }
0x95: {  	[tilespmem:s18], [sflag:$0x2] =	stream.indirect.gather [hbm4b:s5+s16], $0x40, s16, s16, $0xb8;
	[tilespmem:$0x17000] =	vst v63  }
0x96: {  	_ = 	snop  }
0x97: {  	[tilespmem:s20], [sflag:$0x3] =	stream.indirect.gather [hbm4b:s5+s16], $0x40, s19, s16, $0xb8;
	[tilespmem:$0x17000] =	vst v63  }
0x98: {  	_ = 	snop  }
0x99: {  	[tilespmem:s22], [sflag:$0x4] =	stream.indirect.gather [hbm4b:s5+s16], $0x40, s21, s16, $0xb8;
	[tilespmem:$0x17000] =	vst v63  }
0x9a: {  	_ =	swait.ge [sflag:s23], $0x2000  }
0x9b: {  	[sflag:s23] =	ssyncset.done $0x0  }
0x9c: {  	s11 =	simm.s32 $0x2800;
	[sflag:s23] =	ssyncadd.s32 $0xFFFFE000  }
0x9d: {  	[spmem:s2] =	stream.indirect.scatter.add.f32 [tilespmem:s17], [sflag:$0x5], $0x40, s11, s16, $0xb8;
	[tilespmem:$0x17000] =	vst v63  }
0x9e: {  	_ =	swait.ge [sflag:s24], $0x2000  }
0x9f: {  	[sflag:s24] =	ssyncset.done $0x0  }
0xa0: {  	s10 =	simm.s32 $0x2880;
	[sflag:s24] =	ssyncadd.s32 $0xFFFFE000  }
0xa1: {  	[spmem:s2] =	stream.indirect.scatter.add.f32 [tilespmem:s18], [sflag:$0x6], $0x40, s10, s16, $0xb8;
	[tilespmem:$0x17000] =	vst v63  }
0xa2: {  	_ =	swait.ge [sflag:s25], $0x2000  }
0xa3: {  	[sflag:s25] =	ssyncset.done $0x0  }
0xa4: {  	s11 =	simm.s32 $0x2900;
	[sflag:s25] =	ssyncadd.s32 $0xFFFFE000  }
0xa5: {  	[spmem:s2] =	stream.indirect.scatter.add.f32 [tilespmem:s20], [sflag:$0x7], $0x40, s11, s16, $0xb8;
	[tilespmem:$0x17000] =	vst v63  }
0xa6: {  	_ =	swait.ge [sflag:s26], $0x2000  }
0xa7: {  	[sflag:s26] =	ssyncset.done $0x0  }
0xa8: {  	s10 =	simm.s32 $0x2980;
	[sflag:s26] =	ssyncadd.s32 $0xFFFFE000  }
0xa9: {  	[spmem:s2] =	stream.indirect.scatter.add.f32 [tilespmem:s22], [sflag:$0x8], $0x40, s10, s16, $0xb8;
	[tilespmem:$0x17000] =	vst v63  }
0xaa: {  	_ =	swait.ge [sflag:s28], $0x2000  }
0xab: {  	[sflag:s28] =	ssyncset.done $0x0  }
0xac: {  	s11 =	simm.s32 $0x200;
	[sflag:s28] =	ssyncadd.s32 $0xFFFFE000  }
0xad: {  	[tilespmem:s17], [sflag:$0x1] =	stream.indirect.gather [hbm4b:s5+s16], $0x40, s11, s16, $0xb8;
	[tilespmem:$0x17000] =	vst v63  }
0xae: {  	_ =	swait.ge [sflag:s29], $0x2000  }
0xaf: {  	[sflag:s29] =	ssyncset.done $0x0  }
0xb0: {  	s10 =	simm.s32 $0x280;
	[sflag:s29] =	ssyncadd.s32 $0xFFFFE000  }
0xb1: {  	[tilespmem:s18], [sflag:$0x2] =	stream.indirect.gather [hbm4b:s5+s16], $0x40, s10, s16, $0xb8;
	[tilespmem:$0x17000] =	vst v63  }
0xb2: {  	_ =	swait.ge [sflag:s30], $0x2000  }
0xb3: {  	[sflag:s30] =	ssyncset.done $0x0  }
0xb4: {  	s11 =	simm.s32 $0x300;
	[sflag:s30] =	ssyncadd.s32 $0xFFFFE000  }
0xb5: {  	[tilespmem:s20], [sflag:$0x3] =	stream.indirect.gather [hbm4b:s5+s16], $0x40, s11, s16, $0xb8;
	[tilespmem:$0x17000] =	vst v63  }
0xb6: {  	_ =	swait.ge [sflag:s31], $0x2000  }
0xb7: {  	[sflag:s31] =	ssyncset.done $0x0  }
0xb8: {  	s9 =	simm.s32 $0x800;
	s10 =	simm.s32 $0x380;
	[sflag:s31] =	ssyncadd.s32 $0xFFFFE000  }
.LBB2_4:
0xb9: {  	[tilespmem:s22], [sflag:$0x4] =	stream.indirect.gather [hbm4b:s5+s16], $0x40, s10, s16, $0xb8;
	[tilespmem:$0x17000] =	vst v63  }
0xba: {  	s10 =	smov.u32 s9  }
0xbb: {  	p0 =	sne.s32 s9, $0x9000;
	s9 =	sadd.s32 $0x800, s9;
	_ =	swait.ge [sflag:s23], $0x2000  }
0xbc: {  	s10 =	sshra.s32 s10, $0x2;
	[sflag:s23] =	ssyncset.done $0x0  }
0xbd: {  	s11 =	sadd.s32 $0x2800, s10;
	[sflag:s23] =	ssyncadd.s32 $0xFFFFE000  }
0xbe: {  	[spmem:s2] =	stream.indirect.scatter.add.f32 [tilespmem:s17], [sflag:$0x5], $0x40, s11, s16, $0xb8;
	[tilespmem:$0x17000] =	vst v63  }
0xbf: {  	_ =	swait.ge [sflag:s24], $0x2000  }
0xc0: {  	[sflag:s24] =	ssyncset.done $0x0  }
0xc1: {  	s11 =	sadd.s32 $0x2880, s10;
	[sflag:s24] =	ssyncadd.s32 $0xFFFFE000  }
0xc2: {  	[spmem:s2] =	stream.indirect.scatter.add.f32 [tilespmem:s18], [sflag:$0x6], $0x40, s11, s16, $0xb8;
	[tilespmem:$0x17000] =	vst v63  }
0xc3: {  	_ =	swait.ge [sflag:s25], $0x2000  }
0xc4: {  	[sflag:s25] =	ssyncset.done $0x0  }
0xc5: {  	s11 =	sadd.s32 $0x2900, s10;
	[sflag:s25] =	ssyncadd.s32 $0xFFFFE000  }
0xc6: {  	[spmem:s2] =	stream.indirect.scatter.add.f32 [tilespmem:s20], [sflag:$0x7], $0x40, s11, s16, $0xb8;
	[tilespmem:$0x17000] =	vst v63  }
0xc7: {  	_ =	swait.ge [sflag:s26], $0x2000  }
0xc8: {  	[sflag:s26] =	ssyncset.done $0x0  }
0xc9: {  	s11 =	sadd.s32 $0x2980, s10;
	[sflag:s26] =	ssyncadd.s32 $0xFFFFE000  }
0xca: {  	[spmem:s2] =	stream.indirect.scatter.add.f32 [tilespmem:s22], [sflag:$0x8], $0x40, s11, s16, $0xb8;
	[tilespmem:$0x17000] =	vst v63  }
0xcb: {  	_ =	swait.ge [sflag:s28], $0x2000  }
0xcc: {  	[sflag:s28] =	ssyncset.done $0x0  }
0xcd: {  	s11 =	sadd.s32 $0x200, s10;
	[sflag:s28] =	ssyncadd.s32 $0xFFFFE000  }
0xce: {  	[tilespmem:s17], [sflag:$0x1] =	stream.indirect.gather [hbm4b:s5+s16], $0x40, s11, s16, $0xb8;
	[tilespmem:$0x17000] =	vst v63  }
0xcf: {  	_ =	swait.ge [sflag:s29], $0x2000  }
0xd0: {  	[sflag:s29] =	ssyncset.done $0x0  }
0xd1: {  	s11 =	sadd.s32 $0x280, s10;
	[sflag:s29] =	ssyncadd.s32 $0xFFFFE000  }
0xd2: {  	[tilespmem:s18], [sflag:$0x2] =	stream.indirect.gather [hbm4b:s5+s16], $0x40, s11, s16, $0xb8;
	[tilespmem:$0x17000] =	vst v63  }
0xd3: {  	_ =	swait.ge [sflag:s30], $0x2000  }
0xd4: {  	[sflag:s30] =	ssyncset.done $0x0  }
.Ltmp1:
0xd5: {  	s11 =	sadd.s32 $0x300, s10;
	[sflag:s30] =	ssyncadd.s32 $0xFFFFE000;
	(pc) =	sbr.rel @p0 .LBB2_4-.Ltmp1, $4  }
0xd6: {  	[tilespmem:s20], [sflag:$0x3] =	stream.indirect.gather [hbm4b:s5+s16], $0x40, s11, s16, $0xb8;
	[tilespmem:$0x17000] =	vst v63  }
0xd7: {  	_ =	swait.ge [sflag:s31], $0x2000  }
0xd8: {  	[sflag:s31] =	ssyncset.done $0x0  }
0xd9: {  	s10 =	sadd.s32 $0x380, s10;
	[sflag:s31] =	ssyncadd.s32 $0xFFFFE000  }
0xda: {  	[tilespmem:s22], [sflag:$0x4] =	stream.indirect.gather [hbm4b:s5+s16], $0x40, s10, s16, $0xb8;
	[tilespmem:$0x17000] =	vst v63  }
0xdb: {  	_ =	swait.ge [sflag:s23], $0x2000  }
0xdc: {  	[sflag:s23] =	ssyncset.done $0x0  }
0xdd: {  	[sflag:s23] =	ssyncadd.s32 $0xFFFFE000  }
0xde: {  	[spmem:s2] =	stream.indirect.scatter.add.f32 [tilespmem:s17], [sflag:$0x5], $0x40, s1, s16, $0xb8;
	[tilespmem:$0x17000] =	vst v63  }
0xdf: {  	_ =	swait.ge [sflag:s24], $0x2000  }
0xe0: {  	[sflag:s24] =	ssyncset.done $0x0  }
0xe1: {  	[sflag:s24] =	ssyncadd.s32 $0xFFFFE000  }
0xe2: {  	[spmem:s2] =	stream.indirect.scatter.add.f32 [tilespmem:s18], [sflag:$0x6], $0x40, s0, s16, $0xb8;
	[tilespmem:$0x17000] =	vst v63  }
0xe3: {  	_ =	swait.ge [sflag:s25], $0x2000  }
0xe4: {  	[sflag:s25] =	ssyncset.done $0x0  }
0xe5: {  	[sflag:s25] =	ssyncadd.s32 $0xFFFFE000  }
0xe6: {  	[spmem:s2] =	stream.indirect.scatter.add.f32 [tilespmem:s20], [sflag:$0x7], $0x40, s13, s16, $0xb8;
	[tilespmem:$0x17000] =	vst v63  }
0xe7: {  	_ =	swait.ge [sflag:s26], $0x2000  }
0xe8: {  	[sflag:s26] =	ssyncset.done $0x0  }
0xe9: {  	[sflag:s26] =	ssyncadd.s32 $0xFFFFE000  }
0xea: {  	[spmem:s2] =	stream.indirect.scatter.add.f32 [tilespmem:s22], [sflag:$0x8], $0x40, s6, s16, $0xb8;
	[tilespmem:$0x17000] =	vst v63  }
0xeb: {  	_ =	swait.ge [sflag:s28], $0x2000  }
0xec: {  	[sflag:s28] =	ssyncset.done $0x0  }
0xed: {  	[sflag:s28] =	ssyncadd.s32 $0xFFFFE000  }
0xee: {  	_ =	swait.ge [sflag:s29], $0x2000  }
0xef: {  	[sflag:s29] =	ssyncset.done $0x0  }
0xf0: {  	[sflag:s29] =	ssyncadd.s32 $0xFFFFE000  }
0xf1: {  	_ =	swait.ge [sflag:s30], $0x2000  }
0xf2: {  	[sflag:s30] =	ssyncset.done $0x0  }
0xf3: {  	[sflag:s30] =	ssyncadd.s32 $0xFFFFE000  }
0xf4: {  	_ =	swait.ge [sflag:s31], $0x2000  }
0xf5: {  	[sflag:s31] =	ssyncset.done $0x0  }
0xf6: {  	[sflag:s31] =	ssyncadd.s32 $0xFFFFE000  }
0xf7: {  	[bflag:$0x0] =	sbarrier.arrive $0xFFFF  }
0xf8: {  	s9 =	rddreg [dreg:$0x6]  }
0xf9: {  	[hbm:s9], [sflag:s14] =	dma.local [spmem:s15], $0x1400  }
0xfa: {  	_ =	swait.ge [sflag:s12], $0x1400  }
0xfb: {  	s7 =	sadd.s32 $0x1, s7;
	s11 =	rddreg [dreg:$0x7]  }
0xfc: {  	p0 =	sne.s32 s7, s11  }
.Ltmp2:
0xfd: {  	_ = 	snop;
	(pc) =	sbr.rel @p0 .LBB2_1-.Ltmp2, $3  }
0xfe: {  	_ =	sdelay $0x1  }
0xff: {  	[sflag:s12] =	ssyncset.done $0x0  }
0x100: {  	[sflag:s12] =	ssyncadd.s32 $0xFFFFEC00  }
0x101: {  	_ =	sfence.sel $0x180000  }
0x102: {  	[bflag:$0x0] =	sbarrier.arrive $0xFFFF  }
0x103: {  	_ =	strace $0x9000004A  }
0x104: {  	s0 =	stileid.u32;
	[bflag:$0x2] =	sbarrier.arrive $0xFFFF  }
0x105: {  	p0 =	sne.s32 s0, $0x0;
	s0 =	rddreg [dreg:$0x2]  }
0x106: {  	s0 =	sadd.s32 @!p0 $0x100000, s0  }
0x107: {  	[sflag:s0] =	ssyncadd.tile.s32 @!p0 $0x1;
	_ =	shalt  }
.Lfunc_end2:
_tile_overlayer_lowered:
.L_overlay_start_2:
0x108: {  	(tag) =	ssettag $0x2  }
0x109: {  	s0 =	rddreg [dreg:$0x0];
	s2 =	stileid.u32  }
0x10a: {  	s1 =	rddreg [dreg:$0x1];
	p0 =	sne.s32 s2, $0x0  }
0x10b: {  	s3 =	rddreg [dreg:$0x2];
	[bflag:$0x3] =	sbarrier.arrive $0xFFFF;
	s2 =	simm.s32 @!p0 $0x1C09  }
0x10c: {  	[timem:s3], [sflag:s2] =	dma.local @!p0 [hbm:s0], s1  }
0x10d: {  	s0 =	simm.s32 @!p0 $0x9  }
0x10e: {  	_ =	swait.ge @!p0 [sflag:s0], s1  }
0x10f: {  	s1 =	ssub.s32 @!p0 $0x0, s1;
	[sflag:s0] =	ssyncset.done @!p0 $0x0  }
0x110: {  	[sflag:s0] =	ssyncadd.s32 @!p0 s1  }
0x111: {  	[bflag:$0x3] =	sbarrier.arrive $0xFFFF  }
0x112: {  	_ =	shalt  }

// kernel: kernel.14.cloned.1.call-start
scs
__scs_entry_jumppad:
0x0: {  	(pc) =	sbr.rel $0x88, $3  }
0x1: {  	(tag) =	ssettag $0x0;
	lr =	simm.s32 $0x1  }
0x2: {  	[smem:$0x3F97] =	sst lr;
	_ =	strace $0xD0000000  }
0x3: {  	_ = 	snop  }
0x4: {  	_ = 	snop  }
0x5: {  	_ = 	snop  }
0x6: {  	_ = 	snop  }
0x7: {  	_ = 	snop  }
__scs_overlays_trampoline_lowered:
0x8: {  	[smem:$0x3FA6] =	sst s0  }
0x9: {  	[smem:$0x3FA7] =	sst s1  }
0xa: {  	[smem:$0x3FA8] =	sst s2  }
0xb: {  	[smem:$0x3FA9] =	sst s3  }
0xc: {  	[smem:$0x3FAA] =	sst s4  }
0xd: {  	[smem:$0x3FAB] =	sst s5  }
0xe: {  	[smem:$0x3FAC] =	sst s6  }
0xf: {  	[smem:$0x3FAD] =	sst s7  }
0x10: {  	[smem:$0x3FAE] =	sst s8  }
0x11: {  	[smem:$0x3FAF] =	sst s9;
	s0 =	simm.s32 @!p0 $0x0  }
0x12: {  	s1 =	sld [smem:$0x3F95];
	s0 =	simm.s32 @p0 $0x1  }
0x13: {  	[smem:$0x3FB0] =	sst s0;
	s0 =	simm.s32 @!p1 $0x0  }
0x14: {  	s2 =	sld [smem:$0x3F94];
	s0 =	simm.s32 @p1 $0x1  }
0x15: {  	[smem:$0x3FB1] =	sst s0;
	s0 =	simm.s32 @!p2 $0x0  }
0x16: {  	s3 =	sld [smem:$0x3FDB];
	s0 =	simm.s32 @p2 $0x1  }
0x17: {  	s4 =	simm.s32 $0x1BF5;
	[smem:$0x3FB3] =	sst s0  }
0x18: {  	s0 =	sld [smem:$0x3F96];
	_ =	swait.ge [sflag:s4], $0x0  }
0x19: {  	s7 =	sld [smem:$0x3F97]  }
0x1a: {  	s8 =	sadd.s32 $0xFFFFE003, lr  }
0x1b: {  	s9 =	sadd.s32 $0xFFFFFEF7, lr;
	s5 =	simm.s32 $0xFFFFFFFF;
	p2 =	slt.u32 s8, $0xFFFFF086  }
0x1c: {  	p1 =	slt.u32 s9, $0xF7A;
	s5 =	simm.s32 @!p2 $0x0  }
0x1d: {  	s5 =	simm.s32 @p1 $0x1;
	p0 =	seq.s32 s7, s2  }
0x1e: {  	s7 =	smul.u32 @!p0 $0xF7A, s2;
	p2 =	seq.s32 @!p0 s5, $0x0  }
0x1f: {  	s9 =	smul.u32 $0xF7A, s1;
	s8 =	simm.s32 @!p0 $0x1BF5;
	p2 =	por !p2, p0  }
0x20: {  	[sflag:s8] =	ssyncset.s32 @!p0 $0xFFFFF086;
	s6 =	sadd.s32 @!p0 s3, s7;
	s7 =	simm.s32 @!p0 $0x108  }
0x21: {  	s3 =	sadd.s32 s3, s9;
	s6 =	sadd.s32 @!p0 $0x88, s6;
	s7 =	simm.s32 @p2 $0x1082  }
0x22: {  	[simem:s7], [sflag:s8] =	dma.local @!p0 [hbm:s6], $0xF7A  }
0x23: {  	s9 =	sor.u32 $0xD0000000, s2;
	s6 =	simm.s32 $0x108;
	_ =	swait.ge @!p0 [sflag:s8], $0x0  }
0x24: {  	s3 =	sadd.s32 $0x88, s3;
	s6 =	simm.s32 @!p1 $0x1082;
	[sflag:s4] =	ssyncset.s32 $0xFFFFF086  }
0x25: {  	[simem:s6], [sflag:s4] =	dma.local [hbm:s3], $0xF7A  }
0x26: {  	[smem:$0x3F97] =	sst s1;
	(tag) =	ssettag s2;
	_ =	strace s9  }
0x27: {  	s1 =	sld [smem:$0x3FA7]  }
0x28: {  	s2 =	sld [smem:$0x3FA8]  }
0x29: {  	s4 =	sld [smem:$0x3FAA]  }
0x2a: {  	p0 =	seq.s32 s5, $0x0;
	s5 =	sld [smem:$0x3FAB]  }
0x2b: {  	s6 =	sld [smem:$0x3FAC]  }
0x2c: {  	s7 =	sld [smem:$0x3FAD]  }
0x2d: {  	s3 =	simm.s32 $0x108;
	s8 =	sld [smem:$0x3FAE]  }
0x2e: {  	s3 =	simm.s32 @!p0 $0x1082;
	s9 =	sld [smem:$0x3FAF]  }
0x2f: {  	lr =	sadd.s32 s0, s3;
	s0 =	sld [smem:$0x3FA6]  }
0x30: {  	s3 =	sld [smem:$0x3FA9]  }
0x31: {  	[smem:$0x3FB2] =	sst s10  }
0x32: {  	s10 =	sld [smem:$0x3FB0];
	_ =	sdelay $0x3  }
0x33: {  	p0 =	seq.s32 s10, $0x1;
	s10 =	sld [smem:$0x3FB2];
	_ =	sdelay $0x3  }
0x34: {  	[smem:$0x3FB2] =	sst s10  }
0x35: {  	s10 =	sld [smem:$0x3FB1];
	_ =	sdelay $0x3  }
0x36: {  	p1 =	seq.s32 s10, $0x1;
	s10 =	sld [smem:$0x3FB2];
	_ =	sdelay $0x3  }
0x37: {  	[smem:$0x3FB2] =	sst s10  }
0x38: {  	s10 =	sld [smem:$0x3FB3]  }
0x39: {  	_ = 	snop;
	(pc) =	sbr.ind lr, $3  }
0x3a: {  	_ = 	snop  }
0x3b: {  	_ = 	snop  }
0x3c: {  	p2 =	seq.s32 s10, $0x1;
	s10 =	sld [smem:$0x3FB2]  }
0x3d: {  	_ =	shalt  }
0x3e: {  	_ =	shalt  }
0x3f: {  	_ =	shalt  }
0x40: {  	_ =	shalt  }
0x41: {  	_ =	shalt  }
0x42: {  	_ =	shalt  }
0x43: {  	_ =	shalt  }
0x44: {  	_ =	shalt  }
0x45: {  	_ =	shalt  }
0x46: {  	_ =	shalt  }
0x47: {  	_ =	shalt  }
0x48: {  	_ =	shalt  }
0x49: {  	_ =	shalt  }
0x4a: {  	_ =	shalt  }
0x4b: {  	_ =	shalt  }
0x4c: {  	_ =	shalt  }
0x4d: {  	_ =	shalt  }
0x4e: {  	_ =	shalt  }
0x4f: {  	_ =	shalt  }
0x50: {  	_ =	shalt  }
0x51: {  	_ =	shalt  }
0x52: {  	_ =	shalt  }
0x53: {  	_ =	shalt  }
0x54: {  	_ =	shalt  }
0x55: {  	_ =	shalt  }
0x56: {  	_ =	shalt  }
0x57: {  	_ =	shalt  }
0x58: {  	_ =	shalt  }
0x59: {  	_ =	shalt  }
0x5a: {  	_ =	shalt  }
0x5b: {  	_ =	shalt  }
0x5c: {  	_ =	shalt  }
0x5d: {  	_ =	shalt  }
0x5e: {  	_ =	shalt  }
0x5f: {  	_ =	shalt  }
0x60: {  	_ =	shalt  }
0x61: {  	_ =	shalt  }
0x62: {  	_ =	shalt  }
0x63: {  	_ =	shalt  }
0x64: {  	_ =	shalt  }
0x65: {  	_ =	shalt  }
0x66: {  	_ =	shalt  }
0x67: {  	_ =	shalt  }
0x68: {  	_ =	shalt  }
0x69: {  	_ =	shalt  }
0x6a: {  	_ =	shalt  }
0x6b: {  	_ =	shalt  }
0x6c: {  	_ =	shalt  }
0x6d: {  	_ =	shalt  }
0x6e: {  	_ =	shalt  }
0x6f: {  	_ =	shalt  }
0x70: {  	_ =	shalt  }
0x71: {  	_ =	shalt  }
0x72: {  	_ =	shalt  }
0x73: {  	_ =	shalt  }
0x74: {  	_ =	shalt  }
0x75: {  	_ =	shalt  }
0x76: {  	_ =	shalt  }
0x77: {  	_ =	shalt  }
0x78: {  	_ =	shalt  }
0x79: {  	_ =	shalt  }
0x7a: {  	_ =	shalt  }
0x7b: {  	_ =	shalt  }
0x7c: {  	_ =	shalt  }
0x7d: {  	_ =	shalt  }
0x7e: {  	_ =	shalt  }
0x7f: {  	_ =	shalt  }
0x80: {  	_ =	shalt  }
0x81: {  	_ =	shalt  }
0x82: {  	_ =	shalt  }
0x83: {  	_ =	shalt  }
0x84: {  	_ =	shalt  }
0x85: {  	_ =	shalt  }
0x86: {  	_ =	shalt  }
0x87: {  	_ =	shalt  }
.Lfunc_end0:
.L_simem_size_0:
called_computation.2_lowered:
.L_overlay_start_0:
0x88: {  	s2 =	sld [smem:$0x3FD9]  }
0x89: {  	s3 =	sld [smem:$0x3FFE];
	_ =	sdelay $0x1  }
0x8a: {  	s1 =	srdreg.scid  }
0x8b: {  	s0 =	sand.u32 $0x1, s1  }
0x8c: {  	s16 =	sshll.u32 s0, $0xA;
	s2 =	sadd.s32 s3, s2  }
0x8d: {  	s2 =	sadd.s32 s2, s16  }
0x8e: {  	[smem:$0x3FBE] =	sst s2  }
0x8f: {  	_ = 	snop  }
0x90: {  	(tm) =	ssettm $0x1  }
0x91: {  	s17 =	sld [smem:$0x3FFB];
	_ =	sdelay $0x3  }
0x92: {  	_ =	strace s17  }
0x93: {  	s2 =	sld [smem:$0x3FFC];
	_ =	sdelay $0x3  }
0x94: {  	_ =	strace s2  }
0x95: {  	s2 =	sld [smem:$0x3FFD];
	_ =	sdelay $0x3  }
0x96: {  	_ =	strace s2  }
0x97: {  	_ =	strace $0x8FFFFFFF  }
0x98: {  	s18 =	sld [smem:$0x3FDB];
	_ =	sdelay $0x1  }
0x99: {  	s19 =	simm.s32 $_scs_section_size  }
0x9a: {  	s4 =	simm.s32 $_size__tile_overlayer_lowered;
	s5 =	simm.s32 $_tile_overlayer_lowered  }
0x9b: {  	s22 =	simm.s32 $0x1BFF;
	s21 =	sshll.u32 s5, $0x1;
	s2 =	sadd.s32 s19, s18  }
0x9c: {  	s6 =	simm.s32 $0x0;
	s20 =	sshll.u32 s4, $0x1;
	s4 =	sadd.s32 s21, s2  }
0x9d: {  	[timem:s6], [sflag:s22] =	dma.local [hbm:s4], s20  }
0x9e: {  	_ =	swait.ge [sflag:s22], s20  }
0x9f: {  	s3 =	ssub.s32 $0x0, s20;
	[sflag:s22] =	ssyncset.done $0x0  }
0xa0: {  	[sflag:s22] =	ssyncadd.s32 s3;
	_ =	sdelay $0x1  }
0xa1: {  	s23 =	simm.s32 $0x1B8B  }
0xa2: {  	_ =	swait.ge [sflag:s23], $0x1  }
0xa3: {  	[sflag:s23] =	ssyncset.done $0x0  }
0xa4: {  	s25 =	simm.s32 $0x1B8E;
	s24 =	sld [smem:$0x3FFE];
	[sflag:s23] =	ssyncadd.s32 $0xFFFFFFFF  }
0xa5: {  	s26 =	simm.s32 $execute0_lowered;
	[smem:$0x3FD2] =	sst s25  }
0xa6: {  	s4 =	sshll.u32 s26, $0x1;
	_ =	strace $0x8000004C;
	[dreg:$0x1] =	wrdreg $0xFFFFFFFF  }
0xa7: {  	s28 =	simm.s32 $_size_execute0_lowered;
	s2 =	sadd.s32 s2, s4;
	[dreg:$0x0] =	wrdreg $0x0  }
0xa8: {  	s4 =	sshll.u32 s28, $0x1;
	[dreg:$0x2] =	wrdreg s2  }
0xa9: {  	[dreg:$0x3] =	wrdreg s4  }
0xaa: {  	[dreg:$0x4] =	wrdreg $0xC0  }
0xab: {  	_ =	task [dreg:s6], $0x5FFFF  }
0xac: {  	[dreg:$0x1] =	wrdreg $0xFFFFFFFF  }
0xad: {  	[dreg:$0x0] =	wrdreg $0x60  }
0xae: {  	[dreg:$0x2] =	wrdreg s24  }
0xaf: {  	[dreg:$0x3] =	wrdreg $0xD0000  }
0xb0: {  	[dreg:$0x4] =	wrdreg $0x9  }
0xb1: {  	_ =	task.clear_ibuf [dreg:s6], $0x5FFFF;
	_ =	strace $0x9000004C  }
0xb2: {  	s29 =	simm.s32 $0x9;
	_ =	strace $0x8000004E  }
0xb3: {  	_ =	swait.ge [sflag:s29], $0x1  }
0xb4: {  	[sflag:s29] =	ssyncadd.s32 $0xFFFFFFFF  }
0xb5: {  	_ =	strace $0x9000004E  }
0xb6: {  	_ =	sfence  }
0xb7: {  	s30 =	sld [smem:$0x0];
	_ =	sdelay $0x2  }
0xb8: {  	s31 =	sshll.u32 s1, $0xD;
	s1 =	sshrl.u32 s1, $0x2  }
0xb9: {  	s3 =	sand.u32 $0x4000, s31;
	s1 =	sadd.s32 s1, s30  }
0xba: {  	s0 =	sor.u32 s3, s0;
	s1 =	sshll.u32 s1, $0x11  }
0xbb: {  	s0 =	sor.u32 s1, s0  }
0xbc: {  	s0 =	sadd.s32 $0x8F2B, s0  }
0xbd: {  	[sflag:s0] =	ssyncadd.remote.s32 $0x1  }
0xbe: {  	_ =	sfence.sel $0xFFFF  }
0xbf: {  	[dreg:$0x0] =	wrdreg $0xFFFFFFFF;
	(pc) =	sbr.abs _section_cstart, $3  }
0xc0: {  	[dreg:$0x1] =	wrdreg $0xFFFFFFFF  }
0xc1: {  	_ =	task.clear_ibuf [dreg:s6], $0x2FFFF;
	_ =	strace $0x9FFFFFFF  }
0xc2: {  	(tm) =	ssettm $0x7FFFFFFF  }
0xc3: {  	_ =	shalt  }
tec
execute0_lowered:
.L_overlay_start_1:
0x0: {  	(tag) =	ssettag $0x1  }
0x1: {  	s0 =	srdreg.scid;
	s5 =	rddreg [dreg:$0x0]  }
0x2: {  	s11 =	stileid.u32;
	s2 =	rddreg [dreg:$0x1];
	s3 =	simm.s32 $0x0  }
0x3: {  	s14 =	simm.s32 $0x80;
	s15 =	simm.s32 $0x5000;
	s16 =	simm.s32 $0x7000  }
0x4: {  	s18 =	simm.s32 $0x9000;
	s20 =	simm.s32 $0xB000;
	s21 =	simm.s32 $0x1  }
0x5: {  	s22 =	simm.s32 $0x2;
	s23 =	simm.s32 $0x3;
	s24 =	simm.s32 $0x4  }
0x6: {  	s25 =	simm.s32 $0x5;
	s28 =	simm.s32 $0x7;
	s29 =	simm.s32 $0x8  }
0x7: {  	s31 =	simm.s32 $0x4E80;
	s0 =	sand.u32 $0x1, s0;
	s1 =	sshll.u32 s11, $0x1  }
0x8: {  	s7 =	smul.u32 $0xA000, s11;
	[smem:$0x7FF] =	sst s3;
	s4 =	sadd.s32 $0x66000, s5  }
0x9: {  	s30 =	sshll.u32 s11, $0x6;
	s11 =	simm.s32 $0x0;
	s1 =	sor.u32 s0, s1  }
0xa: {  	s6 =	smul.u32 $0xA0000, s0;
	_ =	strace $0x8000004D;
	s0 =	ssub.s32 $0x2, s0  }
0xb: {  	s12 =	sor.u32 $0x1C09, s30;
	s1 =	smul.u32 $0x500, s1;
	s8 =	sshrl.u32 s7, $0x3  }
0xc: {  	s9 =	sshrl.u32 s0, $0x1;
	s26 =	sadd.s32 s7, s2;
	s6 =	sadd.s32 s7, s6  }
0xd: {  	s8 =	sadd.s32 s8, s5;
	s0 =	ssub.s32 s0, s9;
	s13 =	sshrl.u32 s26, $0x3  }
0xe: {  	s26 =	simm.s32 $0x6;
	s1 =	sadd.s32 s1, s5;
	s6 =	sshrl.u32 s6, $0x3  }
0xf: {  	s7 =	sadd.s32 $0xDB800, s8;
	s9 =	smax.u32 s0, $0x1;
	s0 =	simm.s32 $0x4F80  }
0x10: {  	s10 =	sadd.s32 s6, s5;
	s5 =	sadd.s32 $0xDC00, s1;
	s6 =	sadd.s32 $0x3200, s1  }
0x11: {  	s1 =	simm.s32 $0x4F00;
	s8 =	sadd.s32 $0x79A00, s10;
	s10 =	simm.s32 $0x9  }
.LBB2_1:
0x12: {  	[tilespmem:s3], [sflag:$0x9] =	stream.linear.gather [hbm4b:s5+s3], $0x2800, $0x38;
	[tilespmem:$0x17000] =	vst v63  }
0x13: {  	_ =	swait.ge [sflag:s10], $0x2800  }
0x14: {  	[sflag:s10] =	ssyncset.done $0x0  }
0x15: {  	s17 =	simm.s32 $0x2800;
	[sflag:s10] =	ssyncadd.s32 $0xFFFFD800  }
0x16: {  	[tilespmem:s17], [sflag:$0x9] =	stream.linear.gather [hbm4b:s6+s3], $0x2800, $0x38;
	[tilespmem:$0x17000] =	vst v63  }
0x17: {  	_ =	swait.ge [sflag:s10], $0x2800  }
0x18: {  	[sflag:s10] =	ssyncset.done $0x0  }
0x19: {  	[sflag:s10] =	ssyncadd.s32 $0xFFFFD800  }
0x1a: {  	[spmem:s13], [sflag:s12] =	dma.local [hbm:s7], $0x1400  }
0x1b: {  	_ =	swait.ge [sflag:s10], $0x1400  }
0x1c: {  	[sflag:s10] =	ssyncset.done $0x0  }
0x1d: {  	[sflag:s10] =	ssyncadd.s32 $0xFFFFEC00  }
0x1e: {  	[bflag:$0x0] =	sbarrier.arrive $0xFFFF  }
0x1f: {  	[tilespmem:s15], [sflag:$0x1] =	stream.indirect.gather [hbm4b:s4+s14], $0x40, s3, s14, $0xb8;
	[tilespmem:$0x17000] =	vst v63  }
0x20: {  	_ = 	snop  }
0x21: {  	[tilespmem:s16], [sflag:$0x2] =	stream.indirect.gather [hbm4b:s4+s14], $0x40, s14, s14, $0xb8;
	[tilespmem:$0x17000] =	vst v63  }
0x22: {  	s30 =	simm.s32 $0x100  }
0x23: {  	[tilespmem:s18], [sflag:$0x3] =	stream.indirect.gather [hbm4b:s4+s14], $0x40, s30, s14, $0xb8;
	[tilespmem:$0x17000] =	vst v63  }
0x24: {  	s19 =	simm.s32 $0x180  }
0x25: {  	[tilespmem:s20], [sflag:$0x4] =	stream.indirect.gather [hbm4b:s4+s14], $0x40, s19, s14, $0xb8;
	[tilespmem:$0x17000] =	vst v63  }
0x26: {  	_ =	swait.ge [sflag:s21], $0x2000  }
0x27: {  	[sflag:s21] =	ssyncset.done $0x0  }
0x28: {  	s30 =	simm.s32 $0x2800;
	[sflag:s21] =	ssyncadd.s32 $0xFFFFE000  }
0x29: {  	[spmem:s2] =	stream.indirect.scatter.add.f32 [tilespmem:s15], [sflag:$0x5], $0x40, s30, s14, $0xb8;
	[tilespmem:$0x17000] =	vst v63  }
0x2a: {  	_ =	swait.ge [sflag:s22], $0x2000  }
0x2b: {  	[sflag:s22] =	ssyncset.done $0x0  }
0x2c: {  	s19 =	simm.s32 $0x2880;
	[sflag:s22] =	ssyncadd.s32 $0xFFFFE000  }
0x2d: {  	[spmem:s2] =	stream.indirect.scatter.add.f32 [tilespmem:s16], [sflag:$0x6], $0x40, s19, s14, $0xb8;
	[tilespmem:$0x17000] =	vst v63  }
0x2e: {  	_ =	swait.ge [sflag:s23], $0x2000  }
0x2f: {  	[sflag:s23] =	ssyncset.done $0x0  }
0x30: {  	s30 =	simm.s32 $0x2900;
	[sflag:s23] =	ssyncadd.s32 $0xFFFFE000  }
0x31: {  	[spmem:s2] =	stream.indirect.scatter.add.f32 [tilespmem:s18], [sflag:$0x7], $0x40, s30, s14, $0xb8;
	[tilespmem:$0x17000] =	vst v63  }
0x32: {  	_ =	swait.ge [sflag:s24], $0x2000  }
0x33: {  	[sflag:s24] =	ssyncset.done $0x0  }
0x34: {  	s19 =	simm.s32 $0x2980;
	[sflag:s24] =	ssyncadd.s32 $0xFFFFE000  }
0x35: {  	[spmem:s2] =	stream.indirect.scatter.add.f32 [tilespmem:s20], [sflag:$0x8], $0x40, s19, s14, $0xb8;
	[tilespmem:$0x17000] =	vst v63  }
0x36: {  	_ =	swait.ge [sflag:s25], $0x2000  }
0x37: {  	[sflag:s25] =	ssyncset.done $0x0  }
0x38: {  	s30 =	simm.s32 $0x200;
	[sflag:s25] =	ssyncadd.s32 $0xFFFFE000  }
0x39: {  	[tilespmem:s15], [sflag:$0x1] =	stream.indirect.gather [hbm4b:s4+s14], $0x40, s30, s14, $0xb8;
	[tilespmem:$0x17000] =	vst v63  }
0x3a: {  	_ =	swait.ge [sflag:s26], $0x2000  }
0x3b: {  	[sflag:s26] =	ssyncset.done $0x0  }
0x3c: {  	s19 =	simm.s32 $0x280;
	[sflag:s26] =	ssyncadd.s32 $0xFFFFE000  }
0x3d: {  	[tilespmem:s16], [sflag:$0x2] =	stream.indirect.gather [hbm4b:s4+s14], $0x40, s19, s14, $0xb8;
	[tilespmem:$0x17000] =	vst v63  }
0x3e: {  	_ =	swait.ge [sflag:s28], $0x2000  }
0x3f: {  	[sflag:s28] =	ssyncset.done $0x0  }
0x40: {  	s30 =	simm.s32 $0x300;
	[sflag:s28] =	ssyncadd.s32 $0xFFFFE000  }
0x41: {  	[tilespmem:s18], [sflag:$0x3] =	stream.indirect.gather [hbm4b:s4+s14], $0x40, s30, s14, $0xb8;
	[tilespmem:$0x17000] =	vst v63  }
0x42: {  	_ =	swait.ge [sflag:s29], $0x2000  }
0x43: {  	[sflag:s29] =	ssyncset.done $0x0  }
0x44: {  	s17 =	simm.s32 $0x800;
	s19 =	simm.s32 $0x380;
	[sflag:s29] =	ssyncadd.s32 $0xFFFFE000  }
.LBB2_2:
0x45: {  	[tilespmem:s20], [sflag:$0x4] =	stream.indirect.gather [hbm4b:s4+s14], $0x40, s19, s14, $0xb8;
	[tilespmem:$0x17000] =	vst v63  }
0x46: {  	s19 =	smov.u32 s17  }
0x47: {  	p0 =	sne.s32 s17, $0x9000;
	s17 =	sadd.s32 $0x800, s17;
	_ =	swait.ge [sflag:s21], $0x2000  }
0x48: {  	s19 =	sshra.s32 s19, $0x2;
	[sflag:s21] =	ssyncset.done $0x0  }
0x49: {  	s30 =	sadd.s32 $0x2800, s19;
	[sflag:s21] =	ssyncadd.s32 $0xFFFFE000  }
0x4a: {  	[spmem:s2] =	stream.indirect.scatter.add.f32 [tilespmem:s15], [sflag:$0x5], $0x40, s30, s14, $0xb8;
	[tilespmem:$0x17000] =	vst v63  }
0x4b: {  	_ =	swait.ge [sflag:s22], $0x2000  }
0x4c: {  	[sflag:s22] =	ssyncset.done $0x0  }
0x4d: {  	s30 =	sadd.s32 $0x2880, s19;
	[sflag:s22] =	ssyncadd.s32 $0xFFFFE000  }
0x4e: {  	[spmem:s2] =	stream.indirect.scatter.add.f32 [tilespmem:s16], [sflag:$0x6], $0x40, s30, s14, $0xb8;
	[tilespmem:$0x17000] =	vst v63  }
0x4f: {  	_ =	swait.ge [sflag:s23], $0x2000  }
0x50: {  	[sflag:s23] =	ssyncset.done $0x0  }
0x51: {  	s30 =	sadd.s32 $0x2900, s19;
	[sflag:s23] =	ssyncadd.s32 $0xFFFFE000  }
0x52: {  	[spmem:s2] =	stream.indirect.scatter.add.f32 [tilespmem:s18], [sflag:$0x7], $0x40, s30, s14, $0xb8;
	[tilespmem:$0x17000] =	vst v63  }
0x53: {  	_ =	swait.ge [sflag:s24], $0x2000  }
0x54: {  	[sflag:s24] =	ssyncset.done $0x0  }
0x55: {  	s30 =	sadd.s32 $0x2980, s19;
	[sflag:s24] =	ssyncadd.s32 $0xFFFFE000  }
0x56: {  	[spmem:s2] =	stream.indirect.scatter.add.f32 [tilespmem:s20], [sflag:$0x8], $0x40, s30, s14, $0xb8;
	[tilespmem:$0x17000] =	vst v63  }
0x57: {  	_ =	swait.ge [sflag:s25], $0x2000  }
0x58: {  	[sflag:s25] =	ssyncset.done $0x0  }
0x59: {  	s30 =	sadd.s32 $0x200, s19;
	[sflag:s25] =	ssyncadd.s32 $0xFFFFE000  }
0x5a: {  	[tilespmem:s15], [sflag:$0x1] =	stream.indirect.gather [hbm4b:s4+s14], $0x40, s30, s14, $0xb8;
	[tilespmem:$0x17000] =	vst v63  }
0x5b: {  	_ =	swait.ge [sflag:s26], $0x2000  }
0x5c: {  	[sflag:s26] =	ssyncset.done $0x0  }
0x5d: {  	s30 =	sadd.s32 $0x280, s19;
	[sflag:s26] =	ssyncadd.s32 $0xFFFFE000  }
0x5e: {  	[tilespmem:s16], [sflag:$0x2] =	stream.indirect.gather [hbm4b:s4+s14], $0x40, s30, s14, $0xb8;
	[tilespmem:$0x17000] =	vst v63  }
0x5f: {  	_ =	swait.ge [sflag:s28], $0x2000  }
0x60: {  	[sflag:s28] =	ssyncset.done $0x0  }
.Ltmp0:
0x61: {  	s30 =	sadd.s32 $0x300, s19;
	[sflag:s28] =	ssyncadd.s32 $0xFFFFE000;
	(pc) =	sbr.rel @p0 .LBB2_2-.Ltmp0, $4  }
0x62: {  	[tilespmem:s18], [sflag:$0x3] =	stream.indirect.gather [hbm4b:s4+s14], $0x40, s30, s14, $0xb8;
	[tilespmem:$0x17000] =	vst v63  }
0x63: {  	_ =	swait.ge [sflag:s29], $0x2000  }
0x64: {  	[sflag:s29] =	ssyncset.done $0x0  }
0x65: {  	s19 =	sadd.s32 $0x380, s19;
	[sflag:s29] =	ssyncadd.s32 $0xFFFFE000  }
0x66: {  	[tilespmem:s20], [sflag:$0x4] =	stream.indirect.gather [hbm4b:s4+s14], $0x40, s19, s14, $0xb8;
	[tilespmem:$0x17000] =	vst v63  }
0x67: {  	_ =	swait.ge [sflag:s21], $0x2000  }
0x68: {  	[sflag:s21] =	ssyncset.done $0x0  }
0x69: {  	s17 =	simm.s32 $0x4E00;
	[sflag:s21] =	ssyncadd.s32 $0xFFFFE000  }
0x6a: {  	[spmem:s2] =	stream.indirect.scatter.add.f32 [tilespmem:s15], [sflag:$0x5], $0x40, s17, s14, $0xb8;
	[tilespmem:$0x17000] =	vst v63  }
0x6b: {  	_ =	swait.ge [sflag:s22], $0x2000  }
0x6c: {  	[sflag:s22] =	ssyncset.done $0x0  }
0x6d: {  	[sflag:s22] =	ssyncadd.s32 $0xFFFFE000  }
0x6e: {  	[spmem:s2] =	stream.indirect.scatter.add.f32 [tilespmem:s16], [sflag:$0x6], $0x40, s31, s14, $0xb8;
	[tilespmem:$0x17000] =	vst v63  }
0x6f: {  	_ =	swait.ge [sflag:s23], $0x2000  }
0x70: {  	[sflag:s23] =	ssyncset.done $0x0  }
0x71: {  	[sflag:s23] =	ssyncadd.s32 $0xFFFFE000  }
0x72: {  	[spmem:s2] =	stream.indirect.scatter.add.f32 [tilespmem:s18], [sflag:$0x7], $0x40, s1, s14, $0xb8;
	[tilespmem:$0x17000] =	vst v63  }
0x73: {  	_ =	swait.ge [sflag:s24], $0x2000  }
0x74: {  	[sflag:s24] =	ssyncset.done $0x0  }
0x75: {  	[sflag:s24] =	ssyncadd.s32 $0xFFFFE000  }
0x76: {  	[spmem:s2] =	stream.indirect.scatter.add.f32 [tilespmem:s20], [sflag:$0x8], $0x40, s0, s14, $0xb8;
	[tilespmem:$0x17000] =	vst v63  }
0x77: {  	_ =	swait.ge [sflag:s25], $0x2000  }
0x78: {  	[sflag:s25] =	ssyncset.done $0x0  }
0x79: {  	[sflag:s25] =	ssyncadd.s32 $0xFFFFE000  }
0x7a: {  	_ =	swait.ge [sflag:s26], $0x2000  }
0x7b: {  	[sflag:s26] =	ssyncset.done $0x0  }
0x7c: {  	[sflag:s26] =	ssyncadd.s32 $0xFFFFE000  }
0x7d: {  	_ =	swait.ge [sflag:s28], $0x2000  }
0x7e: {  	[sflag:s28] =	ssyncset.done $0x0  }
0x7f: {  	[sflag:s28] =	ssyncadd.s32 $0xFFFFE000  }
0x80: {  	_ =	swait.ge [sflag:s29], $0x2000  }
0x81: {  	s11 =	sadd.s32 $0x1, s11;
	[sflag:s29] =	ssyncset.done $0x0  }
0x82: {  	p0 =	sne.s32 s11, s9;
	[sflag:s29] =	ssyncadd.s32 $0xFFFFE000  }
.Ltmp1:
0x83: {  	[bflag:$0x0] =	sbarrier.arrive $0xFFFF;
	(pc) =	sbr.rel @p0 .LBB2_1-.Ltmp1, $4  }
0x84: {  	[hbm:s8], [sflag:s12] =	dma.local [spmem:s13], $0x1400  }
0x85: {  	_ =	swait.ge [sflag:s10], $0x1400  }
0x86: {  	[sflag:s10] =	ssyncset.done $0x0  }
0x87: {  	[sflag:s10] =	ssyncadd.s32 $0xFFFFEC00  }
0x88: {  	_ =	sfence.sel $0x180000  }
0x89: {  	[bflag:$0x0] =	sbarrier.arrive $0xFFFF  }
0x8a: {  	_ =	strace $0x9000004D  }
0x8b: {  	s0 =	stileid.u32;
	[bflag:$0x2] =	sbarrier.arrive $0xFFFF  }
0x8c: {  	p0 =	sne.s32 s0, $0x0;
	s0 =	rddreg [dreg:$0x2]  }
0x8d: {  	s0 =	sadd.s32 @!p0 $0x100000, s0  }
0x8e: {  	[sflag:s0] =	ssyncadd.tile.s32 @!p0 $0x1;
	_ =	shalt  }
.Lfunc_end2:
_tile_overlayer_lowered:
.L_overlay_start_2:
0x8f: {  	(tag) =	ssettag $0x2  }
0x90: {  	s0 =	rddreg [dreg:$0x0];
	s2 =	stileid.u32  }
0x91: {  	s1 =	rddreg [dreg:$0x1];
	p0 =	sne.s32 s2, $0x0  }
0x92: {  	s3 =	rddreg [dreg:$0x2];
	[bflag:$0x3] =	sbarrier.arrive $0xFFFF;
	s2 =	simm.s32 @!p0 $0x1C09  }
0x93: {  	[timem:s3], [sflag:s2] =	dma.local @!p0 [hbm:s0], s1  }
0x94: {  	s0 =	simm.s32 @!p0 $0x9  }
0x95: {  	_ =	swait.ge @!p0 [sflag:s0], s1  }
0x96: {  	s1 =	ssub.s32 @!p0 $0x0, s1;
	[sflag:s0] =	ssyncset.done @!p0 $0x0  }
0x97: {  	[sflag:s0] =	ssyncadd.s32 @!p0 s1  }
0x98: {  	[bflag:$0x3] =	sbarrier.arrive $0xFFFF  }
0x99: {  	_ =	shalt  }

// kernel: kernel.8.cloned.1.call-start
scs
__scs_entry_jumppad:
0x0: {  	(pc) =	sbr.rel $0x88, $3  }
0x1: {  	(tag) =	ssettag $0x0;
	lr =	simm.s32 $0x1  }
0x2: {  	[smem:$0x3F97] =	sst lr;
	_ =	strace $0xD0000000  }
0x3: {  	_ = 	snop  }
0x4: {  	_ = 	snop  }
0x5: {  	_ = 	snop  }
0x6: {  	_ = 	snop  }
0x7: {  	_ = 	snop  }
__scs_overlays_trampoline_lowered:
0x8: {  	[smem:$0x3FA6] =	sst s0  }
0x9: {  	[smem:$0x3FA7] =	sst s1  }
0xa: {  	[smem:$0x3FA8] =	sst s2  }
0xb: {  	[smem:$0x3FA9] =	sst s3  }
0xc: {  	[smem:$0x3FAA] =	sst s4  }
0xd: {  	[smem:$0x3FAB] =	sst s5  }
0xe: {  	[smem:$0x3FAC] =	sst s6  }
0xf: {  	[smem:$0x3FAD] =	sst s7  }
0x10: {  	[smem:$0x3FAE] =	sst s8  }
0x11: {  	[smem:$0x3FAF] =	sst s9;
	s0 =	simm.s32 @!p0 $0x0  }
0x12: {  	s1 =	sld [smem:$0x3F95];
	s0 =	simm.s32 @p0 $0x1  }
0x13: {  	[smem:$0x3FB0] =	sst s0;
	s0 =	simm.s32 @!p1 $0x0  }
0x14: {  	s2 =	sld [smem:$0x3F94];
	s0 =	simm.s32 @p1 $0x1  }
0x15: {  	[smem:$0x3FB1] =	sst s0;
	s0 =	simm.s32 @!p2 $0x0  }
0x16: {  	s3 =	sld [smem:$0x3FDB];
	s0 =	simm.s32 @p2 $0x1  }
0x17: {  	s4 =	simm.s32 $0x1BF5;
	[smem:$0x3FB3] =	sst s0  }
0x18: {  	s0 =	sld [smem:$0x3F96];
	_ =	swait.ge [sflag:s4], $0x0  }
0x19: {  	s7 =	sld [smem:$0x3F97]  }
0x1a: {  	s8 =	sadd.s32 $0xFFFFE003, lr  }
0x1b: {  	s9 =	sadd.s32 $0xFFFFFEF7, lr;
	s5 =	simm.s32 $0xFFFFFFFF;
	p2 =	slt.u32 s8, $0xFFFFF086  }
0x1c: {  	p1 =	slt.u32 s9, $0xF7A;
	s5 =	simm.s32 @!p2 $0x0  }
0x1d: {  	s5 =	simm.s32 @p1 $0x1;
	p0 =	seq.s32 s7, s2  }
0x1e: {  	s7 =	smul.u32 @!p0 $0xF7A, s2;
	p2 =	seq.s32 @!p0 s5, $0x0  }
0x1f: {  	s9 =	smul.u32 $0xF7A, s1;
	s8 =	simm.s32 @!p0 $0x1BF5;
	p2 =	por !p2, p0  }
0x20: {  	[sflag:s8] =	ssyncset.s32 @!p0 $0xFFFFF086;
	s6 =	sadd.s32 @!p0 s3, s7;
	s7 =	simm.s32 @!p0 $0x108  }
0x21: {  	s3 =	sadd.s32 s3, s9;
	s6 =	sadd.s32 @!p0 $0x88, s6;
	s7 =	simm.s32 @p2 $0x1082  }
0x22: {  	[simem:s7], [sflag:s8] =	dma.local @!p0 [hbm:s6], $0xF7A  }
0x23: {  	s9 =	sor.u32 $0xD0000000, s2;
	s6 =	simm.s32 $0x108;
	_ =	swait.ge @!p0 [sflag:s8], $0x0  }
0x24: {  	s3 =	sadd.s32 $0x88, s3;
	s6 =	simm.s32 @!p1 $0x1082;
	[sflag:s4] =	ssyncset.s32 $0xFFFFF086  }
0x25: {  	[simem:s6], [sflag:s4] =	dma.local [hbm:s3], $0xF7A  }
0x26: {  	[smem:$0x3F97] =	sst s1;
	(tag) =	ssettag s2;
	_ =	strace s9  }
0x27: {  	s1 =	sld [smem:$0x3FA7]  }
0x28: {  	s2 =	sld [smem:$0x3FA8]  }
0x29: {  	s4 =	sld [smem:$0x3FAA]  }
0x2a: {  	p0 =	seq.s32 s5, $0x0;
	s5 =	sld [smem:$0x3FAB]  }
0x2b: {  	s6 =	sld [smem:$0x3FAC]  }
0x2c: {  	s7 =	sld [smem:$0x3FAD]  }
0x2d: {  	s3 =	simm.s32 $0x108;
	s8 =	sld [smem:$0x3FAE]  }
0x2e: {  	s3 =	simm.s32 @!p0 $0x1082;
	s9 =	sld [smem:$0x3FAF]  }
0x2f: {  	lr =	sadd.s32 s0, s3;
	s0 =	sld [smem:$0x3FA6]  }
0x30: {  	s3 =	sld [smem:$0x3FA9]  }
0x31: {  	[smem:$0x3FB2] =	sst s10  }
0x32: {  	s10 =	sld [smem:$0x3FB0];
	_ =	sdelay $0x3  }
0x33: {  	p0 =	seq.s32 s10, $0x1;
	s10 =	sld [smem:$0x3FB2];
	_ =	sdelay $0x3  }
0x34: {  	[smem:$0x3FB2] =	sst s10  }
0x35: {  	s10 =	sld [smem:$0x3FB1];
	_ =	sdelay $0x3  }
0x36: {  	p1 =	seq.s32 s10, $0x1;
	s10 =	sld [smem:$0x3FB2];
	_ =	sdelay $0x3  }
0x37: {  	[smem:$0x3FB2] =	sst s10  }
0x38: {  	s10 =	sld [smem:$0x3FB3]  }
0x39: {  	_ = 	snop;
	(pc) =	sbr.ind lr, $3  }
0x3a: {  	_ = 	snop  }
0x3b: {  	_ = 	snop  }
0x3c: {  	p2 =	seq.s32 s10, $0x1;
	s10 =	sld [smem:$0x3FB2]  }
0x3d: {  	_ =	shalt  }
0x3e: {  	_ =	shalt  }
0x3f: {  	_ =	shalt  }
0x40: {  	_ =	shalt  }
0x41: {  	_ =	shalt  }
0x42: {  	_ =	shalt  }
0x43: {  	_ =	shalt  }
0x44: {  	_ =	shalt  }
0x45: {  	_ =	shalt  }
0x46: {  	_ =	shalt  }
0x47: {  	_ =	shalt  }
0x48: {  	_ =	shalt  }
0x49: {  	_ =	shalt  }
0x4a: {  	_ =	shalt  }
0x4b: {  	_ =	shalt  }
0x4c: {  	_ =	shalt  }
0x4d: {  	_ =	shalt  }
0x4e: {  	_ =	shalt  }
0x4f: {  	_ =	shalt  }
0x50: {  	_ =	shalt  }
0x51: {  	_ =	shalt  }
0x52: {  	_ =	shalt  }
0x53: {  	_ =	shalt  }
0x54: {  	_ =	shalt  }
0x55: {  	_ =	shalt  }
0x56: {  	_ =	shalt  }
0x57: {  	_ =	shalt  }
0x58: {  	_ =	shalt  }
0x59: {  	_ =	shalt  }
0x5a: {  	_ =	shalt  }
0x5b: {  	_ =	shalt  }
0x5c: {  	_ =	shalt  }
0x5d: {  	_ =	shalt  }
0x5e: {  	_ =	shalt  }
0x5f: {  	_ =	shalt  }
0x60: {  	_ =	shalt  }
0x61: {  	_ =	shalt  }
0x62: {  	_ =	shalt  }
0x63: {  	_ =	shalt  }
0x64: {  	_ =	shalt  }
0x65: {  	_ =	shalt  }
0x66: {  	_ =	shalt  }
0x67: {  	_ =	shalt  }
0x68: {  	_ =	shalt  }
0x69: {  	_ =	shalt  }
0x6a: {  	_ =	shalt  }
0x6b: {  	_ =	shalt  }
0x6c: {  	_ =	shalt  }
0x6d: {  	_ =	shalt  }
0x6e: {  	_ =	shalt  }
0x6f: {  	_ =	shalt  }
0x70: {  	_ =	shalt  }
0x71: {  	_ =	shalt  }
0x72: {  	_ =	shalt  }
0x73: {  	_ =	shalt  }
0x74: {  	_ =	shalt  }
0x75: {  	_ =	shalt  }
0x76: {  	_ =	shalt  }
0x77: {  	_ =	shalt  }
0x78: {  	_ =	shalt  }
0x79: {  	_ =	shalt  }
0x7a: {  	_ =	shalt  }
0x7b: {  	_ =	shalt  }
0x7c: {  	_ =	shalt  }
0x7d: {  	_ =	shalt  }
0x7e: {  	_ =	shalt  }
0x7f: {  	_ =	shalt  }
0x80: {  	_ =	shalt  }
0x81: {  	_ =	shalt  }
0x82: {  	_ =	shalt  }
0x83: {  	_ =	shalt  }
0x84: {  	_ =	shalt  }
0x85: {  	_ =	shalt  }
0x86: {  	_ =	shalt  }
0x87: {  	_ =	shalt  }
.Lfunc_end0:
.L_simem_size_0:
called_computation_lowered:
.L_overlay_start_0:
0x88: {  	s2 =	sld [smem:$0x3FD9]  }
0x89: {  	s3 =	sld [smem:$0x3FFE];
	_ =	sdelay $0x1  }
0x8a: {  	s1 =	srdreg.scid  }
0x8b: {  	s0 =	sand.u32 $0x1, s1  }
0x8c: {  	s14 =	sshll.u32 s0, $0xA;
	s2 =	sadd.s32 s3, s2  }
0x8d: {  	s2 =	sadd.s32 s2, s14  }
0x8e: {  	[smem:$0x3FBE] =	sst s2  }
0x8f: {  	_ = 	snop  }
0x90: {  	s2 =	sld [smem:$0x3FD0];
	_ =	sdelay $0x2  }
0x91: {  	s15 =	simm.s32 $0xA;
	s4 =	simm.s32 $0x10  }
0x92: {  	[smem:s4], [sflag:s15] =	dma.local [hbm:s2], $0x1  }
0x93: {  	_ =	swait.eq [sflag:s15], $0x1  }
0x94: {  	[sflag:s15] =	ssyncset.done $0x0  }
0x95: {  	s16 =	sld [smem:$0x10];
	[sflag:s15] =	ssyncadd.s32 $0xFFFFFFFF  }
0x96: {  	s17 =	sld [smem:$0x11];
	(tm) =	ssettm $0x1  }
0x97: {  	s18 =	sld [smem:$0x3FFB];
	_ =	sdelay $0x3  }
0x98: {  	_ =	strace s18  }
0x99: {  	s4 =	sld [smem:$0x3FFC];
	_ =	sdelay $0x3  }
0x9a: {  	_ =	strace s4  }
0x9b: {  	s4 =	sld [smem:$0x3FFD];
	_ =	sdelay $0x3  }
0x9c: {  	_ =	strace s4  }
0x9d: {  	_ =	strace $0x8FFFFFFF  }
0x9e: {  	s19 =	sld [smem:$0x3FDB];
	_ =	sdelay $0x1  }
0x9f: {  	s5 =	simm.s32 $_scs_section_size  }
0xa0: {  	s6 =	simm.s32 $_size__tile_overlayer_lowered;
	s7 =	simm.s32 $_tile_overlayer_lowered  }
0xa1: {  	s22 =	simm.s32 $0x1BFF;
	s21 =	sshll.u32 s7, $0x1;
	s4 =	sadd.s32 s5, s19  }
0xa2: {  	s8 =	simm.s32 $0x0;
	s20 =	sshll.u32 s6, $0x1;
	s6 =	sadd.s32 s21, s4  }
0xa3: {  	[timem:s8], [sflag:s22] =	dma.local [hbm:s6], s20  }
0xa4: {  	_ =	swait.ge [sflag:s22], s20  }
0xa5: {  	s5 =	ssub.s32 $0x0, s20;
	[sflag:s22] =	ssyncset.done $0x0  }
0xa6: {  	[sflag:s22] =	ssyncadd.s32 s5;
	_ =	sdelay $0x1  }
0xa7: {  	s23 =	simm.s32 $0x1B8B  }
0xa8: {  	_ =	swait.ge [sflag:s23], $0x1  }
0xa9: {  	[sflag:s23] =	ssyncset.done $0x0  }
0xaa: {  	s25 =	simm.s32 $0x1B8E;
	s24 =	sld [smem:$0x3FFE];
	[sflag:s23] =	ssyncadd.s32 $0xFFFFFFFF  }
0xab: {  	s26 =	simm.s32 $execute0_lowered;
	[smem:$0x3FD2] =	sst s25  }
0xac: {  	s6 =	sshll.u32 s26, $0x1;
	_ =	strace $0x80000046;
	[dreg:$0x1] =	wrdreg $0xFFFFFFFF  }
0xad: {  	s28 =	simm.s32 $_size_execute0_lowered;
	s4 =	sadd.s32 s4, s6;
	[dreg:$0x0] =	wrdreg $0x0  }
0xae: {  	s6 =	sshll.u32 s28, $0x1;
	[dreg:$0x2] =	wrdreg s4  }
0xaf: {  	[dreg:$0x3] =	wrdreg s6  }
0xb0: {  	[dreg:$0x4] =	wrdreg $0xC0  }
0xb1: {  	_ =	task [dreg:s8], $0x5FFFF  }
0xb2: {  	[dreg:$0x1] =	wrdreg $0xFFFFFFFF  }
0xb3: {  	[dreg:$0x0] =	wrdreg $0x60  }
0xb4: {  	[dreg:$0x2] =	wrdreg s24  }
0xb5: {  	[dreg:$0x3] =	wrdreg s17  }
0xb6: {  	[dreg:$0x4] =	wrdreg s16  }
0xb7: {  	[dreg:$0x5] =	wrdreg $0x28800  }
0xb8: {  	[dreg:$0x6] =	wrdreg $0x9  }
0xb9: {  	_ =	task.clear_ibuf [dreg:s8], $0x7FFFF;
	_ =	strace $0x90000046  }
0xba: {  	s29 =	simm.s32 $0x9;
	_ =	strace $0x80000048  }
0xbb: {  	_ =	swait.ge [sflag:s29], $0x1  }
0xbc: {  	[sflag:s29] =	ssyncadd.s32 $0xFFFFFFFF  }
0xbd: {  	_ =	strace $0x90000048  }
0xbe: {  	_ =	sfence  }
0xbf: {  	s30 =	sld [smem:$0x0];
	_ =	sdelay $0x2  }
0xc0: {  	s31 =	sshll.u32 s1, $0xD;
	s1 =	sshrl.u32 s1, $0x2  }
0xc1: {  	s3 =	sand.u32 $0x4000, s31;
	s1 =	sadd.s32 s1, s30  }
0xc2: {  	s0 =	sor.u32 s3, s0;
	s1 =	sshll.u32 s1, $0x11  }
0xc3: {  	s0 =	sor.u32 s1, s0  }
0xc4: {  	s0 =	sadd.s32 $0x8F2B, s0  }
0xc5: {  	[sflag:s0] =	ssyncadd.remote.s32 $0x1  }
0xc6: {  	_ =	sfence.sel $0xFFFF  }
0xc7: {  	[dreg:$0x0] =	wrdreg $0xFFFFFFFF;
	(pc) =	sbr.abs _section_cstart, $3  }
0xc8: {  	[dreg:$0x1] =	wrdreg $0xFFFFFFFF  }
0xc9: {  	_ =	task.clear_ibuf [dreg:s8], $0x2FFFF;
	_ =	strace $0x9FFFFFFF  }
0xca: {  	(tm) =	ssettm $0x7FFFFFFF  }
0xcb: {  	_ =	shalt  }
tec
execute0_lowered:
.L_overlay_start_1:
0x0: {  	(tag) =	ssettag $0x1  }
0x1: {  	s5 =	rddreg [dreg:$0x0]  }
0x2: {  	s1 =	rddreg [dreg:$0x1]  }
0x3: {  	s6 =	rddreg [dreg:$0x2]  }
0x4: {  	s3 =	rddreg [dreg:$0x3]  }
0x5: {  	s0 =	rddreg [dreg:$0x4];
	s4 =	srdreg.scid  }
0x6: {  	s2 =	stileid.u32;
	s13 =	simm.s32 $0x80;
	s14 =	simm.s32 $0x0  }
0x7: {  	s7 =	sand.u32 $0x1, s4;
	s8 =	sshll.u32 s2, $0x1;
	s9 =	smul.u32 $0x280, s2  }
0x8: {  	s4 =	simm.s32 $0x0;
	s31 =	sshll.u32 s2, $0x6;
	s8 =	sor.u32 s7, s8  }
0x9: {  	s10 =	smul.u32 $0x2800, s7;
	[smem:$0x7FF] =	sst s4;
	s7 =	ssub.s32 $0x2, s7  }
0xa: {  	s8 =	smul.u32 $0x500, s8;
	_ =	strace $0x80000047;
	s11 =	sshrl.u32 s7, $0x1  }
0xb: {  	s30 =	sshrl.u32 s9, $0x3;
	s12 =	sadd.s32 s9, s3;
	s10 =	sadd.s32 s9, s10  }
0xc: {  	s11 =	ssub.s32 s7, s11;
	s8 =	sadd.s32 s8, s5;
	s10 =	sshrl.u32 s10, $0x3  }
0xd: {  	s9 =	smax.u32 s11, $0x1;
	s11 =	simm.s32 $0x1;
	s10 =	sadd.s32 s10, s5  }
0xe: {  	s5 =	sadd.s32 s6, s30;
	s6 =	sor.u32 $0x1C01, s31;
	s7 =	sadd.s32 $0x3200, s8  }
0xf: {  	s8 =	sadd.s32 $0xD200, s10;
	s10 =	sshrl.u32 s12, $0x3;
	s12 =	simm.s32 $0x2800  }
.LBB2_1:
0x10: {  	[spmem:s10], [sflag:s6] =	dma.local [hbm:s5], $0x50  }
0x11: {  	_ =	swait.ge [sflag:s11], $0x50  }
0x12: {  	[sflag:s11] =	ssyncset.done $0x0  }
0x13: {  	[sflag:s11] =	ssyncadd.s32 $0xFFFFFFB0  }
0x14: {  	[tilespmem:s12], [sflag:$0x1] =	stream.linear.gather [hbm4b:s1+s4], $0x80, $0x38;
	[tilespmem:$0x2B00] =	vst v63  }
0x15: {  	_ =	swait.ge [sflag:s11], $0x80  }
0x16: {  	[sflag:s11] =	ssyncset.done $0x0  }
0x17: {  	[sflag:s11] =	ssyncadd.s32 $0xFFFFFF80  }
0x18: {  	[tilespmem:s4], [sflag:$0x1] =	stream.linear.gather [hbm4b:s7+s4], $0x2800, $0x38;
	[tilespmem:$0x2B00] =	vst v63  }
0x19: {  	_ =	swait.ge [sflag:s11], $0x2800  }
0x1a: {  	[sflag:s11] =	ssyncset.done $0x0  }
0x1b: {  	[sflag:s11] =	ssyncadd.s32 $0xFFFFD800  }
0x1c: {  	s15 =	simm.s32 $0x0;
	[bflag:$0x0] =	sbarrier.arrive $0xFFFF  }
0x1d: {  	[spmem:s3] =	stream.indirect.scatter.add.f32 [tilespmem:s12], [sflag:$0x1], $0x1, s15, s13, $0xb8;
	[tilespmem:$0x2B00] =	vst v63  }
0x1e: {  	_ =	swait.ge [sflag:s11], $0x80  }
0x1f: {  	s15 =	simm.s32 $0x200;
	[sflag:s11] =	ssyncset.done $0x0  }
.LBB2_2:
0x20: {  	s16 =	sshra.s32 s15, $0x2;
	[sflag:s11] =	ssyncadd.s32 $0xFFFFFF80;
	p0 =	sne.s32 s15, $0x9E00  }
0x21: {  	[spmem:s3] =	stream.indirect.scatter.add.f32 [tilespmem:s12], [sflag:$0x1], $0x1, s16, s13, $0xb8;
	[tilespmem:$0x2B00] =	vst v63  }
.Ltmp0:
0x22: {  	_ = 	snop;
	(pc) =	sbr.rel @p0 .LBB2_2-.Ltmp0, $4  }
0x23: {  	_ = 	snop  }
0x24: {  	s15 =	sadd.s32 $0x200, s15  }
0x25: {  	_ =	swait.ge [sflag:s11], $0x80  }
0x26: {  	[sflag:s11] =	ssyncset.done $0x0  }
0x27: {  	s14 =	sadd.s32 $0x1, s14  }
0x28: {  	[sflag:s11] =	ssyncadd.s32 $0xFFFFFF80;
	p0 =	sne.s32 s14, s9  }
.Ltmp1:
0x29: {  	[bflag:$0x0] =	sbarrier.arrive $0xFFFF;
	(pc) =	sbr.rel @p0 .LBB2_1-.Ltmp1, $4  }
0x2a: {  	[hbm:s8], [sflag:s6] =	dma.local [spmem:s10], $0x50  }
0x2b: {  	_ =	swait.ge [sflag:s11], $0x50  }
0x2c: {  	[sflag:s11] =	ssyncset.done $0x0  }
0x2d: {  	[sflag:s11] =	ssyncadd.s32 $0xFFFFFFB0  }
0x2e: {  	_ =	sfence.sel $0x180000  }
0x2f: {  	[bflag:$0x0] =	sbarrier.arrive $0xFFFF  }
0x30: {  	p0 =	sne.s32 s2, $0x0;
	_ =	strace $0x90000047  }
0x31: {  	s0 =	sadd.s32 @!p0 $0x100000, s0;
	[bflag:$0x2] =	sbarrier.arrive $0xFFFF  }
0x32: {  	[sflag:s0] =	ssyncadd.tile.s32 @!p0 $0x1;
	_ =	shalt  }
.Lfunc_end2:
_tile_overlayer_lowered:
.L_overlay_start_2:
0x33: {  	(tag) =	ssettag $0x2  }
0x34: {  	s0 =	rddreg [dreg:$0x0];
	s2 =	stileid.u32  }
0x35: {  	s1 =	rddreg [dreg:$0x1];
	p0 =	sne.s32 s2, $0x0  }
0x36: {  	s3 =	rddreg [dreg:$0x2];
	[bflag:$0x3] =	sbarrier.arrive $0xFFFF;
	s2 =	simm.s32 @!p0 $0x1C01  }
0x37: {  	[timem:s3], [sflag:s2] =	dma.local @!p0 [hbm:s0], s1  }
0x38: {  	s0 =	simm.s32 @!p0 $0x1  }
0x39: {  	_ =	swait.ge @!p0 [sflag:s0], s1  }
0x3a: {  	s1 =	ssub.s32 @!p0 $0x0, s1;
	[sflag:s0] =	ssyncset.done @!p0 $0x0  }
0x3b: {  	[sflag:s0] =	ssyncadd.s32 @!p0 s1  }
0x3c: {  	[bflag:$0x3] =	sbarrier.arrive $0xFFFF  }
0x3d: {  	_ =	shalt  }

</sc_bundles>
